<compile_context>
chip_gen: v7x
topology: tpu7x:2x2x1
jax: 0.10.2.dev20260603
libtpu: 0.0.44.dev20260713+nightly
codegen_flags: <defaults>
</compile_context>

<pallas_src>
import functools

import jax
import jax.numpy as jnp
from jax import lax
from jax.experimental import pallas as pl
from jax.experimental.pallas import tpu as pltpu
from jax.experimental.pallas import tpu_sc as plsc

NW = 32
CHUNK = 128
LANES = 16
NBR = 5


def _emb_kernel(ids_hbm, tok_hbm, pos_hbm, out_hbm, idx_v, rows_v, pos_v,
                gsem, psem, osem):
    batch, seq = ids_hbm.shape
    pos_per_w = seq // NW
    n_pos_chunks = pos_per_w // CHUNK
    n_units = n_pos_chunks * batch

    sid = lax.axis_index("s")
    wid = sid * 2 + lax.axis_index("c")
    col0 = wid * pos_per_w

    pos_load = [
        pltpu.async_copy(pos_hbm.at[pl.ds(col0 + c * CHUNK, CHUNK)],
                         pos_v.at[pl.ds(c * CHUNK, CHUNK)], psem)
        for c in range(n_pos_chunks)
    ]
    pos_ready = [False] * n_pos_chunks
    pltpu.sync_copy(ids_hbm.at[:, pl.ds(col0, pos_per_w)], idx_v)

    units = [(c, b) for c in range(n_pos_chunks) for b in range(batch)]
    g = [None] * n_units
    o = [None] * n_units

    def fill_and_fire(u):
        c, b = units[u]
        if not pos_ready[c]:
            pos_load[c].wait()
            pos_ready[c] = True
        rv = rows_v.at[u % NBR]

        @plsc.parallel_loop(0, CHUNK, step=1, unroll=2)
        def fill_body(i):
            for j in range(0, 128, LANES):
                sl = pl.ds(j, LANES)
                rv[i, sl] = pos_v[c * CHUNK + i, sl]

        idx = idx_v.at[b, pl.ds(c * CHUNK, CHUNK)]
        g[u] = pltpu.async_copy(tok_hbm.at[idx], rv, gsem, add=True)

    for u in range(min(NBR - 1, n_units)):
        fill_and_fire(u)

    for u in range(n_units):
        if u + NBR - 1 < n_units:
            if u >= 1:
                o[u - 1].wait()
            fill_and_fire(u + NBR - 1)
        g[u].wait()
        c, b = units[u]
        o[u] = pltpu.async_copy(
            rows_v.at[u % NBR], out_hbm.at[b, pl.ds(col0 + c * CHUNK, CHUNK)],
            osem)

    for u in range(max(0, n_units - NBR), n_units):
        o[u].wait()


@functools.partial(jax.jit, static_argnums=())
def kernel(token_ids, tok_table, pos_table):
    b, s = token_ids.shape
    d = tok_table.shape[1]
    assert s % (NW * CHUNK) == 0 and d == 128

    ids = token_ids.astype(jnp.int32)
    pos_per_w = s // NW

    mesh = plsc.VectorSubcoreMesh(core_axis_name="c", subcore_axis_name="s")
    run = pl.kernel(
        _emb_kernel,
        out_type=jax.ShapeDtypeStruct((b, s, d), jnp.float32),
        mesh=mesh,
        scratch_types=[
            pltpu.VMEM((b, pos_per_w), jnp.int32),
            pltpu.VMEM((NBR, CHUNK, 128), jnp.float32),
            pltpu.VMEM((pos_per_w, 128), jnp.float32),
            pltpu.SemaphoreType.DMA,
            pltpu.SemaphoreType.DMA,
            pltpu.SemaphoreType.DMA,
        ],
    )
    return run(ids, tok_table, pos_table)

# --- scband reference (transcript-rebuilt; emitter-appended) ---
"""Pipeline reference for scband-gptinput-embedding-2800318677216 (READ-ONLY COPY).

The authoritative reference and input builder live on the scoring server;
editing this copy changes nothing except your own understanding.
"""

import jax, jax.numpy as jnp
import numpy as np

VOCAB = 100000
EMBED = 128
MAXLEN = 8192
BATCH = 4
SEQ = 8192

def setup_inputs(seed: int = 0) -> dict:
    key = jax.random.key(seed)
    k1, k2, k3 = jax.random.split(key, 3)
    token_ids = jax.random.randint(k1, (BATCH, SEQ), 0, VOCAB, dtype=jnp.int64 if jax.config.jax_enable_x64 else jnp.int32)
    tok_table = jax.random.normal(k2, (VOCAB, EMBED), dtype=jnp.float32) * 0.02
    pos_table = jax.random.normal(k3, (MAXLEN, EMBED), dtype=jnp.float32) * 0.02
    return {"token_ids": token_ids, "tok_table": tok_table, "pos_table": pos_table}

def reference(token_ids, tok_table, pos_table):
    seq_len = token_ids.shape[-1]
    tok_emb = jnp.take(tok_table, token_ids, axis=0)
    pos_emb = jnp.take(pos_table, jnp.arange(seq_len), axis=0)
    return tok_emb + pos_emb

if __name__ == "__main__":
    import jax
    _d = setup_inputs()
    print(jax.jit(kernel)(*tuple(_d.values())))

</pallas_src>

<mosaic_0001>
#map = affine_map<(d0, d1) -> (0, 0)>
#map1 = affine_map<(d0, d1) -> (0, 0, 0)>
module attributes {stable_mosaic.version = 14 : i64} {
  func.func @_emb_kernel(%arg0: i32, %arg1: i32, %arg2: memref<4x8192xi32, #tpu.memory_space<hbm>>, %arg3: memref<100000x128xf32, #tpu.memory_space<hbm>>, %arg4: memref<8192x128xf32, #tpu.memory_space<hbm>>, %arg5: memref<4x8192x128xf32, #tpu.memory_space<hbm>>, %arg6: memref<4x256xi32, #tpu.memory_space<vmem>>, %arg7: memref<5x128x128xf32, #tpu.memory_space<vmem>>, %arg8: memref<256x128xf32, #tpu.memory_space<vmem>>, %arg9: memref<!tpu.dma_semaphore, #tpu.memory_space<semaphore_mem>>, %arg10: memref<!tpu.dma_semaphore, #tpu.memory_space<semaphore_mem>>, %arg11: memref<!tpu.dma_semaphore, #tpu.memory_space<semaphore_mem>>) attributes {dimension_semantics = [#tpu.dimension_semantics<core_parallel>, #tpu.dimension_semantics<subcore_parallel>], iteration_bounds = array<i64: 2, 16>, scalar_prefetch = 0 : i64, scratch_operands = 6 : i64, tpu.core_type = #tpu.core_type<sc_vector_subcore>, window_params = [{transform_indices = #map}, {transform_indices = #map}, {transform_indices = #map}, {transform_indices = #map1}]} {
    %mul3A = arith.constant 2 : i32
    %mul3A_0 = arith.muli %arg1, %mul3A : i32
    %add3A = arith.addi %mul3A_0, %arg0 : i32
    %mul3A_1 = arith.constant 256 : i32
    %mul3A_2 = arith.muli %add3A, %mul3A_1 : i32
    %add3A_3 = arith.constant 0 : i32
    %add3A_4 = arith.addi %mul3A_2, %add3A_3 : i32
    %dma_start3A = arith.constant 0 : i32
    %dma_start3A_5 = arith.constant 0 : i32
    %dma_start3A_6 = tpu.memref_slice %arg8[%dma_start3A, %dma_start3A_5] : memref<256x128xf32, #tpu.memory_space<vmem>> -> memref<128x128xf32, #tpu.memory_space<vmem>>
    %dma_start3A_7 = arith.constant 0 : i32
    %dma_start3A_8 = tpu.memref_slice %arg4[%add3A_4, %dma_start3A_7] : memref<8192x128xf32, #tpu.memory_space<hbm>> -> memref<128x128xf32, #tpu.memory_space<hbm>>
    %dma_start3A_9 = arith.constant 0 : i32
    %dma_start3A_10 = arith.constant 0 : i32
    %dma_start3A_11 = tpu.memref_slice %arg8[%dma_start3A_9, %dma_start3A_10] : memref<256x128xf32, #tpu.memory_space<vmem>> -> memref<128x128xf32, #tpu.memory_space<vmem>>
    %dma_start3A_12 = arith.constant 0 : i32
    %dma_start3A_13 = tpu.memref_slice %arg4[%add3A_4, %dma_start3A_12] : memref<8192x128xf32, #tpu.memory_space<hbm>> -> memref<128x128xf32, #tpu.memory_space<hbm>>
    tpu.enqueue_dma source(%dma_start3A_13 : memref<128x128xf32, #tpu.memory_space<hbm>>) target(%dma_start3A_11 : memref<128x128xf32, #tpu.memory_space<vmem>>) target_semaphore(%arg10 : memref<!tpu.dma_semaphore, #tpu.memory_space<semaphore_mem>>)
    %add3A_14 = arith.constant 128 : i32
    %add3A_15 = arith.addi %mul3A_2, %add3A_14 : i32
    %dma_start3A_16 = arith.constant 128 : i32
    %dma_start3A_17 = arith.constant 0 : i32
    %dma_start3A_18 = tpu.memref_slice %arg8[%dma_start3A_16, %dma_start3A_17] : memref<256x128xf32, #tpu.memory_space<vmem>> -> memref<128x128xf32, #tpu.memory_space<vmem>>
    %dma_start3A_19 = arith.constant 0 : i32
    %dma_start3A_20 = tpu.memref_slice %arg4[%add3A_15, %dma_start3A_19] : memref<8192x128xf32, #tpu.memory_space<hbm>> -> memref<128x128xf32, #tpu.memory_space<hbm>>
    %dma_start3A_21 = arith.constant 128 : i32
    %dma_start3A_22 = arith.constant 0 : i32
    %dma_start3A_23 = tpu.memref_slice %arg8[%dma_start3A_21, %dma_start3A_22] : memref<256x128xf32, #tpu.memory_space<vmem>> -> memref<128x128xf32, #tpu.memory_space<vmem>>
    %dma_start3A_24 = arith.constant 0 : i32
    %dma_start3A_25 = tpu.memref_slice %arg4[%add3A_15, %dma_start3A_24] : memref<8192x128xf32, #tpu.memory_space<hbm>> -> memref<128x128xf32, #tpu.memory_space<hbm>>
    tpu.enqueue_dma source(%dma_start3A_25 : memref<128x128xf32, #tpu.memory_space<hbm>>) target(%dma_start3A_23 : memref<128x128xf32, #tpu.memory_space<vmem>>) target_semaphore(%arg10 : memref<!tpu.dma_semaphore, #tpu.memory_space<semaphore_mem>>)
    "tpu.region"() ({
      %run_scoped3A = tpu.sem_alloc : memref<!tpu.dma_semaphore, #tpu.memory_space<semaphore_mem>>
      %dma_start3A_540 = arith.constant 0 : i32
      %dma_start3A_541 = tpu.memref_slice %arg2[%dma_start3A_540, %mul3A_2] : memref<4x8192xi32, #tpu.memory_space<hbm>> -> memref<4x256xi32, #tpu.memory_space<hbm>>
      %dma_start3A_542 = arith.constant 0 : i32
      %dma_start3A_543 = tpu.memref_slice %arg2[%dma_start3A_542, %mul3A_2] : memref<4x8192xi32, #tpu.memory_space<hbm>> -> memref<4x256xi32, #tpu.memory_space<hbm>>
      tpu.enqueue_dma source(%dma_start3A_543 : memref<4x256xi32, #tpu.memory_space<hbm>>) target(%arg6 : memref<4x256xi32, #tpu.memory_space<vmem>>) target_semaphore(%run_scoped3A : memref<!tpu.dma_semaphore, #tpu.memory_space<semaphore_mem>>)
      %dma_wait3A_544 = arith.constant 0 : i32
      %dma_wait3A_545 = tpu.memref_slice %arg2[%dma_wait3A_544, %mul3A_2] : memref<4x8192xi32, #tpu.memory_space<hbm>> -> memref<4x256xi32, #tpu.memory_space<hbm>>
      %dma_wait3A_546 = arith.constant 0 : i32
      %dma_wait3A_547 = tpu.memref_slice %arg2[%dma_wait3A_546, %mul3A_2] : memref<4x8192xi32, #tpu.memory_space<hbm>> -> memref<4x256xi32, #tpu.memory_space<hbm>>
      tpu.wait_dma2 semaphore(%run_scoped3A : memref<!tpu.dma_semaphore, #tpu.memory_space<semaphore_mem>>) src(%dma_wait3A_547 : memref<4x256xi32, #tpu.memory_space<hbm>>) dst(%arg6 : memref<4x256xi32, #tpu.memory_space<vmem>>)
      tpu.yield
    }) : () -> ()
    %dma_wait3A = arith.constant 0 : i32
    %dma_wait3A_26 = arith.constant 0 : i32
    %dma_wait3A_27 = tpu.memref_slice %arg8[%dma_wait3A, %dma_wait3A_26] : memref<256x128xf32, #tpu.memory_space<vmem>> -> memref<128x128xf32, #tpu.memory_space<vmem>>
    %dma_wait3A_28 = arith.constant 0 : i32
    %dma_wait3A_29 = tpu.memref_slice %arg4[%add3A_4, %dma_wait3A_28] : memref<8192x128xf32, #tpu.memory_space<hbm>> -> memref<128x128xf32, #tpu.memory_space<hbm>>
    %dma_wait3A_30 = arith.constant 0 : i32
    %dma_wait3A_31 = arith.constant 0 : i32
    %dma_wait3A_32 = tpu.memref_slice %arg8[%dma_wait3A_30, %dma_wait3A_31] : memref<256x128xf32, #tpu.memory_space<vmem>> -> memref<128x128xf32, #tpu.memory_space<vmem>>
    %dma_wait3A_33 = arith.constant 0 : i32
    %dma_wait3A_34 = tpu.memref_slice %arg4[%add3A_4, %dma_wait3A_33] : memref<8192x128xf32, #tpu.memory_space<hbm>> -> memref<128x128xf32, #tpu.memory_space<hbm>>
    tpu.wait_dma2 semaphore(%arg10 : memref<!tpu.dma_semaphore, #tpu.memory_space<semaphore_mem>>) src(%dma_wait3A_34 : memref<128x128xf32, #tpu.memory_space<hbm>>) dst(%dma_wait3A_32 : memref<128x128xf32, #tpu.memory_space<vmem>>)
    %parallel_loop3A = arith.constant 0 : i32
    %parallel_loop3A_35 = arith.constant 128 : i32
    %parallel_loop3A_36 = arith.constant 1 : i32
    %parallel_loop3A_37 = arith.constant 0 : i32
    scf.for %parallel_loop3A_540 = %parallel_loop3A to %parallel_loop3A_35 step %parallel_loop3A_36  : i32 {
      %parallel_loop3A_541 = arith.constant 0 : i32
      %parallel_loop3A_542 = arith.addi %parallel_loop3A_541, %parallel_loop3A_540 : i32
      %parallel_loop3A_543 = arith.index_cast %parallel_loop3A_542 : i32 to index
      %parallel_loop3A_544 = arith.constant 0 : index
      %parallel_loop3A_545 = tpu.vector_load %arg8[%parallel_loop3A_543, %parallel_loop3A_544] {strides = array<i32>} : memref<256x128xf32, #tpu.memory_space<vmem>>, vector<1x16xf32>,
      %parallel_loop3A_546 = vector.shape_cast %parallel_loop3A_545 : vector<1x16xf32> to vector<16xf32>
      %parallel_loop3A_547 = arith.constant 0 : i32
      %parallel_loop3A_548 = arith.constant 0 : i32
      %parallel_loop3A_549 = tpu.memref_slice %arg7[%parallel_loop3A_37, %parallel_loop3A_547, %parallel_loop3A_548] : memref<5x128x128xf32, #tpu.memory_space<vmem>> -> memref<1x128x128xf32, #tpu.memory_space<vmem>>
      %parallel_loop3A_550 = tpu.memref_squeeze %parallel_loop3A_549 : memref<1x128x128xf32, #tpu.memory_space<vmem>> -> memref<128x128xf32, #tpu.memory_space<vmem>>
      %parallel_loop3A_551 = arith.index_cast %parallel_loop3A_540 : i32 to index
      %parallel_loop3A_552 = arith.constant 0 : index
      %parallel_loop3A_553 = tpu.vector_load %parallel_loop3A_550[%parallel_loop3A_551, %parallel_loop3A_552] {strides = array<i32>} : memref<128x128xf32, #tpu.memory_space<vmem>>, vector<1x16xf32>,
      %parallel_loop3A_554 = vector.shape_cast %parallel_loop3A_553 : vector<1x16xf32> to vector<16xf32>
      %parallel_loop3A_555 = vector.shape_cast %parallel_loop3A_546 : vector<16xf32> to vector<1x16xf32>
      tpu.vector_store %parallel_loop3A_550[%parallel_loop3A_551, %parallel_loop3A_552], %parallel_loop3A_555 {strides = array<i32>} : memref<128x128xf32, #tpu.memory_space<vmem>>, vector<1x16xf32>,
      %parallel_loop3A_556 = arith.constant 0 : i32
      %parallel_loop3A_557 = arith.addi %parallel_loop3A_556, %parallel_loop3A_540 : i32
      %parallel_loop3A_558 = arith.index_cast %parallel_loop3A_557 : i32 to index
      %parallel_loop3A_559 = arith.constant 16 : index
      %parallel_loop3A_560 = tpu.vector_load %arg8[%parallel_loop3A_558, %parallel_loop3A_559] {strides = array<i32>} : memref<256x128xf32, #tpu.memory_space<vmem>>, vector<1x16xf32>,
      %parallel_loop3A_561 = vector.shape_cast %parallel_loop3A_560 : vector<1x16xf32> to vector<16xf32>
      %parallel_loop3A_562 = arith.constant 0 : i32
      %parallel_loop3A_563 = arith.constant 0 : i32
      %parallel_loop3A_564 = tpu.memref_slice %arg7[%parallel_loop3A_37, %parallel_loop3A_562, %parallel_loop3A_563] : memref<5x128x128xf32, #tpu.memory_space<vmem>> -> memref<1x128x128xf32, #tpu.memory_space<vmem>>
      %parallel_loop3A_565 = tpu.memref_squeeze %parallel_loop3A_564 : memref<1x128x128xf32, #tpu.memory_space<vmem>> -> memref<128x128xf32, #tpu.memory_space<vmem>>
      %parallel_loop3A_566 = arith.index_cast %parallel_loop3A_540 : i32 to index
      %parallel_loop3A_567 = arith.constant 16 : index
      %parallel_loop3A_568 = tpu.vector_load %parallel_loop3A_565[%parallel_loop3A_566, %parallel_loop3A_567] {strides = array<i32>} : memref<128x128xf32, #tpu.memory_space<vmem>>, vector<1x16xf32>,
      %parallel_loop3A_569 = vector.shape_cast %parallel_loop3A_568 : vector<1x16xf32> to vector<16xf32>
      %parallel_loop3A_570 = vector.shape_cast %parallel_loop3A_561 : vector<16xf32> to vector<1x16xf32>
      tpu.vector_store %parallel_loop3A_565[%parallel_loop3A_566, %parallel_loop3A_567], %parallel_loop3A_570 {strides = array<i32>} : memref<128x128xf32, #tpu.memory_space<vmem>>, vector<1x16xf32>,
      %parallel_loop3A_571 = arith.constant 0 : i32
      %parallel_loop3A_572 = arith.addi %parallel_loop3A_571, %parallel_loop3A_540 : i32
      %parallel_loop3A_573 = arith.index_cast %parallel_loop3A_572 : i32 to index
      %parallel_loop3A_574 = arith.constant 32 : index
      %parallel_loop3A_575 = tpu.vector_load %arg8[%parallel_loop3A_573, %parallel_loop3A_574] {strides = array<i32>} : memref<256x128xf32, #tpu.memory_space<vmem>>, vector<1x16xf32>,
      %parallel_loop3A_576 = vector.shape_cast %parallel_loop3A_575 : vector<1x16xf32> to vector<16xf32>
      %parallel_loop3A_577 = arith.constant 0 : i32
      %parallel_loop3A_578 = arith.constant 0 : i32
      %parallel_loop3A_579 = tpu.memref_slice %arg7[%parallel_loop3A_37, %parallel_loop3A_577, %parallel_loop3A_578] : memref<5x128x128xf32, #tpu.memory_space<vmem>> -> memref<1x128x128xf32, #tpu.memory_space<vmem>>
      %parallel_loop3A_580 = tpu.memref_squeeze %parallel_loop3A_579 : memref<1x128x128xf32, #tpu.memory_space<vmem>> -> memref<128x128xf32, #tpu.memory_space<vmem>>
      %parallel_loop3A_581 = arith.index_cast %parallel_loop3A_540 : i32 to index
      %parallel_loop3A_582 = arith.constant 32 : index
      %parallel_loop3A_583 = tpu.vector_load %parallel_loop3A_580[%parallel_loop3A_581, %parallel_loop3A_582] {strides = array<i32>} : memref<128x128xf32, #tpu.memory_space<vmem>>, vector<1x16xf32>,
      %parallel_loop3A_584 = vector.shape_cast %parallel_loop3A_583 : vector<1x16xf32> to vector<16xf32>
      %parallel_loop3A_585 = vector.shape_cast %parallel_loop3A_576 : vector<16xf32> to vector<1x16xf32>
      tpu.vector_store %parallel_loop3A_580[%parallel_loop3A_581, %parallel_loop3A_582], %parallel_loop3A_585 {strides = array<i32>} : memref<128x128xf32, #tpu.memory_space<vmem>>, vector<1x16xf32>,
      %parallel_loop3A_586 = arith.constant 0 : i32
      %parallel_loop3A_587 = arith.addi %parallel_loop3A_586, %parallel_loop3A_540 : i32
      %parallel_loop3A_588 = arith.index_cast %parallel_loop3A_587 : i32 to index
      %parallel_loop3A_589 = arith.constant 48 : index
      %parallel_loop3A_590 = tpu.vector_load %arg8[%parallel_loop3A_588, %parallel_loop3A_589] {strides = array<i32>} : memref<256x128xf32, #tpu.memory_space<vmem>>, vector<1x16xf32>,
      %parallel_loop3A_591 = vector.shape_cast %parallel_loop3A_590 : vector<1x16xf32> to vector<16xf32>
      %parallel_loop3A_592 = arith.constant 0 : i32
      %parallel_loop3A_593 = arith.constant 0 : i32
      %parallel_loop3A_594 = tpu.memref_slice %arg7[%parallel_loop3A_37, %parallel_loop3A_592, %parallel_loop3A_593] : memref<5x128x128xf32, #tpu.memory_space<vmem>> -> memref<1x128x128xf32, #tpu.memory_space<vmem>>
      %parallel_loop3A_595 = tpu.memref_squeeze %parallel_loop3A_594 : memref<1x128x128xf32, #tpu.memory_space<vmem>> -> memref<128x128xf32, #tpu.memory_space<vmem>>
      %parallel_loop3A_596 = arith.index_cast %parallel_loop3A_540 : i32 to index
      %parallel_loop3A_597 = arith.constant 48 : index
      %parallel_loop3A_598 = tpu.vector_load %parallel_loop3A_595[%parallel_loop3A_596, %parallel_loop3A_597] {strides = array<i32>} : memref<128x128xf32, #tpu.memory_space<vmem>>, vector<1x16xf32>,
      %parallel_loop3A_599 = vector.shape_cast %parallel_loop3A_598 : vector<1x16xf32> to vector<16xf32>
      %parallel_loop3A_600 = vector.shape_cast %parallel_loop3A_591 : vector<16xf32> to vector<1x16xf32>
      tpu.vector_store %parallel_loop3A_595[%parallel_loop3A_596, %parallel_loop3A_597], %parallel_loop3A_600 {strides = array<i32>} : memref<128x128xf32, #tpu.memory_space<vmem>>, vector<1x16xf32>,
      %parallel_loop3A_601 = arith.constant 0 : i32
      %parallel_loop3A_602 = arith.addi %parallel_loop3A_601, %parallel_loop3A_540 : i32
      %parallel_loop3A_603 = arith.index_cast %parallel_loop3A_602 : i32 to index
      %parallel_loop3A_604 = arith.constant 64 : index
      %parallel_loop3A_605 = tpu.vector_load %arg8[%parallel_loop3A_603, %parallel_loop3A_604] {strides = array<i32>} : memref<256x128xf32, #tpu.memory_space<vmem>>, vector<1x16xf32>,
      %parallel_loop3A_606 = vector.shape_cast %parallel_loop3A_605 : vector<1x16xf32> to vector<16xf32>
      %parallel_loop3A_607 = arith.constant 0 : i32
      %parallel_loop3A_608 = arith.constant 0 : i32
      %parallel_loop3A_609 = tpu.memref_slice %arg7[%parallel_loop3A_37, %parallel_loop3A_607, %parallel_loop3A_608] : memref<5x128x128xf32, #tpu.memory_space<vmem>> -> memref<1x128x128xf32, #tpu.memory_space<vmem>>
      %parallel_loop3A_610 = tpu.memref_squeeze %parallel_loop3A_609 : memref<1x128x128xf32, #tpu.memory_space<vmem>> -> memref<128x128xf32, #tpu.memory_space<vmem>>
      %parallel_loop3A_611 = arith.index_cast %parallel_loop3A_540 : i32 to index
      %parallel_loop3A_612 = arith.constant 64 : index
      %parallel_loop3A_613 = tpu.vector_load %parallel_loop3A_610[%parallel_loop3A_611, %parallel_loop3A_612] {strides = array<i32>} : memref<128x128xf32, #tpu.memory_space<vmem>>, vector<1x16xf32>,
      %parallel_loop3A_614 = vector.shape_cast %parallel_loop3A_613 : vector<1x16xf32> to vector<16xf32>
      %parallel_loop3A_615 = vector.shape_cast %parallel_loop3A_606 : vector<16xf32> to vector<1x16xf32>
      tpu.vector_store %parallel_loop3A_610[%parallel_loop3A_611, %parallel_loop3A_612], %parallel_loop3A_615 {strides = array<i32>} : memref<128x128xf32, #tpu.memory_space<vmem>>, vector<1x16xf32>,
      %parallel_loop3A_616 = arith.constant 0 : i32
      %parallel_loop3A_617 = arith.addi %parallel_loop3A_616, %parallel_loop3A_540 : i32
      %parallel_loop3A_618 = arith.index_cast %parallel_loop3A_617 : i32 to index
      %parallel_loop3A_619 = arith.constant 80 : index
      %parallel_loop3A_620 = tpu.vector_load %arg8[%parallel_loop3A_618, %parallel_loop3A_619] {strides = array<i32>} : memref<256x128xf32, #tpu.memory_space<vmem>>, vector<1x16xf32>,
      %parallel_loop3A_621 = vector.shape_cast %parallel_loop3A_620 : vector<1x16xf32> to vector<16xf32>
      %parallel_loop3A_622 = arith.constant 0 : i32
      %parallel_loop3A_623 = arith.constant 0 : i32
      %parallel_loop3A_624 = tpu.memref_slice %arg7[%parallel_loop3A_37, %parallel_loop3A_622, %parallel_loop3A_623] : memref<5x128x128xf32, #tpu.memory_space<vmem>> -> memref<1x128x128xf32, #tpu.memory_space<vmem>>
      %parallel_loop3A_625 = tpu.memref_squeeze %parallel_loop3A_624 : memref<1x128x128xf32, #tpu.memory_space<vmem>> -> memref<128x128xf32, #tpu.memory_space<vmem>>
      %parallel_loop3A_626 = arith.index_cast %parallel_loop3A_540 : i32 to index
      %parallel_loop3A_627 = arith.constant 80 : index
      %parallel_loop3A_628 = tpu.vector_load %parallel_loop3A_625[%parallel_loop3A_626, %parallel_loop3A_627] {strides = array<i32>} : memref<128x128xf32, #tpu.memory_space<vmem>>, vector<1x16xf32>,
      %parallel_loop3A_629 = vector.shape_cast %parallel_loop3A_628 : vector<1x16xf32> to vector<16xf32>
      %parallel_loop3A_630 = vector.shape_cast %parallel_loop3A_621 : vector<16xf32> to vector<1x16xf32>
      tpu.vector_store %parallel_loop3A_625[%parallel_loop3A_626, %parallel_loop3A_627], %parallel_loop3A_630 {strides = array<i32>} : memref<128x128xf32, #tpu.memory_space<vmem>>, vector<1x16xf32>,
      %parallel_loop3A_631 = arith.constant 0 : i32
      %parallel_loop3A_632 = arith.addi %parallel_loop3A_631, %parallel_loop3A_540 : i32
      %parallel_loop3A_633 = arith.index_cast %parallel_loop3A_632 : i32 to index
      %parallel_loop3A_634 = arith.constant 96 : index
      %parallel_loop3A_635 = tpu.vector_load %arg8[%parallel_loop3A_633, %parallel_loop3A_634] {strides = array<i32>} : memref<256x128xf32, #tpu.memory_space<vmem>>, vector<1x16xf32>,
      %parallel_loop3A_636 = vector.shape_cast %parallel_loop3A_635 : vector<1x16xf32> to vector<16xf32>
      %parallel_loop3A_637 = arith.constant 0 : i32
      %parallel_loop3A_638 = arith.constant 0 : i32
      %parallel_loop3A_639 = tpu.memref_slice %arg7[%parallel_loop3A_37, %parallel_loop3A_637, %parallel_loop3A_638] : memref<5x128x128xf32, #tpu.memory_space<vmem>> -> memref<1x128x128xf32, #tpu.memory_space<vmem>>
      %parallel_loop3A_640 = tpu.memref_squeeze %parallel_loop3A_639 : memref<1x128x128xf32, #tpu.memory_space<vmem>> -> memref<128x128xf32, #tpu.memory_space<vmem>>
      %parallel_loop3A_641 = arith.index_cast %parallel_loop3A_540 : i32 to index
      %parallel_loop3A_642 = arith.constant 96 : index
      %parallel_loop3A_643 = tpu.vector_load %parallel_loop3A_640[%parallel_loop3A_641, %parallel_loop3A_642] {strides = array<i32>} : memref<128x128xf32, #tpu.memory_space<vmem>>, vector<1x16xf32>,
      %parallel_loop3A_644 = vector.shape_cast %parallel_loop3A_643 : vector<1x16xf32> to vector<16xf32>
      %parallel_loop3A_645 = vector.shape_cast %parallel_loop3A_636 : vector<16xf32> to vector<1x16xf32>
      tpu.vector_store %parallel_loop3A_640[%parallel_loop3A_641, %parallel_loop3A_642], %parallel_loop3A_645 {strides = array<i32>} : memref<128x128xf32, #tpu.memory_space<vmem>>, vector<1x16xf32>,
      %parallel_loop3A_646 = arith.constant 0 : i32
      %parallel_loop3A_647 = arith.addi %parallel_loop3A_646, %parallel_loop3A_540 : i32
      %parallel_loop3A_648 = arith.index_cast %parallel_loop3A_647 : i32 to index
      %parallel_loop3A_649 = arith.constant 112 : index
      %parallel_loop3A_650 = tpu.vector_load %arg8[%parallel_loop3A_648, %parallel_loop3A_649] {strides = array<i32>} : memref<256x128xf32, #tpu.memory_space<vmem>>, vector<1x16xf32>,
      %parallel_loop3A_651 = vector.shape_cast %parallel_loop3A_650 : vector<1x16xf32> to vector<16xf32>
      %parallel_loop3A_652 = arith.constant 0 : i32
      %parallel_loop3A_653 = arith.constant 0 : i32
      %parallel_loop3A_654 = tpu.memref_slice %arg7[%parallel_loop3A_37, %parallel_loop3A_652, %parallel_loop3A_653] : memref<5x128x128xf32, #tpu.memory_space<vmem>> -> memref<1x128x128xf32, #tpu.memory_space<vmem>>
      %parallel_loop3A_655 = tpu.memref_squeeze %parallel_loop3A_654 : memref<1x128x128xf32, #tpu.memory_space<vmem>> -> memref<128x128xf32, #tpu.memory_space<vmem>>
      %parallel_loop3A_656 = arith.index_cast %parallel_loop3A_540 : i32 to index
      %parallel_loop3A_657 = arith.constant 112 : index
      %parallel_loop3A_658 = tpu.vector_load %parallel_loop3A_655[%parallel_loop3A_656, %parallel_loop3A_657] {strides = array<i32>} : memref<128x128xf32, #tpu.memory_space<vmem>>, vector<1x16xf32>,
      %parallel_loop3A_659 = vector.shape_cast %parallel_loop3A_658 : vector<1x16xf32> to vector<16xf32>
      %parallel_loop3A_660 = vector.shape_cast %parallel_loop3A_651 : vector<16xf32> to vector<1x16xf32>
      tpu.vector_store %parallel_loop3A_655[%parallel_loop3A_656, %parallel_loop3A_657], %parallel_loop3A_660 {strides = array<i32>} : memref<128x128xf32, #tpu.memory_space<vmem>>, vector<1x16xf32>,
    } {sc.loop_unroll_factor = 2 : i64, sc.parallel_access}
    %dma_start3A_38 = arith.constant 0 : i32
    %dma_start3A_39 = arith.constant 0 : i32
    %dma_start3A_40 = arith.constant 0 : i32
    %dma_start3A_41 = arith.constant 0 : i32
    %dma_start3A_42 = tpu.memref_slice %arg7[%dma_start3A_39, %dma_start3A_40, %dma_start3A_41] : memref<5x128x128xf32, #tpu.memory_space<vmem>> -> memref<1x128x128xf32, #tpu.memory_space<vmem>>
    %dma_start3A_43 = tpu.memref_squeeze %dma_start3A_42 : memref<1x128x128xf32, #tpu.memory_space<vmem>> -> memref<128x128xf32, #tpu.memory_space<vmem>>
    %dma_start3A_44 = arith.constant 0 : i32
    %dma_start3A_45 = tpu.memref_slice %arg6[%dma_start3A_38, %dma_start3A_44] : memref<4x256xi32, #tpu.memory_space<vmem>> -> memref<1x128xi32, #tpu.memory_space<vmem>>
    %dma_start3A_46 = tpu.memref_squeeze %dma_start3A_45 : memref<1x128xi32, #tpu.memory_space<vmem>> -> memref<128xi32, #tpu.memory_space<vmem>>
    %dma_start3A_47 = arith.constant 0 : i32
    %dma_start3A_48 = arith.constant 0 : i32
    %dma_start3A_49 = tpu.memref_slice %arg3[%dma_start3A_47, %dma_start3A_48] : memref<100000x128xf32, #tpu.memory_space<hbm>> -> memref<100000x128xf32, #tpu.memory_space<hbm>>
    tpu.enqueue_indirect_dma source(%dma_start3A_49 : memref<100000x128xf32, #tpu.memory_space<hbm>>) target(%dma_start3A_43 : memref<128x128xf32, #tpu.memory_space<vmem>>) offsets(%dma_start3A_46 : memref<128xi32, #tpu.memory_space<vmem>>) semaphore(%arg9 : memref<!tpu.dma_semaphore, #tpu.memory_space<semaphore_mem>>) {add = true}
    %parallel_loop3A_50 = arith.constant 0 : i32
    %parallel_loop3A_51 = arith.constant 128 : i32
    %parallel_loop3A_52 = arith.constant 1 : i32
    %parallel_loop3A_53 = arith.constant 1 : i32
    scf.for %parallel_loop3A_540 = %parallel_loop3A_50 to %parallel_loop3A_51 step %parallel_loop3A_52  : i32 {
      %parallel_loop3A_541 = arith.constant 0 : i32
      %parallel_loop3A_542 = arith.addi %parallel_loop3A_541, %parallel_loop3A_540 : i32
      %parallel_loop3A_543 = arith.index_cast %parallel_loop3A_542 : i32 to index
      %parallel_loop3A_544 = arith.constant 0 : index
      %parallel_loop3A_545 = tpu.vector_load %arg8[%parallel_loop3A_543, %parallel_loop3A_544] {strides = array<i32>} : memref<256x128xf32, #tpu.memory_space<vmem>>, vector<1x16xf32>,
      %parallel_loop3A_546 = vector.shape_cast %parallel_loop3A_545 : vector<1x16xf32> to vector<16xf32>
      %parallel_loop3A_547 = arith.constant 0 : i32
      %parallel_loop3A_548 = arith.constant 0 : i32
      %parallel_loop3A_549 = tpu.memref_slice %arg7[%parallel_loop3A_53, %parallel_loop3A_547, %parallel_loop3A_548] : memref<5x128x128xf32, #tpu.memory_space<vmem>> -> memref<1x128x128xf32, #tpu.memory_space<vmem>>
      %parallel_loop3A_550 = tpu.memref_squeeze %parallel_loop3A_549 : memref<1x128x128xf32, #tpu.memory_space<vmem>> -> memref<128x128xf32, #tpu.memory_space<vmem>>
      %parallel_loop3A_551 = arith.index_cast %parallel_loop3A_540 : i32 to index
      %parallel_loop3A_552 = arith.constant 0 : index
      %parallel_loop3A_553 = tpu.vector_load %parallel_loop3A_550[%parallel_loop3A_551, %parallel_loop3A_552] {strides = array<i32>} : memref<128x128xf32, #tpu.memory_space<vmem>>, vector<1x16xf32>,
      %parallel_loop3A_554 = vector.shape_cast %parallel_loop3A_553 : vector<1x16xf32> to vector<16xf32>
      %parallel_loop3A_555 = vector.shape_cast %parallel_loop3A_546 : vector<16xf32> to vector<1x16xf32>
      tpu.vector_store %parallel_loop3A_550[%parallel_loop3A_551, %parallel_loop3A_552], %parallel_loop3A_555 {strides = array<i32>} : memref<128x128xf32, #tpu.memory_space<vmem>>, vector<1x16xf32>,
      %parallel_loop3A_556 = arith.constant 0 : i32
      %parallel_loop3A_557 = arith.addi %parallel_loop3A_556, %parallel_loop3A_540 : i32
      %parallel_loop3A_558 = arith.index_cast %parallel_loop3A_557 : i32 to index
      %parallel_loop3A_559 = arith.constant 16 : index
      %parallel_loop3A_560 = tpu.vector_load %arg8[%parallel_loop3A_558, %parallel_loop3A_559] {strides = array<i32>} : memref<256x128xf32, #tpu.memory_space<vmem>>, vector<1x16xf32>,
      %parallel_loop3A_561 = vector.shape_cast %parallel_loop3A_560 : vector<1x16xf32> to vector<16xf32>
      %parallel_loop3A_562 = arith.constant 0 : i32
      %parallel_loop3A_563 = arith.constant 0 : i32
      %parallel_loop3A_564 = tpu.memref_slice %arg7[%parallel_loop3A_53, %parallel_loop3A_562, %parallel_loop3A_563] : memref<5x128x128xf32, #tpu.memory_space<vmem>> -> memref<1x128x128xf32, #tpu.memory_space<vmem>>
      %parallel_loop3A_565 = tpu.memref_squeeze %parallel_loop3A_564 : memref<1x128x128xf32, #tpu.memory_space<vmem>> -> memref<128x128xf32, #tpu.memory_space<vmem>>
      %parallel_loop3A_566 = arith.index_cast %parallel_loop3A_540 : i32 to index
      %parallel_loop3A_567 = arith.constant 16 : index
      %parallel_loop3A_568 = tpu.vector_load %parallel_loop3A_565[%parallel_loop3A_566, %parallel_loop3A_567] {strides = array<i32>} : memref<128x128xf32, #tpu.memory_space<vmem>>, vector<1x16xf32>,
      %parallel_loop3A_569 = vector.shape_cast %parallel_loop3A_568 : vector<1x16xf32> to vector<16xf32>
      %parallel_loop3A_570 = vector.shape_cast %parallel_loop3A_561 : vector<16xf32> to vector<1x16xf32>
      tpu.vector_store %parallel_loop3A_565[%parallel_loop3A_566, %parallel_loop3A_567], %parallel_loop3A_570 {strides = array<i32>} : memref<128x128xf32, #tpu.memory_space<vmem>>, vector<1x16xf32>,
      %parallel_loop3A_571 = arith.constant 0 : i32
      %parallel_loop3A_572 = arith.addi %parallel_loop3A_571, %parallel_loop3A_540 : i32
      %parallel_loop3A_573 = arith.index_cast %parallel_loop3A_572 : i32 to index
      %parallel_loop3A_574 = arith.constant 32 : index
      %parallel_loop3A_575 = tpu.vector_load %arg8[%parallel_loop3A_573, %parallel_loop3A_574] {strides = array<i32>} : memref<256x128xf32, #tpu.memory_space<vmem>>, vector<1x16xf32>,
      %parallel_loop3A_576 = vector.shape_cast %parallel_loop3A_575 : vector<1x16xf32> to vector<16xf32>
      %parallel_loop3A_577 = arith.constant 0 : i32
      %parallel_loop3A_578 = arith.constant 0 : i32
      %parallel_loop3A_579 = tpu.memref_slice %arg7[%parallel_loop3A_53, %parallel_loop3A_577, %parallel_loop3A_578] : memref<5x128x128xf32, #tpu.memory_space<vmem>> -> memref<1x128x128xf32, #tpu.memory_space<vmem>>
      %parallel_loop3A_580 = tpu.memref_squeeze %parallel_loop3A_579 : memref<1x128x128xf32, #tpu.memory_space<vmem>> -> memref<128x128xf32, #tpu.memory_space<vmem>>
      %parallel_loop3A_581 = arith.index_cast %parallel_loop3A_540 : i32 to index
      %parallel_loop3A_582 = arith.constant 32 : index
      %parallel_loop3A_583 = tpu.vector_load %parallel_loop3A_580[%parallel_loop3A_581, %parallel_loop3A_582] {strides = array<i32>} : memref<128x128xf32, #tpu.memory_space<vmem>>, vector<1x16xf32>,
      %parallel_loop3A_584 = vector.shape_cast %parallel_loop3A_583 : vector<1x16xf32> to vector<16xf32>
      %parallel_loop3A_585 = vector.shape_cast %parallel_loop3A_576 : vector<16xf32> to vector<1x16xf32>
      tpu.vector_store %parallel_loop3A_580[%parallel_loop3A_581, %parallel_loop3A_582], %parallel_loop3A_585 {strides = array<i32>} : memref<128x128xf32, #tpu.memory_space<vmem>>, vector<1x16xf32>,
      %parallel_loop3A_586 = arith.constant 0 : i32
      %parallel_loop3A_587 = arith.addi %parallel_loop3A_586, %parallel_loop3A_540 : i32
      %parallel_loop3A_588 = arith.index_cast %parallel_loop3A_587 : i32 to index
      %parallel_loop3A_589 = arith.constant 48 : index
      %parallel_loop3A_590 = tpu.vector_load %arg8[%parallel_loop3A_588, %parallel_loop3A_589] {strides = array<i32>} : memref<256x128xf32, #tpu.memory_space<vmem>>, vector<1x16xf32>,
      %parallel_loop3A_591 = vector.shape_cast %parallel_loop3A_590 : vector<1x16xf32> to vector<16xf32>
      %parallel_loop3A_592 = arith.constant 0 : i32
      %parallel_loop3A_593 = arith.constant 0 : i32
      %parallel_loop3A_594 = tpu.memref_slice %arg7[%parallel_loop3A_53, %parallel_loop3A_592, %parallel_loop3A_593] : memref<5x128x128xf32, #tpu.memory_space<vmem>> -> memref<1x128x128xf32, #tpu.memory_space<vmem>>
      %parallel_loop3A_595 = tpu.memref_squeeze %parallel_loop3A_594 : memref<1x128x128xf32, #tpu.memory_space<vmem>> -> memref<128x128xf32, #tpu.memory_space<vmem>>
      %parallel_loop3A_596 = arith.index_cast %parallel_loop3A_540 : i32 to index
      %parallel_loop3A_597 = arith.constant 48 : index
      %parallel_loop3A_598 = tpu.vector_load %parallel_loop3A_595[%parallel_loop3A_596, %parallel_loop3A_597] {strides = array<i32>} : memref<128x128xf32, #tpu.memory_space<vmem>>, vector<1x16xf32>,
      %parallel_loop3A_599 = vector.shape_cast %parallel_loop3A_598 : vector<1x16xf32> to vector<16xf32>
      %parallel_loop3A_600 = vector.shape_cast %parallel_loop3A_591 : vector<16xf32> to vector<1x16xf32>
      tpu.vector_store %parallel_loop3A_595[%parallel_loop3A_596, %parallel_loop3A_597], %parallel_loop3A_600 {strides = array<i32>} : memref<128x128xf32, #tpu.memory_space<vmem>>, vector<1x16xf32>,
      %parallel_loop3A_601 = arith.constant 0 : i32
      %parallel_loop3A_602 = arith.addi %parallel_loop3A_601, %parallel_loop3A_540 : i32
      %parallel_loop3A_603 = arith.index_cast %parallel_loop3A_602 : i32 to index
      %parallel_loop3A_604 = arith.constant 64 : index
      %parallel_loop3A_605 = tpu.vector_load %arg8[%parallel_loop3A_603, %parallel_loop3A_604] {strides = array<i32>} : memref<256x128xf32, #tpu.memory_space<vmem>>, vector<1x16xf32>,
      %parallel_loop3A_606 = vector.shape_cast %parallel_loop3A_605 : vector<1x16xf32> to vector<16xf32>
      %parallel_loop3A_607 = arith.constant 0 : i32
      %parallel_loop3A_608 = arith.constant 0 : i32
      %parallel_loop3A_609 = tpu.memref_slice %arg7[%parallel_loop3A_53, %parallel_loop3A_607, %parallel_loop3A_608] : memref<5x128x128xf32, #tpu.memory_space<vmem>> -> memref<1x128x128xf32, #tpu.memory_space<vmem>>
      %parallel_loop3A_610 = tpu.memref_squeeze %parallel_loop3A_609 : memref<1x128x128xf32, #tpu.memory_space<vmem>> -> memref<128x128xf32, #tpu.memory_space<vmem>>
      %parallel_loop3A_611 = arith.index_cast %parallel_loop3A_540 : i32 to index
      %parallel_loop3A_612 = arith.constant 64 : index
      %parallel_loop3A_613 = tpu.vector_load %parallel_loop3A_610[%parallel_loop3A_611, %parallel_loop3A_612] {strides = array<i32>} : memref<128x128xf32, #tpu.memory_space<vmem>>, vector<1x16xf32>,
      %parallel_loop3A_614 = vector.shape_cast %parallel_loop3A_613 : vector<1x16xf32> to vector<16xf32>
      %parallel_loop3A_615 = vector.shape_cast %parallel_loop3A_606 : vector<16xf32> to vector<1x16xf32>
      tpu.vector_store %parallel_loop3A_610[%parallel_loop3A_611, %parallel_loop3A_612], %parallel_loop3A_615 {strides = array<i32>} : memref<128x128xf32, #tpu.memory_space<vmem>>, vector<1x16xf32>,
      %parallel_loop3A_616 = arith.constant 0 : i32
      %parallel_loop3A_617 = arith.addi %parallel_loop3A_616, %parallel_loop3A_540 : i32
      %parallel_loop3A_618 = arith.index_cast %parallel_loop3A_617 : i32 to index
      %parallel_loop3A_619 = arith.constant 80 : index
      %parallel_loop3A_620 = tpu.vector_load %arg8[%parallel_loop3A_618, %parallel_loop3A_619] {strides = array<i32>} : memref<256x128xf32, #tpu.memory_space<vmem>>, vector<1x16xf32>,
      %parallel_loop3A_621 = vector.shape_cast %parallel_loop3A_620 : vector<1x16xf32> to vector<16xf32>
      %parallel_loop3A_622 = arith.constant 0 : i32
      %parallel_loop3A_623 = arith.constant 0 : i32
      %parallel_loop3A_624 = tpu.memref_slice %arg7[%parallel_loop3A_53, %parallel_loop3A_622, %parallel_loop3A_623] : memref<5x128x128xf32, #tpu.memory_space<vmem>> -> memref<1x128x128xf32, #tpu.memory_space<vmem>>
      %parallel_loop3A_625 = tpu.memref_squeeze %parallel_loop3A_624 : memref<1x128x128xf32, #tpu.memory_space<vmem>> -> memref<128x128xf32, #tpu.memory_space<vmem>>
      %parallel_loop3A_626 = arith.index_cast %parallel_loop3A_540 : i32 to index
      %parallel_loop3A_627 = arith.constant 80 : index
      %parallel_loop3A_628 = tpu.vector_load %parallel_loop3A_625[%parallel_loop3A_626, %parallel_loop3A_627] {strides = array<i32>} : memref<128x128xf32, #tpu.memory_space<vmem>>, vector<1x16xf32>,
      %parallel_loop3A_629 = vector.shape_cast %parallel_loop3A_628 : vector<1x16xf32> to vector<16xf32>
      %parallel_loop3A_630 = vector.shape_cast %parallel_loop3A_621 : vector<16xf32> to vector<1x16xf32>
      tpu.vector_store %parallel_loop3A_625[%parallel_loop3A_626, %parallel_loop3A_627], %parallel_loop3A_630 {strides = array<i32>} : memref<128x128xf32, #tpu.memory_space<vmem>>, vector<1x16xf32>,
      %parallel_loop3A_631 = arith.constant 0 : i32
      %parallel_loop3A_632 = arith.addi %parallel_loop3A_631, %parallel_loop3A_540 : i32
      %parallel_loop3A_633 = arith.index_cast %parallel_loop3A_632 : i32 to index
      %parallel_loop3A_634 = arith.constant 96 : index
      %parallel_loop3A_635 = tpu.vector_load %arg8[%parallel_loop3A_633, %parallel_loop3A_634] {strides = array<i32>} : memref<256x128xf32, #tpu.memory_space<vmem>>, vector<1x16xf32>,
      %parallel_loop3A_636 = vector.shape_cast %parallel_loop3A_635 : vector<1x16xf32> to vector<16xf32>
      %parallel_loop3A_637 = arith.constant 0 : i32
      %parallel_loop3A_638 = arith.constant 0 : i32
      %parallel_loop3A_639 = tpu.memref_slice %arg7[%parallel_loop3A_53, %parallel_loop3A_637, %parallel_loop3A_638] : memref<5x128x128xf32, #tpu.memory_space<vmem>> -> memref<1x128x128xf32, #tpu.memory_space<vmem>>
      %parallel_loop3A_640 = tpu.memref_squeeze %parallel_loop3A_639 : memref<1x128x128xf32, #tpu.memory_space<vmem>> -> memref<128x128xf32, #tpu.memory_space<vmem>>
      %parallel_loop3A_641 = arith.index_cast %parallel_loop3A_540 : i32 to index
      %parallel_loop3A_642 = arith.constant 96 : index
      %parallel_loop3A_643 = tpu.vector_load %parallel_loop3A_640[%parallel_loop3A_641, %parallel_loop3A_642] {strides = array<i32>} : memref<128x128xf32, #tpu.memory_space<vmem>>, vector<1x16xf32>,
      %parallel_loop3A_644 = vector.shape_cast %parallel_loop3A_643 : vector<1x16xf32> to vector<16xf32>
      %parallel_loop3A_645 = vector.shape_cast %parallel_loop3A_636 : vector<16xf32> to vector<1x16xf32>
      tpu.vector_store %parallel_loop3A_640[%parallel_loop3A_641, %parallel_loop3A_642], %parallel_loop3A_645 {strides = array<i32>} : memref<128x128xf32, #tpu.memory_space<vmem>>, vector<1x16xf32>,
      %parallel_loop3A_646 = arith.constant 0 : i32
      %parallel_loop3A_647 = arith.addi %parallel_loop3A_646, %parallel_loop3A_540 : i32
      %parallel_loop3A_648 = arith.index_cast %parallel_loop3A_647 : i32 to index
      %parallel_loop3A_649 = arith.constant 112 : index
      %parallel_loop3A_650 = tpu.vector_load %arg8[%parallel_loop3A_648, %parallel_loop3A_649] {strides = array<i32>} : memref<256x128xf32, #tpu.memory_space<vmem>>, vector<1x16xf32>,
      %parallel_loop3A_651 = vector.shape_cast %parallel_loop3A_650 : vector<1x16xf32> to vector<16xf32>
      %parallel_loop3A_652 = arith.constant 0 : i32
      %parallel_loop3A_653 = arith.constant 0 : i32
      %parallel_loop3A_654 = tpu.memref_slice %arg7[%parallel_loop3A_53, %parallel_loop3A_652, %parallel_loop3A_653] : memref<5x128x128xf32, #tpu.memory_space<vmem>> -> memref<1x128x128xf32, #tpu.memory_space<vmem>>
      %parallel_loop3A_655 = tpu.memref_squeeze %parallel_loop3A_654 : memref<1x128x128xf32, #tpu.memory_space<vmem>> -> memref<128x128xf32, #tpu.memory_space<vmem>>
      %parallel_loop3A_656 = arith.index_cast %parallel_loop3A_540 : i32 to index
      %parallel_loop3A_657 = arith.constant 112 : index
      %parallel_loop3A_658 = tpu.vector_load %parallel_loop3A_655[%parallel_loop3A_656, %parallel_loop3A_657] {strides = array<i32>} : memref<128x128xf32, #tpu.memory_space<vmem>>, vector<1x16xf32>,
      %parallel_loop3A_659 = vector.shape_cast %parallel_loop3A_658 : vector<1x16xf32> to vector<16xf32>
      %parallel_loop3A_660 = vector.shape_cast %parallel_loop3A_651 : vector<16xf32> to vector<1x16xf32>
      tpu.vector_store %parallel_loop3A_655[%parallel_loop3A_656, %parallel_loop3A_657], %parallel_loop3A_660 {strides = array<i32>} : memref<128x128xf32, #tpu.memory_space<vmem>>, vector<1x16xf32>,
    } {sc.loop_unroll_factor = 2 : i64, sc.parallel_access}
    %dma_start3A_54 = arith.constant 1 : i32
    %dma_start3A_55 = arith.constant 1 : i32
    %dma_start3A_56 = arith.constant 0 : i32
    %dma_start3A_57 = arith.constant 0 : i32
    %dma_start3A_58 = tpu.memref_slice %arg7[%dma_start3A_55, %dma_start3A_56, %dma_start3A_57] : memref<5x128x128xf32, #tpu.memory_space<vmem>> -> memref<1x128x128xf32, #tpu.memory_space<vmem>>
    %dma_start3A_59 = tpu.memref_squeeze %dma_start3A_58 : memref<1x128x128xf32, #tpu.memory_space<vmem>> -> memref<128x128xf32, #tpu.memory_space<vmem>>
    %dma_start3A_60 = arith.constant 0 : i32
    %dma_start3A_61 = tpu.memref_slice %arg6[%dma_start3A_54, %dma_start3A_60] : memref<4x256xi32, #tpu.memory_space<vmem>> -> memref<1x128xi32, #tpu.memory_space<vmem>>
    %dma_start3A_62 = tpu.memref_squeeze %dma_start3A_61 : memref<1x128xi32, #tpu.memory_space<vmem>> -> memref<128xi32, #tpu.memory_space<vmem>>
    %dma_start3A_63 = arith.constant 0 : i32
    %dma_start3A_64 = arith.constant 0 : i32
    %dma_start3A_65 = tpu.memref_slice %arg3[%dma_start3A_63, %dma_start3A_64] : memref<100000x128xf32, #tpu.memory_space<hbm>> -> memref<100000x128xf32, #tpu.memory_space<hbm>>
    tpu.enqueue_indirect_dma source(%dma_start3A_65 : memref<100000x128xf32, #tpu.memory_space<hbm>>) target(%dma_start3A_59 : memref<128x128xf32, #tpu.memory_space<vmem>>) offsets(%dma_start3A_62 : memref<128xi32, #tpu.memory_space<vmem>>) semaphore(%arg9 : memref<!tpu.dma_semaphore, #tpu.memory_space<semaphore_mem>>) {add = true}
    %parallel_loop3A_66 = arith.constant 0 : i32
    %parallel_loop3A_67 = arith.constant 128 : i32
    %parallel_loop3A_68 = arith.constant 1 : i32
    %parallel_loop3A_69 = arith.constant 2 : i32
    scf.for %parallel_loop3A_540 = %parallel_loop3A_66 to %parallel_loop3A_67 step %parallel_loop3A_68  : i32 {
      %parallel_loop3A_541 = arith.constant 0 : i32
      %parallel_loop3A_542 = arith.addi %parallel_loop3A_541, %parallel_loop3A_540 : i32
      %parallel_loop3A_543 = arith.index_cast %parallel_loop3A_542 : i32 to index
      %parallel_loop3A_544 = arith.constant 0 : index
      %parallel_loop3A_545 = tpu.vector_load %arg8[%parallel_loop3A_543, %parallel_loop3A_544] {strides = array<i32>} : memref<256x128xf32, #tpu.memory_space<vmem>>, vector<1x16xf32>,
      %parallel_loop3A_546 = vector.shape_cast %parallel_loop3A_545 : vector<1x16xf32> to vector<16xf32>
      %parallel_loop3A_547 = arith.constant 0 : i32
      %parallel_loop3A_548 = arith.constant 0 : i32
      %parallel_loop3A_549 = tpu.memref_slice %arg7[%parallel_loop3A_69, %parallel_loop3A_547, %parallel_loop3A_548] : memref<5x128x128xf32, #tpu.memory_space<vmem>> -> memref<1x128x128xf32, #tpu.memory_space<vmem>>
      %parallel_loop3A_550 = tpu.memref_squeeze %parallel_loop3A_549 : memref<1x128x128xf32, #tpu.memory_space<vmem>> -> memref<128x128xf32, #tpu.memory_space<vmem>>
      %parallel_loop3A_551 = arith.index_cast %parallel_loop3A_540 : i32 to index
      %parallel_loop3A_552 = arith.constant 0 : index
      %parallel_loop3A_553 = tpu.vector_load %parallel_loop3A_550[%parallel_loop3A_551, %parallel_loop3A_552] {strides = array<i32>} : memref<128x128xf32, #tpu.memory_space<vmem>>, vector<1x16xf32>,
      %parallel_loop3A_554 = vector.shape_cast %parallel_loop3A_553 : vector<1x16xf32> to vector<16xf32>
      %parallel_loop3A_555 = vector.shape_cast %parallel_loop3A_546 : vector<16xf32> to vector<1x16xf32>
      tpu.vector_store %parallel_loop3A_550[%parallel_loop3A_551, %parallel_loop3A_552], %parallel_loop3A_555 {strides = array<i32>} : memref<128x128xf32, #tpu.memory_space<vmem>>, vector<1x16xf32>,
      %parallel_loop3A_556 = arith.constant 0 : i32
      %parallel_loop3A_557 = arith.addi %parallel_loop3A_556, %parallel_loop3A_540 : i32
      %parallel_loop3A_558 = arith.index_cast %parallel_loop3A_557 : i32 to index
      %parallel_loop3A_559 = arith.constant 16 : index
      %parallel_loop3A_560 = tpu.vector_load %arg8[%parallel_loop3A_558, %parallel_loop3A_559] {strides = array<i32>} : memref<256x128xf32, #tpu.memory_space<vmem>>, vector<1x16xf32>,
      %parallel_loop3A_561 = vector.shape_cast %parallel_loop3A_560 : vector<1x16xf32> to vector<16xf32>
      %parallel_loop3A_562 = arith.constant 0 : i32
      %parallel_loop3A_563 = arith.constant 0 : i32
      %parallel_loop3A_564 = tpu.memref_slice %arg7[%parallel_loop3A_69, %parallel_loop3A_562, %parallel_loop3A_563] : memref<5x128x128xf32, #tpu.memory_space<vmem>> -> memref<1x128x128xf32, #tpu.memory_space<vmem>>
      %parallel_loop3A_565 = tpu.memref_squeeze %parallel_loop3A_564 : memref<1x128x128xf32, #tpu.memory_space<vmem>> -> memref<128x128xf32, #tpu.memory_space<vmem>>
      %parallel_loop3A_566 = arith.index_cast %parallel_loop3A_540 : i32 to index
      %parallel_loop3A_567 = arith.constant 16 : index
      %parallel_loop3A_568 = tpu.vector_load %parallel_loop3A_565[%parallel_loop3A_566, %parallel_loop3A_567] {strides = array<i32>} : memref<128x128xf32, #tpu.memory_space<vmem>>, vector<1x16xf32>,
      %parallel_loop3A_569 = vector.shape_cast %parallel_loop3A_568 : vector<1x16xf32> to vector<16xf32>
      %parallel_loop3A_570 = vector.shape_cast %parallel_loop3A_561 : vector<16xf32> to vector<1x16xf32>
      tpu.vector_store %parallel_loop3A_565[%parallel_loop3A_566, %parallel_loop3A_567], %parallel_loop3A_570 {strides = array<i32>} : memref<128x128xf32, #tpu.memory_space<vmem>>, vector<1x16xf32>,
      %parallel_loop3A_571 = arith.constant 0 : i32
      %parallel_loop3A_572 = arith.addi %parallel_loop3A_571, %parallel_loop3A_540 : i32
      %parallel_loop3A_573 = arith.index_cast %parallel_loop3A_572 : i32 to index
      %parallel_loop3A_574 = arith.constant 32 : index
      %parallel_loop3A_575 = tpu.vector_load %arg8[%parallel_loop3A_573, %parallel_loop3A_574] {strides = array<i32>} : memref<256x128xf32, #tpu.memory_space<vmem>>, vector<1x16xf32>,
      %parallel_loop3A_576 = vector.shape_cast %parallel_loop3A_575 : vector<1x16xf32> to vector<16xf32>
      %parallel_loop3A_577 = arith.constant 0 : i32
      %parallel_loop3A_578 = arith.constant 0 : i32
      %parallel_loop3A_579 = tpu.memref_slice %arg7[%parallel_loop3A_69, %parallel_loop3A_577, %parallel_loop3A_578] : memref<5x128x128xf32, #tpu.memory_space<vmem>> -> memref<1x128x128xf32, #tpu.memory_space<vmem>>
      %parallel_loop3A_580 = tpu.memref_squeeze %parallel_loop3A_579 : memref<1x128x128xf32, #tpu.memory_space<vmem>> -> memref<128x128xf32, #tpu.memory_space<vmem>>
      %parallel_loop3A_581 = arith.index_cast %parallel_loop3A_540 : i32 to index
      %parallel_loop3A_582 = arith.constant 32 : index
      %parallel_loop3A_583 = tpu.vector_load %parallel_loop3A_580[%parallel_loop3A_581, %parallel_loop3A_582] {strides = array<i32>} : memref<128x128xf32, #tpu.memory_space<vmem>>, vector<1x16xf32>,
      %parallel_loop3A_584 = vector.shape_cast %parallel_loop3A_583 : vector<1x16xf32> to vector<16xf32>
      %parallel_loop3A_585 = vector.shape_cast %parallel_loop3A_576 : vector<16xf32> to vector<1x16xf32>
      tpu.vector_store %parallel_loop3A_580[%parallel_loop3A_581, %parallel_loop3A_582], %parallel_loop3A_585 {strides = array<i32>} : memref<128x128xf32, #tpu.memory_space<vmem>>, vector<1x16xf32>,
      %parallel_loop3A_586 = arith.constant 0 : i32
      %parallel_loop3A_587 = arith.addi %parallel_loop3A_586, %parallel_loop3A_540 : i32
      %parallel_loop3A_588 = arith.index_cast %parallel_loop3A_587 : i32 to index
      %parallel_loop3A_589 = arith.constant 48 : index
      %parallel_loop3A_590 = tpu.vector_load %arg8[%parallel_loop3A_588, %parallel_loop3A_589] {strides = array<i32>} : memref<256x128xf32, #tpu.memory_space<vmem>>, vector<1x16xf32>,
      %parallel_loop3A_591 = vector.shape_cast %parallel_loop3A_590 : vector<1x16xf32> to vector<16xf32>
      %parallel_loop3A_592 = arith.constant 0 : i32
      %parallel_loop3A_593 = arith.constant 0 : i32
      %parallel_loop3A_594 = tpu.memref_slice %arg7[%parallel_loop3A_69, %parallel_loop3A_592, %parallel_loop3A_593] : memref<5x128x128xf32, #tpu.memory_space<vmem>> -> memref<1x128x128xf32, #tpu.memory_space<vmem>>
      %parallel_loop3A_595 = tpu.memref_squeeze %parallel_loop3A_594 : memref<1x128x128xf32, #tpu.memory_space<vmem>> -> memref<128x128xf32, #tpu.memory_space<vmem>>
      %parallel_loop3A_596 = arith.index_cast %parallel_loop3A_540 : i32 to index
      %parallel_loop3A_597 = arith.constant 48 : index
      %parallel_loop3A_598 = tpu.vector_load %parallel_loop3A_595[%parallel_loop3A_596, %parallel_loop3A_597] {strides = array<i32>} : memref<128x128xf32, #tpu.memory_space<vmem>>, vector<1x16xf32>,
      %parallel_loop3A_599 = vector.shape_cast %parallel_loop3A_598 : vector<1x16xf32> to vector<16xf32>
      %parallel_loop3A_600 = vector.shape_cast %parallel_loop3A_591 : vector<16xf32> to vector<1x16xf32>
      tpu.vector_store %parallel_loop3A_595[%parallel_loop3A_596, %parallel_loop3A_597], %parallel_loop3A_600 {strides = array<i32>} : memref<128x128xf32, #tpu.memory_space<vmem>>, vector<1x16xf32>,
      %parallel_loop3A_601 = arith.constant 0 : i32
      %parallel_loop3A_602 = arith.addi %parallel_loop3A_601, %parallel_loop3A_540 : i32
      %parallel_loop3A_603 = arith.index_cast %parallel_loop3A_602 : i32 to index
      %parallel_loop3A_604 = arith.constant 64 : index
      %parallel_loop3A_605 = tpu.vector_load %arg8[%parallel_loop3A_603, %parallel_loop3A_604] {strides = array<i32>} : memref<256x128xf32, #tpu.memory_space<vmem>>, vector<1x16xf32>,
      %parallel_loop3A_606 = vector.shape_cast %parallel_loop3A_605 : vector<1x16xf32> to vector<16xf32>
      %parallel_loop3A_607 = arith.constant 0 : i32
      %parallel_loop3A_608 = arith.constant 0 : i32
      %parallel_loop3A_609 = tpu.memref_slice %arg7[%parallel_loop3A_69, %parallel_loop3A_607, %parallel_loop3A_608] : memref<5x128x128xf32, #tpu.memory_space<vmem>> -> memref<1x128x128xf32, #tpu.memory_space<vmem>>
      %parallel_loop3A_610 = tpu.memref_squeeze %parallel_loop3A_609 : memref<1x128x128xf32, #tpu.memory_space<vmem>> -> memref<128x128xf32, #tpu.memory_space<vmem>>
      %parallel_loop3A_611 = arith.index_cast %parallel_loop3A_540 : i32 to index
      %parallel_loop3A_612 = arith.constant 64 : index
      %parallel_loop3A_613 = tpu.vector_load %parallel_loop3A_610[%parallel_loop3A_611, %parallel_loop3A_612] {strides = array<i32>} : memref<128x128xf32, #tpu.memory_space<vmem>>, vector<1x16xf32>,
      %parallel_loop3A_614 = vector.shape_cast %parallel_loop3A_613 : vector<1x16xf32> to vector<16xf32>
      %parallel_loop3A_615 = vector.shape_cast %parallel_loop3A_606 : vector<16xf32> to vector<1x16xf32>
      tpu.vector_store %parallel_loop3A_610[%parallel_loop3A_611, %parallel_loop3A_612], %parallel_loop3A_615 {strides = array<i32>} : memref<128x128xf32, #tpu.memory_space<vmem>>, vector<1x16xf32>,
      %parallel_loop3A_616 = arith.constant 0 : i32
      %parallel_loop3A_617 = arith.addi %parallel_loop3A_616, %parallel_loop3A_540 : i32
      %parallel_loop3A_618 = arith.index_cast %parallel_loop3A_617 : i32 to index
      %parallel_loop3A_619 = arith.constant 80 : index
      %parallel_loop3A_620 = tpu.vector_load %arg8[%parallel_loop3A_618, %parallel_loop3A_619] {strides = array<i32>} : memref<256x128xf32, #tpu.memory_space<vmem>>, vector<1x16xf32>,
      %parallel_loop3A_621 = vector.shape_cast %parallel_loop3A_620 : vector<1x16xf32> to vector<16xf32>
      %parallel_loop3A_622 = arith.constant 0 : i32
      %parallel_loop3A_623 = arith.constant 0 : i32
      %parallel_loop3A_624 = tpu.memref_slice %arg7[%parallel_loop3A_69, %parallel_loop3A_622, %parallel_loop3A_623] : memref<5x128x128xf32, #tpu.memory_space<vmem>> -> memref<1x128x128xf32, #tpu.memory_space<vmem>>
      %parallel_loop3A_625 = tpu.memref_squeeze %parallel_loop3A_624 : memref<1x128x128xf32, #tpu.memory_space<vmem>> -> memref<128x128xf32, #tpu.memory_space<vmem>>
      %parallel_loop3A_626 = arith.index_cast %parallel_loop3A_540 : i32 to index
      %parallel_loop3A_627 = arith.constant 80 : index
      %parallel_loop3A_628 = tpu.vector_load %parallel_loop3A_625[%parallel_loop3A_626, %parallel_loop3A_627] {strides = array<i32>} : memref<128x128xf32, #tpu.memory_space<vmem>>, vector<1x16xf32>,
      %parallel_loop3A_629 = vector.shape_cast %parallel_loop3A_628 : vector<1x16xf32> to vector<16xf32>
      %parallel_loop3A_630 = vector.shape_cast %parallel_loop3A_621 : vector<16xf32> to vector<1x16xf32>
      tpu.vector_store %parallel_loop3A_625[%parallel_loop3A_626, %parallel_loop3A_627], %parallel_loop3A_630 {strides = array<i32>} : memref<128x128xf32, #tpu.memory_space<vmem>>, vector<1x16xf32>,
      %parallel_loop3A_631 = arith.constant 0 : i32
      %parallel_loop3A_632 = arith.addi %parallel_loop3A_631, %parallel_loop3A_540 : i32
      %parallel_loop3A_633 = arith.index_cast %parallel_loop3A_632 : i32 to index
      %parallel_loop3A_634 = arith.constant 96 : index
      %parallel_loop3A_635 = tpu.vector_load %arg8[%parallel_loop3A_633, %parallel_loop3A_634] {strides = array<i32>} : memref<256x128xf32, #tpu.memory_space<vmem>>, vector<1x16xf32>,
      %parallel_loop3A_636 = vector.shape_cast %parallel_loop3A_635 : vector<1x16xf32> to vector<16xf32>
      %parallel_loop3A_637 = arith.constant 0 : i32
      %parallel_loop3A_638 = arith.constant 0 : i32
      %parallel_loop3A_639 = tpu.memref_slice %arg7[%parallel_loop3A_69, %parallel_loop3A_637, %parallel_loop3A_638] : memref<5x128x128xf32, #tpu.memory_space<vmem>> -> memref<1x128x128xf32, #tpu.memory_space<vmem>>
      %parallel_loop3A_640 = tpu.memref_squeeze %parallel_loop3A_639 : memref<1x128x128xf32, #tpu.memory_space<vmem>> -> memref<128x128xf32, #tpu.memory_space<vmem>>
      %parallel_loop3A_641 = arith.index_cast %parallel_loop3A_540 : i32 to index
      %parallel_loop3A_642 = arith.constant 96 : index
      %parallel_loop3A_643 = tpu.vector_load %parallel_loop3A_640[%parallel_loop3A_641, %parallel_loop3A_642] {strides = array<i32>} : memref<128x128xf32, #tpu.memory_space<vmem>>, vector<1x16xf32>,
      %parallel_loop3A_644 = vector.shape_cast %parallel_loop3A_643 : vector<1x16xf32> to vector<16xf32>
      %parallel_loop3A_645 = vector.shape_cast %parallel_loop3A_636 : vector<16xf32> to vector<1x16xf32>
      tpu.vector_store %parallel_loop3A_640[%parallel_loop3A_641, %parallel_loop3A_642], %parallel_loop3A_645 {strides = array<i32>} : memref<128x128xf32, #tpu.memory_space<vmem>>, vector<1x16xf32>,
      %parallel_loop3A_646 = arith.constant 0 : i32
      %parallel_loop3A_647 = arith.addi %parallel_loop3A_646, %parallel_loop3A_540 : i32
      %parallel_loop3A_648 = arith.index_cast %parallel_loop3A_647 : i32 to index
      %parallel_loop3A_649 = arith.constant 112 : index
      %parallel_loop3A_650 = tpu.vector_load %arg8[%parallel_loop3A_648, %parallel_loop3A_649] {strides = array<i32>} : memref<256x128xf32, #tpu.memory_space<vmem>>, vector<1x16xf32>,
      %parallel_loop3A_651 = vector.shape_cast %parallel_loop3A_650 : vector<1x16xf32> to vector<16xf32>
      %parallel_loop3A_652 = arith.constant 0 : i32
      %parallel_loop3A_653 = arith.constant 0 : i32
      %parallel_loop3A_654 = tpu.memref_slice %arg7[%parallel_loop3A_69, %parallel_loop3A_652, %parallel_loop3A_653] : memref<5x128x128xf32, #tpu.memory_space<vmem>> -> memref<1x128x128xf32, #tpu.memory_space<vmem>>
      %parallel_loop3A_655 = tpu.memref_squeeze %parallel_loop3A_654 : memref<1x128x128xf32, #tpu.memory_space<vmem>> -> memref<128x128xf32, #tpu.memory_space<vmem>>
      %parallel_loop3A_656 = arith.index_cast %parallel_loop3A_540 : i32 to index
      %parallel_loop3A_657 = arith.constant 112 : index
      %parallel_loop3A_658 = tpu.vector_load %parallel_loop3A_655[%parallel_loop3A_656, %parallel_loop3A_657] {strides = array<i32>} : memref<128x128xf32, #tpu.memory_space<vmem>>, vector<1x16xf32>,
      %parallel_loop3A_659 = vector.shape_cast %parallel_loop3A_658 : vector<1x16xf32> to vector<16xf32>
      %parallel_loop3A_660 = vector.shape_cast %parallel_loop3A_651 : vector<16xf32> to vector<1x16xf32>
      tpu.vector_store %parallel_loop3A_655[%parallel_loop3A_656, %parallel_loop3A_657], %parallel_loop3A_660 {strides = array<i32>} : memref<128x128xf32, #tpu.memory_space<vmem>>, vector<1x16xf32>,
    } {sc.loop_unroll_factor = 2 : i64, sc.parallel_access}
    %dma_start3A_70 = arith.constant 2 : i32
    %dma_start3A_71 = arith.constant 2 : i32
    %dma_start3A_72 = arith.constant 0 : i32
    %dma_start3A_73 = arith.constant 0 : i32
    %dma_start3A_74 = tpu.memref_slice %arg7[%dma_start3A_71, %dma_start3A_72, %dma_start3A_73] : memref<5x128x128xf32, #tpu.memory_space<vmem>> -> memref<1x128x128xf32, #tpu.memory_space<vmem>>
    %dma_start3A_75 = tpu.memref_squeeze %dma_start3A_74 : memref<1x128x128xf32, #tpu.memory_space<vmem>> -> memref<128x128xf32, #tpu.memory_space<vmem>>
    %dma_start3A_76 = arith.constant 0 : i32
    %dma_start3A_77 = tpu.memref_slice %arg6[%dma_start3A_70, %dma_start3A_76] : memref<4x256xi32, #tpu.memory_space<vmem>> -> memref<1x128xi32, #tpu.memory_space<vmem>>
    %dma_start3A_78 = tpu.memref_squeeze %dma_start3A_77 : memref<1x128xi32, #tpu.memory_space<vmem>> -> memref<128xi32, #tpu.memory_space<vmem>>
    %dma_start3A_79 = arith.constant 0 : i32
    %dma_start3A_80 = arith.constant 0 : i32
    %dma_start3A_81 = tpu.memref_slice %arg3[%dma_start3A_79, %dma_start3A_80] : memref<100000x128xf32, #tpu.memory_space<hbm>> -> memref<100000x128xf32, #tpu.memory_space<hbm>>
    tpu.enqueue_indirect_dma source(%dma_start3A_81 : memref<100000x128xf32, #tpu.memory_space<hbm>>) target(%dma_start3A_75 : memref<128x128xf32, #tpu.memory_space<vmem>>) offsets(%dma_start3A_78 : memref<128xi32, #tpu.memory_space<vmem>>) semaphore(%arg9 : memref<!tpu.dma_semaphore, #tpu.memory_space<semaphore_mem>>) {add = true}
    %parallel_loop3A_82 = arith.constant 0 : i32
    %parallel_loop3A_83 = arith.constant 128 : i32
    %parallel_loop3A_84 = arith.constant 1 : i32
    %parallel_loop3A_85 = arith.constant 3 : i32
    scf.for %parallel_loop3A_540 = %parallel_loop3A_82 to %parallel_loop3A_83 step %parallel_loop3A_84  : i32 {
      %parallel_loop3A_541 = arith.constant 0 : i32
      %parallel_loop3A_542 = arith.addi %parallel_loop3A_541, %parallel_loop3A_540 : i32
      %parallel_loop3A_543 = arith.index_cast %parallel_loop3A_542 : i32 to index
      %parallel_loop3A_544 = arith.constant 0 : index
      %parallel_loop3A_545 = tpu.vector_load %arg8[%parallel_loop3A_543, %parallel_loop3A_544] {strides = array<i32>} : memref<256x128xf32, #tpu.memory_space<vmem>>, vector<1x16xf32>,
      %parallel_loop3A_546 = vector.shape_cast %parallel_loop3A_545 : vector<1x16xf32> to vector<16xf32>
      %parallel_loop3A_547 = arith.constant 0 : i32
      %parallel_loop3A_548 = arith.constant 0 : i32
      %parallel_loop3A_549 = tpu.memref_slice %arg7[%parallel_loop3A_85, %parallel_loop3A_547, %parallel_loop3A_548] : memref<5x128x128xf32, #tpu.memory_space<vmem>> -> memref<1x128x128xf32, #tpu.memory_space<vmem>>
      %parallel_loop3A_550 = tpu.memref_squeeze %parallel_loop3A_549 : memref<1x128x128xf32, #tpu.memory_space<vmem>> -> memref<128x128xf32, #tpu.memory_space<vmem>>
      %parallel_loop3A_551 = arith.index_cast %parallel_loop3A_540 : i32 to index
      %parallel_loop3A_552 = arith.constant 0 : index
      %parallel_loop3A_553 = tpu.vector_load %parallel_loop3A_550[%parallel_loop3A_551, %parallel_loop3A_552] {strides = array<i32>} : memref<128x128xf32, #tpu.memory_space<vmem>>, vector<1x16xf32>,
      %parallel_loop3A_554 = vector.shape_cast %parallel_loop3A_553 : vector<1x16xf32> to vector<16xf32>
      %parallel_loop3A_555 = vector.shape_cast %parallel_loop3A_546 : vector<16xf32> to vector<1x16xf32>
      tpu.vector_store %parallel_loop3A_550[%parallel_loop3A_551, %parallel_loop3A_552], %parallel_loop3A_555 {strides = array<i32>} : memref<128x128xf32, #tpu.memory_space<vmem>>, vector<1x16xf32>,
      %parallel_loop3A_556 = arith.constant 0 : i32
      %parallel_loop3A_557 = arith.addi %parallel_loop3A_556, %parallel_loop3A_540 : i32
      %parallel_loop3A_558 = arith.index_cast %parallel_loop3A_557 : i32 to index
      %parallel_loop3A_559 = arith.constant 16 : index
      %parallel_loop3A_560 = tpu.vector_load %arg8[%parallel_loop3A_558, %parallel_loop3A_559] {strides = array<i32>} : memref<256x128xf32, #tpu.memory_space<vmem>>, vector<1x16xf32>,
      %parallel_loop3A_561 = vector.shape_cast %parallel_loop3A_560 : vector<1x16xf32> to vector<16xf32>
      %parallel_loop3A_562 = arith.constant 0 : i32
      %parallel_loop3A_563 = arith.constant 0 : i32
      %parallel_loop3A_564 = tpu.memref_slice %arg7[%parallel_loop3A_85, %parallel_loop3A_562, %parallel_loop3A_563] : memref<5x128x128xf32, #tpu.memory_space<vmem>> -> memref<1x128x128xf32, #tpu.memory_space<vmem>>
      %parallel_loop3A_565 = tpu.memref_squeeze %parallel_loop3A_564 : memref<1x128x128xf32, #tpu.memory_space<vmem>> -> memref<128x128xf32, #tpu.memory_space<vmem>>
      %parallel_loop3A_566 = arith.index_cast %parallel_loop3A_540 : i32 to index
      %parallel_loop3A_567 = arith.constant 16 : index
      %parallel_loop3A_568 = tpu.vector_load %parallel_loop3A_565[%parallel_loop3A_566, %parallel_loop3A_567] {strides = array<i32>} : memref<128x128xf32, #tpu.memory_space<vmem>>, vector<1x16xf32>,
      %parallel_loop3A_569 = vector.shape_cast %parallel_loop3A_568 : vector<1x16xf32> to vector<16xf32>
      %parallel_loop3A_570 = vector.shape_cast %parallel_loop3A_561 : vector<16xf32> to vector<1x16xf32>
      tpu.vector_store %parallel_loop3A_565[%parallel_loop3A_566, %parallel_loop3A_567], %parallel_loop3A_570 {strides = array<i32>} : memref<128x128xf32, #tpu.memory_space<vmem>>, vector<1x16xf32>,
      %parallel_loop3A_571 = arith.constant 0 : i32
      %parallel_loop3A_572 = arith.addi %parallel_loop3A_571, %parallel_loop3A_540 : i32
      %parallel_loop3A_573 = arith.index_cast %parallel_loop3A_572 : i32 to index
      %parallel_loop3A_574 = arith.constant 32 : index
      %parallel_loop3A_575 = tpu.vector_load %arg8[%parallel_loop3A_573, %parallel_loop3A_574] {strides = array<i32>} : memref<256x128xf32, #tpu.memory_space<vmem>>, vector<1x16xf32>,
      %parallel_loop3A_576 = vector.shape_cast %parallel_loop3A_575 : vector<1x16xf32> to vector<16xf32>
      %parallel_loop3A_577 = arith.constant 0 : i32
      %parallel_loop3A_578 = arith.constant 0 : i32
      %parallel_loop3A_579 = tpu.memref_slice %arg7[%parallel_loop3A_85, %parallel_loop3A_577, %parallel_loop3A_578] : memref<5x128x128xf32, #tpu.memory_space<vmem>> -> memref<1x128x128xf32, #tpu.memory_space<vmem>>
      %parallel_loop3A_580 = tpu.memref_squeeze %parallel_loop3A_579 : memref<1x128x128xf32, #tpu.memory_space<vmem>> -> memref<128x128xf32, #tpu.memory_space<vmem>>
      %parallel_loop3A_581 = arith.index_cast %parallel_loop3A_540 : i32 to index
      %parallel_loop3A_582 = arith.constant 32 : index
      %parallel_loop3A_583 = tpu.vector_load %parallel_loop3A_580[%parallel_loop3A_581, %parallel_loop3A_582] {strides = array<i32>} : memref<128x128xf32, #tpu.memory_space<vmem>>, vector<1x16xf32>,
      %parallel_loop3A_584 = vector.shape_cast %parallel_loop3A_583 : vector<1x16xf32> to vector<16xf32>
      %parallel_loop3A_585 = vector.shape_cast %parallel_loop3A_576 : vector<16xf32> to vector<1x16xf32>
      tpu.vector_store %parallel_loop3A_580[%parallel_loop3A_581, %parallel_loop3A_582], %parallel_loop3A_585 {strides = array<i32>} : memref<128x128xf32, #tpu.memory_space<vmem>>, vector<1x16xf32>,
      %parallel_loop3A_586 = arith.constant 0 : i32
      %parallel_loop3A_587 = arith.addi %parallel_loop3A_586, %parallel_loop3A_540 : i32
      %parallel_loop3A_588 = arith.index_cast %parallel_loop3A_587 : i32 to index
      %parallel_loop3A_589 = arith.constant 48 : index
      %parallel_loop3A_590 = tpu.vector_load %arg8[%parallel_loop3A_588, %parallel_loop3A_589] {strides = array<i32>} : memref<256x128xf32, #tpu.memory_space<vmem>>, vector<1x16xf32>,
      %parallel_loop3A_591 = vector.shape_cast %parallel_loop3A_590 : vector<1x16xf32> to vector<16xf32>
      %parallel_loop3A_592 = arith.constant 0 : i32
      %parallel_loop3A_593 = arith.constant 0 : i32
      %parallel_loop3A_594 = tpu.memref_slice %arg7[%parallel_loop3A_85, %parallel_loop3A_592, %parallel_loop3A_593] : memref<5x128x128xf32, #tpu.memory_space<vmem>> -> memref<1x128x128xf32, #tpu.memory_space<vmem>>
      %parallel_loop3A_595 = tpu.memref_squeeze %parallel_loop3A_594 : memref<1x128x128xf32, #tpu.memory_space<vmem>> -> memref<128x128xf32, #tpu.memory_space<vmem>>
      %parallel_loop3A_596 = arith.index_cast %parallel_loop3A_540 : i32 to index
      %parallel_loop3A_597 = arith.constant 48 : index
      %parallel_loop3A_598 = tpu.vector_load %parallel_loop3A_595[%parallel_loop3A_596, %parallel_loop3A_597] {strides = array<i32>} : memref<128x128xf32, #tpu.memory_space<vmem>>, vector<1x16xf32>,
      %parallel_loop3A_599 = vector.shape_cast %parallel_loop3A_598 : vector<1x16xf32> to vector<16xf32>
      %parallel_loop3A_600 = vector.shape_cast %parallel_loop3A_591 : vector<16xf32> to vector<1x16xf32>
      tpu.vector_store %parallel_loop3A_595[%parallel_loop3A_596, %parallel_loop3A_597], %parallel_loop3A_600 {strides = array<i32>} : memref<128x128xf32, #tpu.memory_space<vmem>>, vector<1x16xf32>,
      %parallel_loop3A_601 = arith.constant 0 : i32
      %parallel_loop3A_602 = arith.addi %parallel_loop3A_601, %parallel_loop3A_540 : i32
      %parallel_loop3A_603 = arith.index_cast %parallel_loop3A_602 : i32 to index
      %parallel_loop3A_604 = arith.constant 64 : index
      %parallel_loop3A_605 = tpu.vector_load %arg8[%parallel_loop3A_603, %parallel_loop3A_604] {strides = array<i32>} : memref<256x128xf32, #tpu.memory_space<vmem>>, vector<1x16xf32>,
      %parallel_loop3A_606 = vector.shape_cast %parallel_loop3A_605 : vector<1x16xf32> to vector<16xf32>
      %parallel_loop3A_607 = arith.constant 0 : i32
      %parallel_loop3A_608 = arith.constant 0 : i32
      %parallel_loop3A_609 = tpu.memref_slice %arg7[%parallel_loop3A_85, %parallel_loop3A_607, %parallel_loop3A_608] : memref<5x128x128xf32, #tpu.memory_space<vmem>> -> memref<1x128x128xf32, #tpu.memory_space<vmem>>
      %parallel_loop3A_610 = tpu.memref_squeeze %parallel_loop3A_609 : memref<1x128x128xf32, #tpu.memory_space<vmem>> -> memref<128x128xf32, #tpu.memory_space<vmem>>
      %parallel_loop3A_611 = arith.index_cast %parallel_loop3A_540 : i32 to index
      %parallel_loop3A_612 = arith.constant 64 : index
      %parallel_loop3A_613 = tpu.vector_load %parallel_loop3A_610[%parallel_loop3A_611, %parallel_loop3A_612] {strides = array<i32>} : memref<128x128xf32, #tpu.memory_space<vmem>>, vector<1x16xf32>,
      %parallel_loop3A_614 = vector.shape_cast %parallel_loop3A_613 : vector<1x16xf32> to vector<16xf32>
      %parallel_loop3A_615 = vector.shape_cast %parallel_loop3A_606 : vector<16xf32> to vector<1x16xf32>
      tpu.vector_store %parallel_loop3A_610[%parallel_loop3A_611, %parallel_loop3A_612], %parallel_loop3A_615 {strides = array<i32>} : memref<128x128xf32, #tpu.memory_space<vmem>>, vector<1x16xf32>,
      %parallel_loop3A_616 = arith.constant 0 : i32
      %parallel_loop3A_617 = arith.addi %parallel_loop3A_616, %parallel_loop3A_540 : i32
      %parallel_loop3A_618 = arith.index_cast %parallel_loop3A_617 : i32 to index
      %parallel_loop3A_619 = arith.constant 80 : index
      %parallel_loop3A_620 = tpu.vector_load %arg8[%parallel_loop3A_618, %parallel_loop3A_619] {strides = array<i32>} : memref<256x128xf32, #tpu.memory_space<vmem>>, vector<1x16xf32>,
      %parallel_loop3A_621 = vector.shape_cast %parallel_loop3A_620 : vector<1x16xf32> to vector<16xf32>
      %parallel_loop3A_622 = arith.constant 0 : i32
      %parallel_loop3A_623 = arith.constant 0 : i32
      %parallel_loop3A_624 = tpu.memref_slice %arg7[%parallel_loop3A_85, %parallel_loop3A_622, %parallel_loop3A_623] : memref<5x128x128xf32, #tpu.memory_space<vmem>> -> memref<1x128x128xf32, #tpu.memory_space<vmem>>
      %parallel_loop3A_625 = tpu.memref_squeeze %parallel_loop3A_624 : memref<1x128x128xf32, #tpu.memory_space<vmem>> -> memref<128x128xf32, #tpu.memory_space<vmem>>
      %parallel_loop3A_626 = arith.index_cast %parallel_loop3A_540 : i32 to index
      %parallel_loop3A_627 = arith.constant 80 : index
      %parallel_loop3A_628 = tpu.vector_load %parallel_loop3A_625[%parallel_loop3A_626, %parallel_loop3A_627] {strides = array<i32>} : memref<128x128xf32, #tpu.memory_space<vmem>>, vector<1x16xf32>,
      %parallel_loop3A_629 = vector.shape_cast %parallel_loop3A_628 : vector<1x16xf32> to vector<16xf32>
      %parallel_loop3A_630 = vector.shape_cast %parallel_loop3A_621 : vector<16xf32> to vector<1x16xf32>
      tpu.vector_store %parallel_loop3A_625[%parallel_loop3A_626, %parallel_loop3A_627], %parallel_loop3A_630 {strides = array<i32>} : memref<128x128xf32, #tpu.memory_space<vmem>>, vector<1x16xf32>,
      %parallel_loop3A_631 = arith.constant 0 : i32
      %parallel_loop3A_632 = arith.addi %parallel_loop3A_631, %parallel_loop3A_540 : i32
      %parallel_loop3A_633 = arith.index_cast %parallel_loop3A_632 : i32 to index
      %parallel_loop3A_634 = arith.constant 96 : index
      %parallel_loop3A_635 = tpu.vector_load %arg8[%parallel_loop3A_633, %parallel_loop3A_634] {strides = array<i32>} : memref<256x128xf32, #tpu.memory_space<vmem>>, vector<1x16xf32>,
      %parallel_loop3A_636 = vector.shape_cast %parallel_loop3A_635 : vector<1x16xf32> to vector<16xf32>
      %parallel_loop3A_637 = arith.constant 0 : i32
      %parallel_loop3A_638 = arith.constant 0 : i32
      %parallel_loop3A_639 = tpu.memref_slice %arg7[%parallel_loop3A_85, %parallel_loop3A_637, %parallel_loop3A_638] : memref<5x128x128xf32, #tpu.memory_space<vmem>> -> memref<1x128x128xf32, #tpu.memory_space<vmem>>
      %parallel_loop3A_640 = tpu.memref_squeeze %parallel_loop3A_639 : memref<1x128x128xf32, #tpu.memory_space<vmem>> -> memref<128x128xf32, #tpu.memory_space<vmem>>
      %parallel_loop3A_641 = arith.index_cast %parallel_loop3A_540 : i32 to index
      %parallel_loop3A_642 = arith.constant 96 : index
      %parallel_loop3A_643 = tpu.vector_load %parallel_loop3A_640[%parallel_loop3A_641, %parallel_loop3A_642] {strides = array<i32>} : memref<128x128xf32, #tpu.memory_space<vmem>>, vector<1x16xf32>,
      %parallel_loop3A_644 = vector.shape_cast %parallel_loop3A_643 : vector<1x16xf32> to vector<16xf32>
      %parallel_loop3A_645 = vector.shape_cast %parallel_loop3A_636 : vector<16xf32> to vector<1x16xf32>
      tpu.vector_store %parallel_loop3A_640[%parallel_loop3A_641, %parallel_loop3A_642], %parallel_loop3A_645 {strides = array<i32>} : memref<128x128xf32, #tpu.memory_space<vmem>>, vector<1x16xf32>,
      %parallel_loop3A_646 = arith.constant 0 : i32
      %parallel_loop3A_647 = arith.addi %parallel_loop3A_646, %parallel_loop3A_540 : i32
      %parallel_loop3A_648 = arith.index_cast %parallel_loop3A_647 : i32 to index
      %parallel_loop3A_649 = arith.constant 112 : index
      %parallel_loop3A_650 = tpu.vector_load %arg8[%parallel_loop3A_648, %parallel_loop3A_649] {strides = array<i32>} : memref<256x128xf32, #tpu.memory_space<vmem>>, vector<1x16xf32>,
      %parallel_loop3A_651 = vector.shape_cast %parallel_loop3A_650 : vector<1x16xf32> to vector<16xf32>
      %parallel_loop3A_652 = arith.constant 0 : i32
      %parallel_loop3A_653 = arith.constant 0 : i32
      %parallel_loop3A_654 = tpu.memref_slice %arg7[%parallel_loop3A_85, %parallel_loop3A_652, %parallel_loop3A_653] : memref<5x128x128xf32, #tpu.memory_space<vmem>> -> memref<1x128x128xf32, #tpu.memory_space<vmem>>
      %parallel_loop3A_655 = tpu.memref_squeeze %parallel_loop3A_654 : memref<1x128x128xf32, #tpu.memory_space<vmem>> -> memref<128x128xf32, #tpu.memory_space<vmem>>
      %parallel_loop3A_656 = arith.index_cast %parallel_loop3A_540 : i32 to index
      %parallel_loop3A_657 = arith.constant 112 : index
      %parallel_loop3A_658 = tpu.vector_load %parallel_loop3A_655[%parallel_loop3A_656, %parallel_loop3A_657] {strides = array<i32>} : memref<128x128xf32, #tpu.memory_space<vmem>>, vector<1x16xf32>,
      %parallel_loop3A_659 = vector.shape_cast %parallel_loop3A_658 : vector<1x16xf32> to vector<16xf32>
      %parallel_loop3A_660 = vector.shape_cast %parallel_loop3A_651 : vector<16xf32> to vector<1x16xf32>
      tpu.vector_store %parallel_loop3A_655[%parallel_loop3A_656, %parallel_loop3A_657], %parallel_loop3A_660 {strides = array<i32>} : memref<128x128xf32, #tpu.memory_space<vmem>>, vector<1x16xf32>,
    } {sc.loop_unroll_factor = 2 : i64, sc.parallel_access}
    %dma_start3A_86 = arith.constant 3 : i32
    %dma_start3A_87 = arith.constant 3 : i32
    %dma_start3A_88 = arith.constant 0 : i32
    %dma_start3A_89 = arith.constant 0 : i32
    %dma_start3A_90 = tpu.memref_slice %arg7[%dma_start3A_87, %dma_start3A_88, %dma_start3A_89] : memref<5x128x128xf32, #tpu.memory_space<vmem>> -> memref<1x128x128xf32, #tpu.memory_space<vmem>>
    %dma_start3A_91 = tpu.memref_squeeze %dma_start3A_90 : memref<1x128x128xf32, #tpu.memory_space<vmem>> -> memref<128x128xf32, #tpu.memory_space<vmem>>
    %dma_start3A_92 = arith.constant 0 : i32
    %dma_start3A_93 = tpu.memref_slice %arg6[%dma_start3A_86, %dma_start3A_92] : memref<4x256xi32, #tpu.memory_space<vmem>> -> memref<1x128xi32, #tpu.memory_space<vmem>>
    %dma_start3A_94 = tpu.memref_squeeze %dma_start3A_93 : memref<1x128xi32, #tpu.memory_space<vmem>> -> memref<128xi32, #tpu.memory_space<vmem>>
    %dma_start3A_95 = arith.constant 0 : i32
    %dma_start3A_96 = arith.constant 0 : i32
    %dma_start3A_97 = tpu.memref_slice %arg3[%dma_start3A_95, %dma_start3A_96] : memref<100000x128xf32, #tpu.memory_space<hbm>> -> memref<100000x128xf32, #tpu.memory_space<hbm>>
    tpu.enqueue_indirect_dma source(%dma_start3A_97 : memref<100000x128xf32, #tpu.memory_space<hbm>>) target(%dma_start3A_91 : memref<128x128xf32, #tpu.memory_space<vmem>>) offsets(%dma_start3A_94 : memref<128xi32, #tpu.memory_space<vmem>>) semaphore(%arg9 : memref<!tpu.dma_semaphore, #tpu.memory_space<semaphore_mem>>) {add = true}
    %dma_wait3A_98 = arith.constant 128 : i32
    %dma_wait3A_99 = arith.constant 0 : i32
    %dma_wait3A_100 = tpu.memref_slice %arg8[%dma_wait3A_98, %dma_wait3A_99] : memref<256x128xf32, #tpu.memory_space<vmem>> -> memref<128x128xf32, #tpu.memory_space<vmem>>
    %dma_wait3A_101 = arith.constant 0 : i32
    %dma_wait3A_102 = tpu.memref_slice %arg4[%add3A_15, %dma_wait3A_101] : memref<8192x128xf32, #tpu.memory_space<hbm>> -> memref<128x128xf32, #tpu.memory_space<hbm>>
    %dma_wait3A_103 = arith.constant 128 : i32
    %dma_wait3A_104 = arith.constant 0 : i32
    %dma_wait3A_105 = tpu.memref_slice %arg8[%dma_wait3A_103, %dma_wait3A_104] : memref<256x128xf32, #tpu.memory_space<vmem>> -> memref<128x128xf32, #tpu.memory_space<vmem>>
    %dma_wait3A_106 = arith.constant 0 : i32
    %dma_wait3A_107 = tpu.memref_slice %arg4[%add3A_15, %dma_wait3A_106] : memref<8192x128xf32, #tpu.memory_space<hbm>> -> memref<128x128xf32, #tpu.memory_space<hbm>>
    tpu.wait_dma2 semaphore(%arg10 : memref<!tpu.dma_semaphore, #tpu.memory_space<semaphore_mem>>) src(%dma_wait3A_107 : memref<128x128xf32, #tpu.memory_space<hbm>>) dst(%dma_wait3A_105 : memref<128x128xf32, #tpu.memory_space<vmem>>)
    %parallel_loop3A_108 = arith.constant 0 : i32
    %parallel_loop3A_109 = arith.constant 128 : i32
    %parallel_loop3A_110 = arith.constant 1 : i32
    %parallel_loop3A_111 = arith.constant 4 : i32
    scf.for %parallel_loop3A_540 = %parallel_loop3A_108 to %parallel_loop3A_109 step %parallel_loop3A_110  : i32 {
      %parallel_loop3A_541 = arith.constant 128 : i32
      %parallel_loop3A_542 = arith.addi %parallel_loop3A_541, %parallel_loop3A_540 : i32
      %parallel_loop3A_543 = arith.index_cast %parallel_loop3A_542 : i32 to index
      %parallel_loop3A_544 = arith.constant 0 : index
      %parallel_loop3A_545 = tpu.vector_load %arg8[%parallel_loop3A_543, %parallel_loop3A_544] {strides = array<i32>} : memref<256x128xf32, #tpu.memory_space<vmem>>, vector<1x16xf32>,
      %parallel_loop3A_546 = vector.shape_cast %parallel_loop3A_545 : vector<1x16xf32> to vector<16xf32>
      %parallel_loop3A_547 = arith.constant 0 : i32
      %parallel_loop3A_548 = arith.constant 0 : i32
      %parallel_loop3A_549 = tpu.memref_slice %arg7[%parallel_loop3A_111, %parallel_loop3A_547, %parallel_loop3A_548] : memref<5x128x128xf32, #tpu.memory_space<vmem>> -> memref<1x128x128xf32, #tpu.memory_space<vmem>>
      %parallel_loop3A_550 = tpu.memref_squeeze %parallel_loop3A_549 : memref<1x128x128xf32, #tpu.memory_space<vmem>> -> memref<128x128xf32, #tpu.memory_space<vmem>>
      %parallel_loop3A_551 = arith.index_cast %parallel_loop3A_540 : i32 to index
      %parallel_loop3A_552 = arith.constant 0 : index
      %parallel_loop3A_553 = tpu.vector_load %parallel_loop3A_550[%parallel_loop3A_551, %parallel_loop3A_552] {strides = array<i32>} : memref<128x128xf32, #tpu.memory_space<vmem>>, vector<1x16xf32>,
      %parallel_loop3A_554 = vector.shape_cast %parallel_loop3A_553 : vector<1x16xf32> to vector<16xf32>
      %parallel_loop3A_555 = vector.shape_cast %parallel_loop3A_546 : vector<16xf32> to vector<1x16xf32>
      tpu.vector_store %parallel_loop3A_550[%parallel_loop3A_551, %parallel_loop3A_552], %parallel_loop3A_555 {strides = array<i32>} : memref<128x128xf32, #tpu.memory_space<vmem>>, vector<1x16xf32>,
      %parallel_loop3A_556 = arith.constant 128 : i32
      %parallel_loop3A_557 = arith.addi %parallel_loop3A_556, %parallel_loop3A_540 : i32
      %parallel_loop3A_558 = arith.index_cast %parallel_loop3A_557 : i32 to index
      %parallel_loop3A_559 = arith.constant 16 : index
      %parallel_loop3A_560 = tpu.vector_load %arg8[%parallel_loop3A_558, %parallel_loop3A_559] {strides = array<i32>} : memref<256x128xf32, #tpu.memory_space<vmem>>, vector<1x16xf32>,
      %parallel_loop3A_561 = vector.shape_cast %parallel_loop3A_560 : vector<1x16xf32> to vector<16xf32>
      %parallel_loop3A_562 = arith.constant 0 : i32
      %parallel_loop3A_563 = arith.constant 0 : i32
      %parallel_loop3A_564 = tpu.memref_slice %arg7[%parallel_loop3A_111, %parallel_loop3A_562, %parallel_loop3A_563] : memref<5x128x128xf32, #tpu.memory_space<vmem>> -> memref<1x128x128xf32, #tpu.memory_space<vmem>>
      %parallel_loop3A_565 = tpu.memref_squeeze %parallel_loop3A_564 : memref<1x128x128xf32, #tpu.memory_space<vmem>> -> memref<128x128xf32, #tpu.memory_space<vmem>>
      %parallel_loop3A_566 = arith.index_cast %parallel_loop3A_540 : i32 to index
      %parallel_loop3A_567 = arith.constant 16 : index
      %parallel_loop3A_568 = tpu.vector_load %parallel_loop3A_565[%parallel_loop3A_566, %parallel_loop3A_567] {strides = array<i32>} : memref<128x128xf32, #tpu.memory_space<vmem>>, vector<1x16xf32>,
      %parallel_loop3A_569 = vector.shape_cast %parallel_loop3A_568 : vector<1x16xf32> to vector<16xf32>
      %parallel_loop3A_570 = vector.shape_cast %parallel_loop3A_561 : vector<16xf32> to vector<1x16xf32>
      tpu.vector_store %parallel_loop3A_565[%parallel_loop3A_566, %parallel_loop3A_567], %parallel_loop3A_570 {strides = array<i32>} : memref<128x128xf32, #tpu.memory_space<vmem>>, vector<1x16xf32>,
      %parallel_loop3A_571 = arith.constant 128 : i32
      %parallel_loop3A_572 = arith.addi %parallel_loop3A_571, %parallel_loop3A_540 : i32
      %parallel_loop3A_573 = arith.index_cast %parallel_loop3A_572 : i32 to index
      %parallel_loop3A_574 = arith.constant 32 : index
      %parallel_loop3A_575 = tpu.vector_load %arg8[%parallel_loop3A_573, %parallel_loop3A_574] {strides = array<i32>} : memref<256x128xf32, #tpu.memory_space<vmem>>, vector<1x16xf32>,
      %parallel_loop3A_576 = vector.shape_cast %parallel_loop3A_575 : vector<1x16xf32> to vector<16xf32>
      %parallel_loop3A_577 = arith.constant 0 : i32
      %parallel_loop3A_578 = arith.constant 0 : i32
      %parallel_loop3A_579 = tpu.memref_slice %arg7[%parallel_loop3A_111, %parallel_loop3A_577, %parallel_loop3A_578] : memref<5x128x128xf32, #tpu.memory_space<vmem>> -> memref<1x128x128xf32, #tpu.memory_space<vmem>>
      %parallel_loop3A_580 = tpu.memref_squeeze %parallel_loop3A_579 : memref<1x128x128xf32, #tpu.memory_space<vmem>> -> memref<128x128xf32, #tpu.memory_space<vmem>>
      %parallel_loop3A_581 = arith.index_cast %parallel_loop3A_540 : i32 to index
      %parallel_loop3A_582 = arith.constant 32 : index
      %parallel_loop3A_583 = tpu.vector_load %parallel_loop3A_580[%parallel_loop3A_581, %parallel_loop3A_582] {strides = array<i32>} : memref<128x128xf32, #tpu.memory_space<vmem>>, vector<1x16xf32>,
      %parallel_loop3A_584 = vector.shape_cast %parallel_loop3A_583 : vector<1x16xf32> to vector<16xf32>
      %parallel_loop3A_585 = vector.shape_cast %parallel_loop3A_576 : vector<16xf32> to vector<1x16xf32>
      tpu.vector_store %parallel_loop3A_580[%parallel_loop3A_581, %parallel_loop3A_582], %parallel_loop3A_585 {strides = array<i32>} : memref<128x128xf32, #tpu.memory_space<vmem>>, vector<1x16xf32>,
      %parallel_loop3A_586 = arith.constant 128 : i32
      %parallel_loop3A_587 = arith.addi %parallel_loop3A_586, %parallel_loop3A_540 : i32
      %parallel_loop3A_588 = arith.index_cast %parallel_loop3A_587 : i32 to index
      %parallel_loop3A_589 = arith.constant 48 : index
      %parallel_loop3A_590 = tpu.vector_load %arg8[%parallel_loop3A_588, %parallel_loop3A_589] {strides = array<i32>} : memref<256x128xf32, #tpu.memory_space<vmem>>, vector<1x16xf32>,
      %parallel_loop3A_591 = vector.shape_cast %parallel_loop3A_590 : vector<1x16xf32> to vector<16xf32>
      %parallel_loop3A_592 = arith.constant 0 : i32
      %parallel_loop3A_593 = arith.constant 0 : i32
      %parallel_loop3A_594 = tpu.memref_slice %arg7[%parallel_loop3A_111, %parallel_loop3A_592, %parallel_loop3A_593] : memref<5x128x128xf32, #tpu.memory_space<vmem>> -> memref<1x128x128xf32, #tpu.memory_space<vmem>>
      %parallel_loop3A_595 = tpu.memref_squeeze %parallel_loop3A_594 : memref<1x128x128xf32, #tpu.memory_space<vmem>> -> memref<128x128xf32, #tpu.memory_space<vmem>>
      %parallel_loop3A_596 = arith.index_cast %parallel_loop3A_540 : i32 to index
      %parallel_loop3A_597 = arith.constant 48 : index
      %parallel_loop3A_598 = tpu.vector_load %parallel_loop3A_595[%parallel_loop3A_596, %parallel_loop3A_597] {strides = array<i32>} : memref<128x128xf32, #tpu.memory_space<vmem>>, vector<1x16xf32>,
      %parallel_loop3A_599 = vector.shape_cast %parallel_loop3A_598 : vector<1x16xf32> to vector<16xf32>
      %parallel_loop3A_600 = vector.shape_cast %parallel_loop3A_591 : vector<16xf32> to vector<1x16xf32>
      tpu.vector_store %parallel_loop3A_595[%parallel_loop3A_596, %parallel_loop3A_597], %parallel_loop3A_600 {strides = array<i32>} : memref<128x128xf32, #tpu.memory_space<vmem>>, vector<1x16xf32>,
      %parallel_loop3A_601 = arith.constant 128 : i32
      %parallel_loop3A_602 = arith.addi %parallel_loop3A_601, %parallel_loop3A_540 : i32
      %parallel_loop3A_603 = arith.index_cast %parallel_loop3A_602 : i32 to index
      %parallel_loop3A_604 = arith.constant 64 : index
      %parallel_loop3A_605 = tpu.vector_load %arg8[%parallel_loop3A_603, %parallel_loop3A_604] {strides = array<i32>} : memref<256x128xf32, #tpu.memory_space<vmem>>, vector<1x16xf32>,
      %parallel_loop3A_606 = vector.shape_cast %parallel_loop3A_605 : vector<1x16xf32> to vector<16xf32>
      %parallel_loop3A_607 = arith.constant 0 : i32
      %parallel_loop3A_608 = arith.constant 0 : i32
      %parallel_loop3A_609 = tpu.memref_slice %arg7[%parallel_loop3A_111, %parallel_loop3A_607, %parallel_loop3A_608] : memref<5x128x128xf32, #tpu.memory_space<vmem>> -> memref<1x128x128xf32, #tpu.memory_space<vmem>>
      %parallel_loop3A_610 = tpu.memref_squeeze %parallel_loop3A_609 : memref<1x128x128xf32, #tpu.memory_space<vmem>> -> memref<128x128xf32, #tpu.memory_space<vmem>>
      %parallel_loop3A_611 = arith.index_cast %parallel_loop3A_540 : i32 to index
      %parallel_loop3A_612 = arith.constant 64 : index
      %parallel_loop3A_613 = tpu.vector_load %parallel_loop3A_610[%parallel_loop3A_611, %parallel_loop3A_612] {strides = array<i32>} : memref<128x128xf32, #tpu.memory_space<vmem>>, vector<1x16xf32>,
      %parallel_loop3A_614 = vector.shape_cast %parallel_loop3A_613 : vector<1x16xf32> to vector<16xf32>
      %parallel_loop3A_615 = vector.shape_cast %parallel_loop3A_606 : vector<16xf32> to vector<1x16xf32>
      tpu.vector_store %parallel_loop3A_610[%parallel_loop3A_611, %parallel_loop3A_612], %parallel_loop3A_615 {strides = array<i32>} : memref<128x128xf32, #tpu.memory_space<vmem>>, vector<1x16xf32>,
      %parallel_loop3A_616 = arith.constant 128 : i32
      %parallel_loop3A_617 = arith.addi %parallel_loop3A_616, %parallel_loop3A_540 : i32
      %parallel_loop3A_618 = arith.index_cast %parallel_loop3A_617 : i32 to index
      %parallel_loop3A_619 = arith.constant 80 : index
      %parallel_loop3A_620 = tpu.vector_load %arg8[%parallel_loop3A_618, %parallel_loop3A_619] {strides = array<i32>} : memref<256x128xf32, #tpu.memory_space<vmem>>, vector<1x16xf32>,
      %parallel_loop3A_621 = vector.shape_cast %parallel_loop3A_620 : vector<1x16xf32> to vector<16xf32>
      %parallel_loop3A_622 = arith.constant 0 : i32
      %parallel_loop3A_623 = arith.constant 0 : i32
      %parallel_loop3A_624 = tpu.memref_slice %arg7[%parallel_loop3A_111, %parallel_loop3A_622, %parallel_loop3A_623] : memref<5x128x128xf32, #tpu.memory_space<vmem>> -> memref<1x128x128xf32, #tpu.memory_space<vmem>>
      %parallel_loop3A_625 = tpu.memref_squeeze %parallel_loop3A_624 : memref<1x128x128xf32, #tpu.memory_space<vmem>> -> memref<128x128xf32, #tpu.memory_space<vmem>>
      %parallel_loop3A_626 = arith.index_cast %parallel_loop3A_540 : i32 to index
      %parallel_loop3A_627 = arith.constant 80 : index
      %parallel_loop3A_628 = tpu.vector_load %parallel_loop3A_625[%parallel_loop3A_626, %parallel_loop3A_627] {strides = array<i32>} : memref<128x128xf32, #tpu.memory_space<vmem>>, vector<1x16xf32>,
      %parallel_loop3A_629 = vector.shape_cast %parallel_loop3A_628 : vector<1x16xf32> to vector<16xf32>
      %parallel_loop3A_630 = vector.shape_cast %parallel_loop3A_621 : vector<16xf32> to vector<1x16xf32>
      tpu.vector_store %parallel_loop3A_625[%parallel_loop3A_626, %parallel_loop3A_627], %parallel_loop3A_630 {strides = array<i32>} : memref<128x128xf32, #tpu.memory_space<vmem>>, vector<1x16xf32>,
      %parallel_loop3A_631 = arith.constant 128 : i32
      %parallel_loop3A_632 = arith.addi %parallel_loop3A_631, %parallel_loop3A_540 : i32
      %parallel_loop3A_633 = arith.index_cast %parallel_loop3A_632 : i32 to index
      %parallel_loop3A_634 = arith.constant 96 : index
      %parallel_loop3A_635 = tpu.vector_load %arg8[%parallel_loop3A_633, %parallel_loop3A_634] {strides = array<i32>} : memref<256x128xf32, #tpu.memory_space<vmem>>, vector<1x16xf32>,
      %parallel_loop3A_636 = vector.shape_cast %parallel_loop3A_635 : vector<1x16xf32> to vector<16xf32>
      %parallel_loop3A_637 = arith.constant 0 : i32
      %parallel_loop3A_638 = arith.constant 0 : i32
      %parallel_loop3A_639 = tpu.memref_slice %arg7[%parallel_loop3A_111, %parallel_loop3A_637, %parallel_loop3A_638] : memref<5x128x128xf32, #tpu.memory_space<vmem>> -> memref<1x128x128xf32, #tpu.memory_space<vmem>>
      %parallel_loop3A_640 = tpu.memref_squeeze %parallel_loop3A_639 : memref<1x128x128xf32, #tpu.memory_space<vmem>> -> memref<128x128xf32, #tpu.memory_space<vmem>>
      %parallel_loop3A_641 = arith.index_cast %parallel_loop3A_540 : i32 to index
      %parallel_loop3A_642 = arith.constant 96 : index
      %parallel_loop3A_643 = tpu.vector_load %parallel_loop3A_640[%parallel_loop3A_641, %parallel_loop3A_642] {strides = array<i32>} : memref<128x128xf32, #tpu.memory_space<vmem>>, vector<1x16xf32>,
      %parallel_loop3A_644 = vector.shape_cast %parallel_loop3A_643 : vector<1x16xf32> to vector<16xf32>
      %parallel_loop3A_645 = vector.shape_cast %parallel_loop3A_636 : vector<16xf32> to vector<1x16xf32>
      tpu.vector_store %parallel_loop3A_640[%parallel_loop3A_641, %parallel_loop3A_642], %parallel_loop3A_645 {strides = array<i32>} : memref<128x128xf32, #tpu.memory_space<vmem>>, vector<1x16xf32>,
      %parallel_loop3A_646 = arith.constant 128 : i32
      %parallel_loop3A_647 = arith.addi %parallel_loop3A_646, %parallel_loop3A_540 : i32
      %parallel_loop3A_648 = arith.index_cast %parallel_loop3A_647 : i32 to index
      %parallel_loop3A_649 = arith.constant 112 : index
      %parallel_loop3A_650 = tpu.vector_load %arg8[%parallel_loop3A_648, %parallel_loop3A_649] {strides = array<i32>} : memref<256x128xf32, #tpu.memory_space<vmem>>, vector<1x16xf32>,
      %parallel_loop3A_651 = vector.shape_cast %parallel_loop3A_650 : vector<1x16xf32> to vector<16xf32>
      %parallel_loop3A_652 = arith.constant 0 : i32
      %parallel_loop3A_653 = arith.constant 0 : i32
      %parallel_loop3A_654 = tpu.memref_slice %arg7[%parallel_loop3A_111, %parallel_loop3A_652, %parallel_loop3A_653] : memref<5x128x128xf32, #tpu.memory_space<vmem>> -> memref<1x128x128xf32, #tpu.memory_space<vmem>>
      %parallel_loop3A_655 = tpu.memref_squeeze %parallel_loop3A_654 : memref<1x128x128xf32, #tpu.memory_space<vmem>> -> memref<128x128xf32, #tpu.memory_space<vmem>>
      %parallel_loop3A_656 = arith.index_cast %parallel_loop3A_540 : i32 to index
      %parallel_loop3A_657 = arith.constant 112 : index
      %parallel_loop3A_658 = tpu.vector_load %parallel_loop3A_655[%parallel_loop3A_656, %parallel_loop3A_657] {strides = array<i32>} : memref<128x128xf32, #tpu.memory_space<vmem>>, vector<1x16xf32>,
      %parallel_loop3A_659 = vector.shape_cast %parallel_loop3A_658 : vector<1x16xf32> to vector<16xf32>
      %parallel_loop3A_660 = vector.shape_cast %parallel_loop3A_651 : vector<16xf32> to vector<1x16xf32>
      tpu.vector_store %parallel_loop3A_655[%parallel_loop3A_656, %parallel_loop3A_657], %parallel_loop3A_660 {strides = array<i32>} : memref<128x128xf32, #tpu.memory_space<vmem>>, vector<1x16xf32>,
    } {sc.loop_unroll_factor = 2 : i64, sc.parallel_access}
    %dma_start3A_112 = arith.constant 0 : i32
    %dma_start3A_113 = arith.constant 4 : i32
    %dma_start3A_114 = arith.constant 0 : i32
    %dma_start3A_115 = arith.constant 0 : i32
    %dma_start3A_116 = tpu.memref_slice %arg7[%dma_start3A_113, %dma_start3A_114, %dma_start3A_115] : memref<5x128x128xf32, #tpu.memory_space<vmem>> -> memref<1x128x128xf32, #tpu.memory_space<vmem>>
    %dma_start3A_117 = tpu.memref_squeeze %dma_start3A_116 : memref<1x128x128xf32, #tpu.memory_space<vmem>> -> memref<128x128xf32, #tpu.memory_space<vmem>>
    %dma_start3A_118 = arith.constant 128 : i32
    %dma_start3A_119 = tpu.memref_slice %arg6[%dma_start3A_112, %dma_start3A_118] : memref<4x256xi32, #tpu.memory_space<vmem>> -> memref<1x128xi32, #tpu.memory_space<vmem>>
    %dma_start3A_120 = tpu.memref_squeeze %dma_start3A_119 : memref<1x128xi32, #tpu.memory_space<vmem>> -> memref<128xi32, #tpu.memory_space<vmem>>
    %dma_start3A_121 = arith.constant 0 : i32
    %dma_start3A_122 = arith.constant 0 : i32
    %dma_start3A_123 = tpu.memref_slice %arg3[%dma_start3A_121, %dma_start3A_122] : memref<100000x128xf32, #tpu.memory_space<hbm>> -> memref<100000x128xf32, #tpu.memory_space<hbm>>
    tpu.enqueue_indirect_dma source(%dma_start3A_123 : memref<100000x128xf32, #tpu.memory_space<hbm>>) target(%dma_start3A_117 : memref<128x128xf32, #tpu.memory_space<vmem>>) offsets(%dma_start3A_120 : memref<128xi32, #tpu.memory_space<vmem>>) semaphore(%arg9 : memref<!tpu.dma_semaphore, #tpu.memory_space<semaphore_mem>>) {add = true}
    %dma_wait3A_124 = arith.constant 0 : i32
    %dma_wait3A_125 = arith.constant 0 : i32
    %dma_wait3A_126 = arith.constant 0 : i32
    %dma_wait3A_127 = arith.constant 0 : i32
    %dma_wait3A_128 = tpu.memref_slice %arg7[%dma_wait3A_125, %dma_wait3A_126, %dma_wait3A_127] : memref<5x128x128xf32, #tpu.memory_space<vmem>> -> memref<1x128x128xf32, #tpu.memory_space<vmem>>
    %dma_wait3A_129 = tpu.memref_squeeze %dma_wait3A_128 : memref<1x128x128xf32, #tpu.memory_space<vmem>> -> memref<128x128xf32, #tpu.memory_space<vmem>>
    %dma_wait3A_130 = arith.constant 0 : i32
    %dma_wait3A_131 = tpu.memref_slice %arg6[%dma_wait3A_124, %dma_wait3A_130] : memref<4x256xi32, #tpu.memory_space<vmem>> -> memref<1x128xi32, #tpu.memory_space<vmem>>
    %dma_wait3A_132 = tpu.memref_squeeze %dma_wait3A_131 : memref<1x128xi32, #tpu.memory_space<vmem>> -> memref<128xi32, #tpu.memory_space<vmem>>
    %dma_wait3A_133 = arith.constant 0 : i32
    %dma_wait3A_134 = arith.constant 0 : i32
    %dma_wait3A_135 = tpu.memref_slice %arg3[%dma_wait3A_133, %dma_wait3A_134] : memref<100000x128xf32, #tpu.memory_space<hbm>> -> memref<100000x128xf32, #tpu.memory_space<hbm>>
    tpu.wait_indirect_dma semaphore(%arg9 : memref<!tpu.dma_semaphore, #tpu.memory_space<semaphore_mem>>) src(%dma_wait3A_135 : memref<100000x128xf32, #tpu.memory_space<hbm>>) dst(%dma_wait3A_129 : memref<128x128xf32, #tpu.memory_space<vmem>>)
    %add3A_136 = arith.constant 0 : i32
    %add3A_137 = arith.addi %mul3A_2, %add3A_136 : i32
    %dma_start3A_138 = arith.constant 0 : i32
    %dma_start3A_139 = arith.constant 0 : i32
    %dma_start3A_140 = arith.constant 0 : i32
    %dma_start3A_141 = arith.constant 0 : i32
    %dma_start3A_142 = tpu.memref_slice %arg7[%dma_start3A_138, %dma_start3A_140, %dma_start3A_141] : memref<5x128x128xf32, #tpu.memory_space<vmem>> -> memref<1x128x128xf32, #tpu.memory_space<vmem>>
    %dma_start3A_143 = tpu.memref_squeeze %dma_start3A_142 : memref<1x128x128xf32, #tpu.memory_space<vmem>> -> memref<128x128xf32, #tpu.memory_space<vmem>>
    %dma_start3A_144 = arith.constant 0 : i32
    %dma_start3A_145 = tpu.memref_slice %arg5[%dma_start3A_139, %add3A_137, %dma_start3A_144] : memref<4x8192x128xf32, #tpu.memory_space<hbm>> -> memref<1x128x128xf32, #tpu.memory_space<hbm>>
    %dma_start3A_146 = tpu.memref_squeeze %dma_start3A_145 : memref<1x128x128xf32, #tpu.memory_space<hbm>> -> memref<128x128xf32, #tpu.memory_space<hbm>>
    %dma_start3A_147 = arith.constant 0 : i32
    %dma_start3A_148 = tpu.memref_slice %arg5[%dma_start3A_139, %add3A_137, %dma_start3A_147] : memref<4x8192x128xf32, #tpu.memory_space<hbm>> -> memref<1x128x128xf32, #tpu.memory_space<hbm>>
    %dma_start3A_149 = tpu.memref_squeeze %dma_start3A_148 : memref<1x128x128xf32, #tpu.memory_space<hbm>> -> memref<128x128xf32, #tpu.memory_space<hbm>>
    %dma_start3A_150 = arith.constant 0 : i32
    %dma_start3A_151 = arith.constant 0 : i32
    %dma_start3A_152 = tpu.memref_slice %arg7[%dma_start3A_138, %dma_start3A_150, %dma_start3A_151] : memref<5x128x128xf32, #tpu.memory_space<vmem>> -> memref<1x128x128xf32, #tpu.memory_space<vmem>>
    %dma_start3A_153 = tpu.memref_squeeze %dma_start3A_152 : memref<1x128x128xf32, #tpu.memory_space<vmem>> -> memref<128x128xf32, #tpu.memory_space<vmem>>
    tpu.enqueue_dma source(%dma_start3A_153 : memref<128x128xf32, #tpu.memory_space<vmem>>) target(%dma_start3A_149 : memref<128x128xf32, #tpu.memory_space<hbm>>) target_semaphore(%arg11 : memref<!tpu.dma_semaphore, #tpu.memory_space<semaphore_mem>>)
    %dma_wait3A_154 = arith.constant 0 : i32
    %dma_wait3A_155 = arith.constant 0 : i32
    %dma_wait3A_156 = arith.constant 0 : i32
    %dma_wait3A_157 = arith.constant 0 : i32
    %dma_wait3A_158 = tpu.memref_slice %arg7[%dma_wait3A_154, %dma_wait3A_156, %dma_wait3A_157] : memref<5x128x128xf32, #tpu.memory_space<vmem>> -> memref<1x128x128xf32, #tpu.memory_space<vmem>>
    %dma_wait3A_159 = tpu.memref_squeeze %dma_wait3A_158 : memref<1x128x128xf32, #tpu.memory_space<vmem>> -> memref<128x128xf32, #tpu.memory_space<vmem>>
    %dma_wait3A_160 = arith.constant 0 : i32
    %dma_wait3A_161 = tpu.memref_slice %arg5[%dma_wait3A_155, %add3A_137, %dma_wait3A_160] : memref<4x8192x128xf32, #tpu.memory_space<hbm>> -> memref<1x128x128xf32, #tpu.memory_space<hbm>>
    %dma_wait3A_162 = tpu.memref_squeeze %dma_wait3A_161 : memref<1x128x128xf32, #tpu.memory_space<hbm>> -> memref<128x128xf32, #tpu.memory_space<hbm>>
    %dma_wait3A_163 = arith.constant 0 : i32
    %dma_wait3A_164 = tpu.memref_slice %arg5[%dma_wait3A_155, %add3A_137, %dma_wait3A_163] : memref<4x8192x128xf32, #tpu.memory_space<hbm>> -> memref<1x128x128xf32, #tpu.memory_space<hbm>>
    %dma_wait3A_165 = tpu.memref_squeeze %dma_wait3A_164 : memref<1x128x128xf32, #tpu.memory_space<hbm>> -> memref<128x128xf32, #tpu.memory_space<hbm>>
    %dma_wait3A_166 = arith.constant 0 : i32
    %dma_wait3A_167 = arith.constant 0 : i32
    %dma_wait3A_168 = tpu.memref_slice %arg7[%dma_wait3A_154, %dma_wait3A_166, %dma_wait3A_167] : memref<5x128x128xf32, #tpu.memory_space<vmem>> -> memref<1x128x128xf32, #tpu.memory_space<vmem>>
    %dma_wait3A_169 = tpu.memref_squeeze %dma_wait3A_168 : memref<1x128x128xf32, #tpu.memory_space<vmem>> -> memref<128x128xf32, #tpu.memory_space<vmem>>
    tpu.wait_dma2 semaphore(%arg11 : memref<!tpu.dma_semaphore, #tpu.memory_space<semaphore_mem>>) src(%dma_wait3A_169 : memref<128x128xf32, #tpu.memory_space<vmem>>) dst(%dma_wait3A_165 : memref<128x128xf32, #tpu.memory_space<hbm>>)
    %parallel_loop3A_170 = arith.constant 0 : i32
    %parallel_loop3A_171 = arith.constant 128 : i32
    %parallel_loop3A_172 = arith.constant 1 : i32
    %parallel_loop3A_173 = arith.constant 0 : i32
    scf.for %parallel_loop3A_540 = %parallel_loop3A_170 to %parallel_loop3A_171 step %parallel_loop3A_172  : i32 {
      %parallel_loop3A_541 = arith.constant 128 : i32
      %parallel_loop3A_542 = arith.addi %parallel_loop3A_541, %parallel_loop3A_540 : i32
      %parallel_loop3A_543 = arith.index_cast %parallel_loop3A_542 : i32 to index
      %parallel_loop3A_544 = arith.constant 0 : index
      %parallel_loop3A_545 = tpu.vector_load %arg8[%parallel_loop3A_543, %parallel_loop3A_544] {strides = array<i32>} : memref<256x128xf32, #tpu.memory_space<vmem>>, vector<1x16xf32>,
      %parallel_loop3A_546 = vector.shape_cast %parallel_loop3A_545 : vector<1x16xf32> to vector<16xf32>
      %parallel_loop3A_547 = arith.constant 0 : i32
      %parallel_loop3A_548 = arith.constant 0 : i32
      %parallel_loop3A_549 = tpu.memref_slice %arg7[%parallel_loop3A_173, %parallel_loop3A_547, %parallel_loop3A_548] : memref<5x128x128xf32, #tpu.memory_space<vmem>> -> memref<1x128x128xf32, #tpu.memory_space<vmem>>
      %parallel_loop3A_550 = tpu.memref_squeeze %parallel_loop3A_549 : memref<1x128x128xf32, #tpu.memory_space<vmem>> -> memref<128x128xf32, #tpu.memory_space<vmem>>
      %parallel_loop3A_551 = arith.index_cast %parallel_loop3A_540 : i32 to index
      %parallel_loop3A_552 = arith.constant 0 : index
      %parallel_loop3A_553 = tpu.vector_load %parallel_loop3A_550[%parallel_loop3A_551, %parallel_loop3A_552] {strides = array<i32>} : memref<128x128xf32, #tpu.memory_space<vmem>>, vector<1x16xf32>,
      %parallel_loop3A_554 = vector.shape_cast %parallel_loop3A_553 : vector<1x16xf32> to vector<16xf32>
      %parallel_loop3A_555 = vector.shape_cast %parallel_loop3A_546 : vector<16xf32> to vector<1x16xf32>
      tpu.vector_store %parallel_loop3A_550[%parallel_loop3A_551, %parallel_loop3A_552], %parallel_loop3A_555 {strides = array<i32>} : memref<128x128xf32, #tpu.memory_space<vmem>>, vector<1x16xf32>,
      %parallel_loop3A_556 = arith.constant 128 : i32
      %parallel_loop3A_557 = arith.addi %parallel_loop3A_556, %parallel_loop3A_540 : i32
      %parallel_loop3A_558 = arith.index_cast %parallel_loop3A_557 : i32 to index
      %parallel_loop3A_559 = arith.constant 16 : index
      %parallel_loop3A_560 = tpu.vector_load %arg8[%parallel_loop3A_558, %parallel_loop3A_559] {strides = array<i32>} : memref<256x128xf32, #tpu.memory_space<vmem>>, vector<1x16xf32>,
      %parallel_loop3A_561 = vector.shape_cast %parallel_loop3A_560 : vector<1x16xf32> to vector<16xf32>
      %parallel_loop3A_562 = arith.constant 0 : i32
      %parallel_loop3A_563 = arith.constant 0 : i32
      %parallel_loop3A_564 = tpu.memref_slice %arg7[%parallel_loop3A_173, %parallel_loop3A_562, %parallel_loop3A_563] : memref<5x128x128xf32, #tpu.memory_space<vmem>> -> memref<1x128x128xf32, #tpu.memory_space<vmem>>
      %parallel_loop3A_565 = tpu.memref_squeeze %parallel_loop3A_564 : memref<1x128x128xf32, #tpu.memory_space<vmem>> -> memref<128x128xf32, #tpu.memory_space<vmem>>
      %parallel_loop3A_566 = arith.index_cast %parallel_loop3A_540 : i32 to index
      %parallel_loop3A_567 = arith.constant 16 : index
      %parallel_loop3A_568 = tpu.vector_load %parallel_loop3A_565[%parallel_loop3A_566, %parallel_loop3A_567] {strides = array<i32>} : memref<128x128xf32, #tpu.memory_space<vmem>>, vector<1x16xf32>,
      %parallel_loop3A_569 = vector.shape_cast %parallel_loop3A_568 : vector<1x16xf32> to vector<16xf32>
      %parallel_loop3A_570 = vector.shape_cast %parallel_loop3A_561 : vector<16xf32> to vector<1x16xf32>
      tpu.vector_store %parallel_loop3A_565[%parallel_loop3A_566, %parallel_loop3A_567], %parallel_loop3A_570 {strides = array<i32>} : memref<128x128xf32, #tpu.memory_space<vmem>>, vector<1x16xf32>,
      %parallel_loop3A_571 = arith.constant 128 : i32
      %parallel_loop3A_572 = arith.addi %parallel_loop3A_571, %parallel_loop3A_540 : i32
      %parallel_loop3A_573 = arith.index_cast %parallel_loop3A_572 : i32 to index
      %parallel_loop3A_574 = arith.constant 32 : index
      %parallel_loop3A_575 = tpu.vector_load %arg8[%parallel_loop3A_573, %parallel_loop3A_574] {strides = array<i32>} : memref<256x128xf32, #tpu.memory_space<vmem>>, vector<1x16xf32>,
      %parallel_loop3A_576 = vector.shape_cast %parallel_loop3A_575 : vector<1x16xf32> to vector<16xf32>
      %parallel_loop3A_577 = arith.constant 0 : i32
      %parallel_loop3A_578 = arith.constant 0 : i32
      %parallel_loop3A_579 = tpu.memref_slice %arg7[%parallel_loop3A_173, %parallel_loop3A_577, %parallel_loop3A_578] : memref<5x128x128xf32, #tpu.memory_space<vmem>> -> memref<1x128x128xf32, #tpu.memory_space<vmem>>
      %parallel_loop3A_580 = tpu.memref_squeeze %parallel_loop3A_579 : memref<1x128x128xf32, #tpu.memory_space<vmem>> -> memref<128x128xf32, #tpu.memory_space<vmem>>
      %parallel_loop3A_581 = arith.index_cast %parallel_loop3A_540 : i32 to index
      %parallel_loop3A_582 = arith.constant 32 : index
      %parallel_loop3A_583 = tpu.vector_load %parallel_loop3A_580[%parallel_loop3A_581, %parallel_loop3A_582] {strides = array<i32>} : memref<128x128xf32, #tpu.memory_space<vmem>>, vector<1x16xf32>,
      %parallel_loop3A_584 = vector.shape_cast %parallel_loop3A_583 : vector<1x16xf32> to vector<16xf32>
      %parallel_loop3A_585 = vector.shape_cast %parallel_loop3A_576 : vector<16xf32> to vector<1x16xf32>
      tpu.vector_store %parallel_loop3A_580[%parallel_loop3A_581, %parallel_loop3A_582], %parallel_loop3A_585 {strides = array<i32>} : memref<128x128xf32, #tpu.memory_space<vmem>>, vector<1x16xf32>,
      %parallel_loop3A_586 = arith.constant 128 : i32
      %parallel_loop3A_587 = arith.addi %parallel_loop3A_586, %parallel_loop3A_540 : i32
      %parallel_loop3A_588 = arith.index_cast %parallel_loop3A_587 : i32 to index
      %parallel_loop3A_589 = arith.constant 48 : index
      %parallel_loop3A_590 = tpu.vector_load %arg8[%parallel_loop3A_588, %parallel_loop3A_589] {strides = array<i32>} : memref<256x128xf32, #tpu.memory_space<vmem>>, vector<1x16xf32>,
      %parallel_loop3A_591 = vector.shape_cast %parallel_loop3A_590 : vector<1x16xf32> to vector<16xf32>
      %parallel_loop3A_592 = arith.constant 0 : i32
      %parallel_loop3A_593 = arith.constant 0 : i32
      %parallel_loop3A_594 = tpu.memref_slice %arg7[%parallel_loop3A_173, %parallel_loop3A_592, %parallel_loop3A_593] : memref<5x128x128xf32, #tpu.memory_space<vmem>> -> memref<1x128x128xf32, #tpu.memory_space<vmem>>
      %parallel_loop3A_595 = tpu.memref_squeeze %parallel_loop3A_594 : memref<1x128x128xf32, #tpu.memory_space<vmem>> -> memref<128x128xf32, #tpu.memory_space<vmem>>
      %parallel_loop3A_596 = arith.index_cast %parallel_loop3A_540 : i32 to index
      %parallel_loop3A_597 = arith.constant 48 : index
      %parallel_loop3A_598 = tpu.vector_load %parallel_loop3A_595[%parallel_loop3A_596, %parallel_loop3A_597] {strides = array<i32>} : memref<128x128xf32, #tpu.memory_space<vmem>>, vector<1x16xf32>,
      %parallel_loop3A_599 = vector.shape_cast %parallel_loop3A_598 : vector<1x16xf32> to vector<16xf32>
      %parallel_loop3A_600 = vector.shape_cast %parallel_loop3A_591 : vector<16xf32> to vector<1x16xf32>
      tpu.vector_store %parallel_loop3A_595[%parallel_loop3A_596, %parallel_loop3A_597], %parallel_loop3A_600 {strides = array<i32>} : memref<128x128xf32, #tpu.memory_space<vmem>>, vector<1x16xf32>,
      %parallel_loop3A_601 = arith.constant 128 : i32
      %parallel_loop3A_602 = arith.addi %parallel_loop3A_601, %parallel_loop3A_540 : i32
      %parallel_loop3A_603 = arith.index_cast %parallel_loop3A_602 : i32 to index
      %parallel_loop3A_604 = arith.constant 64 : index
      %parallel_loop3A_605 = tpu.vector_load %arg8[%parallel_loop3A_603, %parallel_loop3A_604] {strides = array<i32>} : memref<256x128xf32, #tpu.memory_space<vmem>>, vector<1x16xf32>,
      %parallel_loop3A_606 = vector.shape_cast %parallel_loop3A_605 : vector<1x16xf32> to vector<16xf32>
      %parallel_loop3A_607 = arith.constant 0 : i32
      %parallel_loop3A_608 = arith.constant 0 : i32
      %parallel_loop3A_609 = tpu.memref_slice %arg7[%parallel_loop3A_173, %parallel_loop3A_607, %parallel_loop3A_608] : memref<5x128x128xf32, #tpu.memory_space<vmem>> -> memref<1x128x128xf32, #tpu.memory_space<vmem>>
      %parallel_loop3A_610 = tpu.memref_squeeze %parallel_loop3A_609 : memref<1x128x128xf32, #tpu.memory_space<vmem>> -> memref<128x128xf32, #tpu.memory_space<vmem>>
      %parallel_loop3A_611 = arith.index_cast %parallel_loop3A_540 : i32 to index
      %parallel_loop3A_612 = arith.constant 64 : index
      %parallel_loop3A_613 = tpu.vector_load %parallel_loop3A_610[%parallel_loop3A_611, %parallel_loop3A_612] {strides = array<i32>} : memref<128x128xf32, #tpu.memory_space<vmem>>, vector<1x16xf32>,
      %parallel_loop3A_614 = vector.shape_cast %parallel_loop3A_613 : vector<1x16xf32> to vector<16xf32>
      %parallel_loop3A_615 = vector.shape_cast %parallel_loop3A_606 : vector<16xf32> to vector<1x16xf32>
      tpu.vector_store %parallel_loop3A_610[%parallel_loop3A_611, %parallel_loop3A_612], %parallel_loop3A_615 {strides = array<i32>} : memref<128x128xf32, #tpu.memory_space<vmem>>, vector<1x16xf32>,
      %parallel_loop3A_616 = arith.constant 128 : i32
      %parallel_loop3A_617 = arith.addi %parallel_loop3A_616, %parallel_loop3A_540 : i32
      %parallel_loop3A_618 = arith.index_cast %parallel_loop3A_617 : i32 to index
      %parallel_loop3A_619 = arith.constant 80 : index
      %parallel_loop3A_620 = tpu.vector_load %arg8[%parallel_loop3A_618, %parallel_loop3A_619] {strides = array<i32>} : memref<256x128xf32, #tpu.memory_space<vmem>>, vector<1x16xf32>,
      %parallel_loop3A_621 = vector.shape_cast %parallel_loop3A_620 : vector<1x16xf32> to vector<16xf32>
      %parallel_loop3A_622 = arith.constant 0 : i32
      %parallel_loop3A_623 = arith.constant 0 : i32
      %parallel_loop3A_624 = tpu.memref_slice %arg7[%parallel_loop3A_173, %parallel_loop3A_622, %parallel_loop3A_623] : memref<5x128x128xf32, #tpu.memory_space<vmem>> -> memref<1x128x128xf32, #tpu.memory_space<vmem>>
      %parallel_loop3A_625 = tpu.memref_squeeze %parallel_loop3A_624 : memref<1x128x128xf32, #tpu.memory_space<vmem>> -> memref<128x128xf32, #tpu.memory_space<vmem>>
      %parallel_loop3A_626 = arith.index_cast %parallel_loop3A_540 : i32 to index
      %parallel_loop3A_627 = arith.constant 80 : index
      %parallel_loop3A_628 = tpu.vector_load %parallel_loop3A_625[%parallel_loop3A_626, %parallel_loop3A_627] {strides = array<i32>} : memref<128x128xf32, #tpu.memory_space<vmem>>, vector<1x16xf32>,
      %parallel_loop3A_629 = vector.shape_cast %parallel_loop3A_628 : vector<1x16xf32> to vector<16xf32>
      %parallel_loop3A_630 = vector.shape_cast %parallel_loop3A_621 : vector<16xf32> to vector<1x16xf32>
      tpu.vector_store %parallel_loop3A_625[%parallel_loop3A_626, %parallel_loop3A_627], %parallel_loop3A_630 {strides = array<i32>} : memref<128x128xf32, #tpu.memory_space<vmem>>, vector<1x16xf32>,
      %parallel_loop3A_631 = arith.constant 128 : i32
      %parallel_loop3A_632 = arith.addi %parallel_loop3A_631, %parallel_loop3A_540 : i32
      %parallel_loop3A_633 = arith.index_cast %parallel_loop3A_632 : i32 to index
      %parallel_loop3A_634 = arith.constant 96 : index
      %parallel_loop3A_635 = tpu.vector_load %arg8[%parallel_loop3A_633, %parallel_loop3A_634] {strides = array<i32>} : memref<256x128xf32, #tpu.memory_space<vmem>>, vector<1x16xf32>,
      %parallel_loop3A_636 = vector.shape_cast %parallel_loop3A_635 : vector<1x16xf32> to vector<16xf32>
      %parallel_loop3A_637 = arith.constant 0 : i32
      %parallel_loop3A_638 = arith.constant 0 : i32
      %parallel_loop3A_639 = tpu.memref_slice %arg7[%parallel_loop3A_173, %parallel_loop3A_637, %parallel_loop3A_638] : memref<5x128x128xf32, #tpu.memory_space<vmem>> -> memref<1x128x128xf32, #tpu.memory_space<vmem>>
      %parallel_loop3A_640 = tpu.memref_squeeze %parallel_loop3A_639 : memref<1x128x128xf32, #tpu.memory_space<vmem>> -> memref<128x128xf32, #tpu.memory_space<vmem>>
      %parallel_loop3A_641 = arith.index_cast %parallel_loop3A_540 : i32 to index
      %parallel_loop3A_642 = arith.constant 96 : index
      %parallel_loop3A_643 = tpu.vector_load %parallel_loop3A_640[%parallel_loop3A_641, %parallel_loop3A_642] {strides = array<i32>} : memref<128x128xf32, #tpu.memory_space<vmem>>, vector<1x16xf32>,
      %parallel_loop3A_644 = vector.shape_cast %parallel_loop3A_643 : vector<1x16xf32> to vector<16xf32>
      %parallel_loop3A_645 = vector.shape_cast %parallel_loop3A_636 : vector<16xf32> to vector<1x16xf32>
      tpu.vector_store %parallel_loop3A_640[%parallel_loop3A_641, %parallel_loop3A_642], %parallel_loop3A_645 {strides = array<i32>} : memref<128x128xf32, #tpu.memory_space<vmem>>, vector<1x16xf32>,
      %parallel_loop3A_646 = arith.constant 128 : i32
      %parallel_loop3A_647 = arith.addi %parallel_loop3A_646, %parallel_loop3A_540 : i32
      %parallel_loop3A_648 = arith.index_cast %parallel_loop3A_647 : i32 to index
      %parallel_loop3A_649 = arith.constant 112 : index
      %parallel_loop3A_650 = tpu.vector_load %arg8[%parallel_loop3A_648, %parallel_loop3A_649] {strides = array<i32>} : memref<256x128xf32, #tpu.memory_space<vmem>>, vector<1x16xf32>,
      %parallel_loop3A_651 = vector.shape_cast %parallel_loop3A_650 : vector<1x16xf32> to vector<16xf32>
      %parallel_loop3A_652 = arith.constant 0 : i32
      %parallel_loop3A_653 = arith.constant 0 : i32
      %parallel_loop3A_654 = tpu.memref_slice %arg7[%parallel_loop3A_173, %parallel_loop3A_652, %parallel_loop3A_653] : memref<5x128x128xf32, #tpu.memory_space<vmem>> -> memref<1x128x128xf32, #tpu.memory_space<vmem>>
      %parallel_loop3A_655 = tpu.memref_squeeze %parallel_loop3A_654 : memref<1x128x128xf32, #tpu.memory_space<vmem>> -> memref<128x128xf32, #tpu.memory_space<vmem>>
      %parallel_loop3A_656 = arith.index_cast %parallel_loop3A_540 : i32 to index
      %parallel_loop3A_657 = arith.constant 112 : index
      %parallel_loop3A_658 = tpu.vector_load %parallel_loop3A_655[%parallel_loop3A_656, %parallel_loop3A_657] {strides = array<i32>} : memref<128x128xf32, #tpu.memory_space<vmem>>, vector<1x16xf32>,
      %parallel_loop3A_659 = vector.shape_cast %parallel_loop3A_658 : vector<1x16xf32> to vector<16xf32>
      %parallel_loop3A_660 = vector.shape_cast %parallel_loop3A_651 : vector<16xf32> to vector<1x16xf32>
      tpu.vector_store %parallel_loop3A_655[%parallel_loop3A_656, %parallel_loop3A_657], %parallel_loop3A_660 {strides = array<i32>} : memref<128x128xf32, #tpu.memory_space<vmem>>, vector<1x16xf32>,
    } {sc.loop_unroll_factor = 2 : i64, sc.parallel_access}
    %dma_start3A_174 = arith.constant 1 : i32
    %dma_start3A_175 = arith.constant 0 : i32
    %dma_start3A_176 = arith.constant 0 : i32
    %dma_start3A_177 = arith.constant 0 : i32
    %dma_start3A_178 = tpu.memref_slice %arg7[%dma_start3A_175, %dma_start3A_176, %dma_start3A_177] : memref<5x128x128xf32, #tpu.memory_space<vmem>> -> memref<1x128x128xf32, #tpu.memory_space<vmem>>
    %dma_start3A_179 = tpu.memref_squeeze %dma_start3A_178 : memref<1x128x128xf32, #tpu.memory_space<vmem>> -> memref<128x128xf32, #tpu.memory_space<vmem>>
    %dma_start3A_180 = arith.constant 128 : i32
    %dma_start3A_181 = tpu.memref_slice %arg6[%dma_start3A_174, %dma_start3A_180] : memref<4x256xi32, #tpu.memory_space<vmem>> -> memref<1x128xi32, #tpu.memory_space<vmem>>
    %dma_start3A_182 = tpu.memref_squeeze %dma_start3A_181 : memref<1x128xi32, #tpu.memory_space<vmem>> -> memref<128xi32, #tpu.memory_space<vmem>>
    %dma_start3A_183 = arith.constant 0 : i32
    %dma_start3A_184 = arith.constant 0 : i32
    %dma_start3A_185 = tpu.memref_slice %arg3[%dma_start3A_183, %dma_start3A_184] : memref<100000x128xf32, #tpu.memory_space<hbm>> -> memref<100000x128xf32, #tpu.memory_space<hbm>>
    tpu.enqueue_indirect_dma source(%dma_start3A_185 : memref<100000x128xf32, #tpu.memory_space<hbm>>) target(%dma_start3A_179 : memref<128x128xf32, #tpu.memory_space<vmem>>) offsets(%dma_start3A_182 : memref<128xi32, #tpu.memory_space<vmem>>) semaphore(%arg9 : memref<!tpu.dma_semaphore, #tpu.memory_space<semaphore_mem>>) {add = true}
    %dma_wait3A_186 = arith.constant 1 : i32
    %dma_wait3A_187 = arith.constant 1 : i32
    %dma_wait3A_188 = arith.constant 0 : i32
    %dma_wait3A_189 = arith.constant 0 : i32
    %dma_wait3A_190 = tpu.memref_slice %arg7[%dma_wait3A_187, %dma_wait3A_188, %dma_wait3A_189] : memref<5x128x128xf32, #tpu.memory_space<vmem>> -> memref<1x128x128xf32, #tpu.memory_space<vmem>>
    %dma_wait3A_191 = tpu.memref_squeeze %dma_wait3A_190 : memref<1x128x128xf32, #tpu.memory_space<vmem>> -> memref<128x128xf32, #tpu.memory_space<vmem>>
    %dma_wait3A_192 = arith.constant 0 : i32
    %dma_wait3A_193 = tpu.memref_slice %arg6[%dma_wait3A_186, %dma_wait3A_192] : memref<4x256xi32, #tpu.memory_space<vmem>> -> memref<1x128xi32, #tpu.memory_space<vmem>>
    %dma_wait3A_194 = tpu.memref_squeeze %dma_wait3A_193 : memref<1x128xi32, #tpu.memory_space<vmem>> -> memref<128xi32, #tpu.memory_space<vmem>>
    %dma_wait3A_195 = arith.constant 0 : i32
    %dma_wait3A_196 = arith.constant 0 : i32
    %dma_wait3A_197 = tpu.memref_slice %arg3[%dma_wait3A_195, %dma_wait3A_196] : memref<100000x128xf32, #tpu.memory_space<hbm>> -> memref<100000x128xf32, #tpu.memory_space<hbm>>
    tpu.wait_indirect_dma semaphore(%arg9 : memref<!tpu.dma_semaphore, #tpu.memory_space<semaphore_mem>>) src(%dma_wait3A_197 : memref<100000x128xf32, #tpu.memory_space<hbm>>) dst(%dma_wait3A_191 : memref<128x128xf32, #tpu.memory_space<vmem>>)
    %add3A_198 = arith.constant 0 : i32
    %add3A_199 = arith.addi %mul3A_2, %add3A_198 : i32
    %dma_start3A_200 = arith.constant 1 : i32
    %dma_start3A_201 = arith.constant 1 : i32
    %dma_start3A_202 = arith.constant 0 : i32
    %dma_start3A_203 = arith.constant 0 : i32
    %dma_start3A_204 = tpu.memref_slice %arg7[%dma_start3A_200, %dma_start3A_202, %dma_start3A_203] : memref<5x128x128xf32, #tpu.memory_space<vmem>> -> memref<1x128x128xf32, #tpu.memory_space<vmem>>
    %dma_start3A_205 = tpu.memref_squeeze %dma_start3A_204 : memref<1x128x128xf32, #tpu.memory_space<vmem>> -> memref<128x128xf32, #tpu.memory_space<vmem>>
    %dma_start3A_206 = arith.constant 0 : i32
    %dma_start3A_207 = tpu.memref_slice %arg5[%dma_start3A_201, %add3A_199, %dma_start3A_206] : memref<4x8192x128xf32, #tpu.memory_space<hbm>> -> memref<1x128x128xf32, #tpu.memory_space<hbm>>
    %dma_start3A_208 = tpu.memref_squeeze %dma_start3A_207 : memref<1x128x128xf32, #tpu.memory_space<hbm>> -> memref<128x128xf32, #tpu.memory_space<hbm>>
    %dma_start3A_209 = arith.constant 0 : i32
    %dma_start3A_210 = tpu.memref_slice %arg5[%dma_start3A_201, %add3A_199, %dma_start3A_209] : memref<4x8192x128xf32, #tpu.memory_space<hbm>> -> memref<1x128x128xf32, #tpu.memory_space<hbm>>
    %dma_start3A_211 = tpu.memref_squeeze %dma_start3A_210 : memref<1x128x128xf32, #tpu.memory_space<hbm>> -> memref<128x128xf32, #tpu.memory_space<hbm>>
    %dma_start3A_212 = arith.constant 0 : i32
    %dma_start3A_213 = arith.constant 0 : i32
    %dma_start3A_214 = tpu.memref_slice %arg7[%dma_start3A_200, %dma_start3A_212, %dma_start3A_213] : memref<5x128x128xf32, #tpu.memory_space<vmem>> -> memref<1x128x128xf32, #tpu.memory_space<vmem>>
    %dma_start3A_215 = tpu.memref_squeeze %dma_start3A_214 : memref<1x128x128xf32, #tpu.memory_space<vmem>> -> memref<128x128xf32, #tpu.memory_space<vmem>>
    tpu.enqueue_dma source(%dma_start3A_215 : memref<128x128xf32, #tpu.memory_space<vmem>>) target(%dma_start3A_211 : memref<128x128xf32, #tpu.memory_space<hbm>>) target_semaphore(%arg11 : memref<!tpu.dma_semaphore, #tpu.memory_space<semaphore_mem>>)
    %dma_wait3A_216 = arith.constant 1 : i32
    %dma_wait3A_217 = arith.constant 1 : i32
    %dma_wait3A_218 = arith.constant 0 : i32
    %dma_wait3A_219 = arith.constant 0 : i32
    %dma_wait3A_220 = tpu.memref_slice %arg7[%dma_wait3A_216, %dma_wait3A_218, %dma_wait3A_219] : memref<5x128x128xf32, #tpu.memory_space<vmem>> -> memref<1x128x128xf32, #tpu.memory_space<vmem>>
    %dma_wait3A_221 = tpu.memref_squeeze %dma_wait3A_220 : memref<1x128x128xf32, #tpu.memory_space<vmem>> -> memref<128x128xf32, #tpu.memory_space<vmem>>
    %dma_wait3A_222 = arith.constant 0 : i32
    %dma_wait3A_223 = tpu.memref_slice %arg5[%dma_wait3A_217, %add3A_199, %dma_wait3A_222] : memref<4x8192x128xf32, #tpu.memory_space<hbm>> -> memref<1x128x128xf32, #tpu.memory_space<hbm>>
    %dma_wait3A_224 = tpu.memref_squeeze %dma_wait3A_223 : memref<1x128x128xf32, #tpu.memory_space<hbm>> -> memref<128x128xf32, #tpu.memory_space<hbm>>
    %dma_wait3A_225 = arith.constant 0 : i32
    %dma_wait3A_226 = tpu.memref_slice %arg5[%dma_wait3A_217, %add3A_199, %dma_wait3A_225] : memref<4x8192x128xf32, #tpu.memory_space<hbm>> -> memref<1x128x128xf32, #tpu.memory_space<hbm>>
    %dma_wait3A_227 = tpu.memref_squeeze %dma_wait3A_226 : memref<1x128x128xf32, #tpu.memory_space<hbm>> -> memref<128x128xf32, #tpu.memory_space<hbm>>
    %dma_wait3A_228 = arith.constant 0 : i32
    %dma_wait3A_229 = arith.constant 0 : i32
    %dma_wait3A_230 = tpu.memref_slice %arg7[%dma_wait3A_216, %dma_wait3A_228, %dma_wait3A_229] : memref<5x128x128xf32, #tpu.memory_space<vmem>> -> memref<1x128x128xf32, #tpu.memory_space<vmem>>
    %dma_wait3A_231 = tpu.memref_squeeze %dma_wait3A_230 : memref<1x128x128xf32, #tpu.memory_space<vmem>> -> memref<128x128xf32, #tpu.memory_space<vmem>>
    tpu.wait_dma2 semaphore(%arg11 : memref<!tpu.dma_semaphore, #tpu.memory_space<semaphore_mem>>) src(%dma_wait3A_231 : memref<128x128xf32, #tpu.memory_space<vmem>>) dst(%dma_wait3A_227 : memref<128x128xf32, #tpu.memory_space<hbm>>)
    %parallel_loop3A_232 = arith.constant 0 : i32
    %parallel_loop3A_233 = arith.constant 128 : i32
    %parallel_loop3A_234 = arith.constant 1 : i32
    %parallel_loop3A_235 = arith.constant 1 : i32
    scf.for %parallel_loop3A_540 = %parallel_loop3A_232 to %parallel_loop3A_233 step %parallel_loop3A_234  : i32 {
      %parallel_loop3A_541 = arith.constant 128 : i32
      %parallel_loop3A_542 = arith.addi %parallel_loop3A_541, %parallel_loop3A_540 : i32
      %parallel_loop3A_543 = arith.index_cast %parallel_loop3A_542 : i32 to index
      %parallel_loop3A_544 = arith.constant 0 : index
      %parallel_loop3A_545 = tpu.vector_load %arg8[%parallel_loop3A_543, %parallel_loop3A_544] {strides = array<i32>} : memref<256x128xf32, #tpu.memory_space<vmem>>, vector<1x16xf32>,
      %parallel_loop3A_546 = vector.shape_cast %parallel_loop3A_545 : vector<1x16xf32> to vector<16xf32>
      %parallel_loop3A_547 = arith.constant 0 : i32
      %parallel_loop3A_548 = arith.constant 0 : i32
      %parallel_loop3A_549 = tpu.memref_slice %arg7[%parallel_loop3A_235, %parallel_loop3A_547, %parallel_loop3A_548] : memref<5x128x128xf32, #tpu.memory_space<vmem>> -> memref<1x128x128xf32, #tpu.memory_space<vmem>>
      %parallel_loop3A_550 = tpu.memref_squeeze %parallel_loop3A_549 : memref<1x128x128xf32, #tpu.memory_space<vmem>> -> memref<128x128xf32, #tpu.memory_space<vmem>>
      %parallel_loop3A_551 = arith.index_cast %parallel_loop3A_540 : i32 to index
      %parallel_loop3A_552 = arith.constant 0 : index
      %parallel_loop3A_553 = tpu.vector_load %parallel_loop3A_550[%parallel_loop3A_551, %parallel_loop3A_552] {strides = array<i32>} : memref<128x128xf32, #tpu.memory_space<vmem>>, vector<1x16xf32>,
      %parallel_loop3A_554 = vector.shape_cast %parallel_loop3A_553 : vector<1x16xf32> to vector<16xf32>
      %parallel_loop3A_555 = vector.shape_cast %parallel_loop3A_546 : vector<16xf32> to vector<1x16xf32>
      tpu.vector_store %parallel_loop3A_550[%parallel_loop3A_551, %parallel_loop3A_552], %parallel_loop3A_555 {strides = array<i32>} : memref<128x128xf32, #tpu.memory_space<vmem>>, vector<1x16xf32>,
      %parallel_loop3A_556 = arith.constant 128 : i32
      %parallel_loop3A_557 = arith.addi %parallel_loop3A_556, %parallel_loop3A_540 : i32
      %parallel_loop3A_558 = arith.index_cast %parallel_loop3A_557 : i32 to index
      %parallel_loop3A_559 = arith.constant 16 : index
      %parallel_loop3A_560 = tpu.vector_load %arg8[%parallel_loop3A_558, %parallel_loop3A_559] {strides = array<i32>} : memref<256x128xf32, #tpu.memory_space<vmem>>, vector<1x16xf32>,
      %parallel_loop3A_561 = vector.shape_cast %parallel_loop3A_560 : vector<1x16xf32> to vector<16xf32>
      %parallel_loop3A_562 = arith.constant 0 : i32
      %parallel_loop3A_563 = arith.constant 0 : i32
      %parallel_loop3A_564 = tpu.memref_slice %arg7[%parallel_loop3A_235, %parallel_loop3A_562, %parallel_loop3A_563] : memref<5x128x128xf32, #tpu.memory_space<vmem>> -> memref<1x128x128xf32, #tpu.memory_space<vmem>>
      %parallel_loop3A_565 = tpu.memref_squeeze %parallel_loop3A_564 : memref<1x128x128xf32, #tpu.memory_space<vmem>> -> memref<128x128xf32, #tpu.memory_space<vmem>>
      %parallel_loop3A_566 = arith.index_cast %parallel_loop3A_540 : i32 to index
      %parallel_loop3A_567 = arith.constant 16 : index
      %parallel_loop3A_568 = tpu.vector_load %parallel_loop3A_565[%parallel_loop3A_566, %parallel_loop3A_567] {strides = array<i32>} : memref<128x128xf32, #tpu.memory_space<vmem>>, vector<1x16xf32>,
      %parallel_loop3A_569 = vector.shape_cast %parallel_loop3A_568 : vector<1x16xf32> to vector<16xf32>
      %parallel_loop3A_570 = vector.shape_cast %parallel_loop3A_561 : vector<16xf32> to vector<1x16xf32>
      tpu.vector_store %parallel_loop3A_565[%parallel_loop3A_566, %parallel_loop3A_567], %parallel_loop3A_570 {strides = array<i32>} : memref<128x128xf32, #tpu.memory_space<vmem>>, vector<1x16xf32>,
      %parallel_loop3A_571 = arith.constant 128 : i32
      %parallel_loop3A_572 = arith.addi %parallel_loop3A_571, %parallel_loop3A_540 : i32
      %parallel_loop3A_573 = arith.index_cast %parallel_loop3A_572 : i32 to index
      %parallel_loop3A_574 = arith.constant 32 : index
      %parallel_loop3A_575 = tpu.vector_load %arg8[%parallel_loop3A_573, %parallel_loop3A_574] {strides = array<i32>} : memref<256x128xf32, #tpu.memory_space<vmem>>, vector<1x16xf32>,
      %parallel_loop3A_576 = vector.shape_cast %parallel_loop3A_575 : vector<1x16xf32> to vector<16xf32>
      %parallel_loop3A_577 = arith.constant 0 : i32
      %parallel_loop3A_578 = arith.constant 0 : i32
      %parallel_loop3A_579 = tpu.memref_slice %arg7[%parallel_loop3A_235, %parallel_loop3A_577, %parallel_loop3A_578] : memref<5x128x128xf32, #tpu.memory_space<vmem>> -> memref<1x128x128xf32, #tpu.memory_space<vmem>>
      %parallel_loop3A_580 = tpu.memref_squeeze %parallel_loop3A_579 : memref<1x128x128xf32, #tpu.memory_space<vmem>> -> memref<128x128xf32, #tpu.memory_space<vmem>>
      %parallel_loop3A_581 = arith.index_cast %parallel_loop3A_540 : i32 to index
      %parallel_loop3A_582 = arith.constant 32 : index
      %parallel_loop3A_583 = tpu.vector_load %parallel_loop3A_580[%parallel_loop3A_581, %parallel_loop3A_582] {strides = array<i32>} : memref<128x128xf32, #tpu.memory_space<vmem>>, vector<1x16xf32>,
      %parallel_loop3A_584 = vector.shape_cast %parallel_loop3A_583 : vector<1x16xf32> to vector<16xf32>
      %parallel_loop3A_585 = vector.shape_cast %parallel_loop3A_576 : vector<16xf32> to vector<1x16xf32>
      tpu.vector_store %parallel_loop3A_580[%parallel_loop3A_581, %parallel_loop3A_582], %parallel_loop3A_585 {strides = array<i32>} : memref<128x128xf32, #tpu.memory_space<vmem>>, vector<1x16xf32>,
      %parallel_loop3A_586 = arith.constant 128 : i32
      %parallel_loop3A_587 = arith.addi %parallel_loop3A_586, %parallel_loop3A_540 : i32
      %parallel_loop3A_588 = arith.index_cast %parallel_loop3A_587 : i32 to index
      %parallel_loop3A_589 = arith.constant 48 : index
      %parallel_loop3A_590 = tpu.vector_load %arg8[%parallel_loop3A_588, %parallel_loop3A_589] {strides = array<i32>} : memref<256x128xf32, #tpu.memory_space<vmem>>, vector<1x16xf32>,
      %parallel_loop3A_591 = vector.shape_cast %parallel_loop3A_590 : vector<1x16xf32> to vector<16xf32>
      %parallel_loop3A_592 = arith.constant 0 : i32
      %parallel_loop3A_593 = arith.constant 0 : i32
      %parallel_loop3A_594 = tpu.memref_slice %arg7[%parallel_loop3A_235, %parallel_loop3A_592, %parallel_loop3A_593] : memref<5x128x128xf32, #tpu.memory_space<vmem>> -> memref<1x128x128xf32, #tpu.memory_space<vmem>>
      %parallel_loop3A_595 = tpu.memref_squeeze %parallel_loop3A_594 : memref<1x128x128xf32, #tpu.memory_space<vmem>> -> memref<128x128xf32, #tpu.memory_space<vmem>>
      %parallel_loop3A_596 = arith.index_cast %parallel_loop3A_540 : i32 to index
      %parallel_loop3A_597 = arith.constant 48 : index
      %parallel_loop3A_598 = tpu.vector_load %parallel_loop3A_595[%parallel_loop3A_596, %parallel_loop3A_597] {strides = array<i32>} : memref<128x128xf32, #tpu.memory_space<vmem>>, vector<1x16xf32>,
      %parallel_loop3A_599 = vector.shape_cast %parallel_loop3A_598 : vector<1x16xf32> to vector<16xf32>
      %parallel_loop3A_600 = vector.shape_cast %parallel_loop3A_591 : vector<16xf32> to vector<1x16xf32>
      tpu.vector_store %parallel_loop3A_595[%parallel_loop3A_596, %parallel_loop3A_597], %parallel_loop3A_600 {strides = array<i32>} : memref<128x128xf32, #tpu.memory_space<vmem>>, vector<1x16xf32>,
      %parallel_loop3A_601 = arith.constant 128 : i32
      %parallel_loop3A_602 = arith.addi %parallel_loop3A_601, %parallel_loop3A_540 : i32
      %parallel_loop3A_603 = arith.index_cast %parallel_loop3A_602 : i32 to index
      %parallel_loop3A_604 = arith.constant 64 : index
      %parallel_loop3A_605 = tpu.vector_load %arg8[%parallel_loop3A_603, %parallel_loop3A_604] {strides = array<i32>} : memref<256x128xf32, #tpu.memory_space<vmem>>, vector<1x16xf32>,
      %parallel_loop3A_606 = vector.shape_cast %parallel_loop3A_605 : vector<1x16xf32> to vector<16xf32>
      %parallel_loop3A_607 = arith.constant 0 : i32
      %parallel_loop3A_608 = arith.constant 0 : i32
      %parallel_loop3A_609 = tpu.memref_slice %arg7[%parallel_loop3A_235, %parallel_loop3A_607, %parallel_loop3A_608] : memref<5x128x128xf32, #tpu.memory_space<vmem>> -> memref<1x128x128xf32, #tpu.memory_space<vmem>>
      %parallel_loop3A_610 = tpu.memref_squeeze %parallel_loop3A_609 : memref<1x128x128xf32, #tpu.memory_space<vmem>> -> memref<128x128xf32, #tpu.memory_space<vmem>>
      %parallel_loop3A_611 = arith.index_cast %parallel_loop3A_540 : i32 to index
      %parallel_loop3A_612 = arith.constant 64 : index
      %parallel_loop3A_613 = tpu.vector_load %parallel_loop3A_610[%parallel_loop3A_611, %parallel_loop3A_612] {strides = array<i32>} : memref<128x128xf32, #tpu.memory_space<vmem>>, vector<1x16xf32>,
      %parallel_loop3A_614 = vector.shape_cast %parallel_loop3A_613 : vector<1x16xf32> to vector<16xf32>
      %parallel_loop3A_615 = vector.shape_cast %parallel_loop3A_606 : vector<16xf32> to vector<1x16xf32>
      tpu.vector_store %parallel_loop3A_610[%parallel_loop3A_611, %parallel_loop3A_612], %parallel_loop3A_615 {strides = array<i32>} : memref<128x128xf32, #tpu.memory_space<vmem>>, vector<1x16xf32>,
      %parallel_loop3A_616 = arith.constant 128 : i32
      %parallel_loop3A_617 = arith.addi %parallel_loop3A_616, %parallel_loop3A_540 : i32
      %parallel_loop3A_618 = arith.index_cast %parallel_loop3A_617 : i32 to index
      %parallel_loop3A_619 = arith.constant 80 : index
      %parallel_loop3A_620 = tpu.vector_load %arg8[%parallel_loop3A_618, %parallel_loop3A_619] {strides = array<i32>} : memref<256x128xf32, #tpu.memory_space<vmem>>, vector<1x16xf32>,
      %parallel_loop3A_621 = vector.shape_cast %parallel_loop3A_620 : vector<1x16xf32> to vector<16xf32>
      %parallel_loop3A_622 = arith.constant 0 : i32
      %parallel_loop3A_623 = arith.constant 0 : i32
      %parallel_loop3A_624 = tpu.memref_slice %arg7[%parallel_loop3A_235, %parallel_loop3A_622, %parallel_loop3A_623] : memref<5x128x128xf32, #tpu.memory_space<vmem>> -> memref<1x128x128xf32, #tpu.memory_space<vmem>>
      %parallel_loop3A_625 = tpu.memref_squeeze %parallel_loop3A_624 : memref<1x128x128xf32, #tpu.memory_space<vmem>> -> memref<128x128xf32, #tpu.memory_space<vmem>>
      %parallel_loop3A_626 = arith.index_cast %parallel_loop3A_540 : i32 to index
      %parallel_loop3A_627 = arith.constant 80 : index
      %parallel_loop3A_628 = tpu.vector_load %parallel_loop3A_625[%parallel_loop3A_626, %parallel_loop3A_627] {strides = array<i32>} : memref<128x128xf32, #tpu.memory_space<vmem>>, vector<1x16xf32>,
      %parallel_loop3A_629 = vector.shape_cast %parallel_loop3A_628 : vector<1x16xf32> to vector<16xf32>
      %parallel_loop3A_630 = vector.shape_cast %parallel_loop3A_621 : vector<16xf32> to vector<1x16xf32>
      tpu.vector_store %parallel_loop3A_625[%parallel_loop3A_626, %parallel_loop3A_627], %parallel_loop3A_630 {strides = array<i32>} : memref<128x128xf32, #tpu.memory_space<vmem>>, vector<1x16xf32>,
      %parallel_loop3A_631 = arith.constant 128 : i32
      %parallel_loop3A_632 = arith.addi %parallel_loop3A_631, %parallel_loop3A_540 : i32
      %parallel_loop3A_633 = arith.index_cast %parallel_loop3A_632 : i32 to index
      %parallel_loop3A_634 = arith.constant 96 : index
      %parallel_loop3A_635 = tpu.vector_load %arg8[%parallel_loop3A_633, %parallel_loop3A_634] {strides = array<i32>} : memref<256x128xf32, #tpu.memory_space<vmem>>, vector<1x16xf32>,
      %parallel_loop3A_636 = vector.shape_cast %parallel_loop3A_635 : vector<1x16xf32> to vector<16xf32>
      %parallel_loop3A_637 = arith.constant 0 : i32
      %parallel_loop3A_638 = arith.constant 0 : i32
      %parallel_loop3A_639 = tpu.memref_slice %arg7[%parallel_loop3A_235, %parallel_loop3A_637, %parallel_loop3A_638] : memref<5x128x128xf32, #tpu.memory_space<vmem>> -> memref<1x128x128xf32, #tpu.memory_space<vmem>>
      %parallel_loop3A_640 = tpu.memref_squeeze %parallel_loop3A_639 : memref<1x128x128xf32, #tpu.memory_space<vmem>> -> memref<128x128xf32, #tpu.memory_space<vmem>>
      %parallel_loop3A_641 = arith.index_cast %parallel_loop3A_540 : i32 to index
      %parallel_loop3A_642 = arith.constant 96 : index
      %parallel_loop3A_643 = tpu.vector_load %parallel_loop3A_640[%parallel_loop3A_641, %parallel_loop3A_642] {strides = array<i32>} : memref<128x128xf32, #tpu.memory_space<vmem>>, vector<1x16xf32>,
      %parallel_loop3A_644 = vector.shape_cast %parallel_loop3A_643 : vector<1x16xf32> to vector<16xf32>
      %parallel_loop3A_645 = vector.shape_cast %parallel_loop3A_636 : vector<16xf32> to vector<1x16xf32>
      tpu.vector_store %parallel_loop3A_640[%parallel_loop3A_641, %parallel_loop3A_642], %parallel_loop3A_645 {strides = array<i32>} : memref<128x128xf32, #tpu.memory_space<vmem>>, vector<1x16xf32>,
      %parallel_loop3A_646 = arith.constant 128 : i32
      %parallel_loop3A_647 = arith.addi %parallel_loop3A_646, %parallel_loop3A_540 : i32
      %parallel_loop3A_648 = arith.index_cast %parallel_loop3A_647 : i32 to index
      %parallel_loop3A_649 = arith.constant 112 : index
      %parallel_loop3A_650 = tpu.vector_load %arg8[%parallel_loop3A_648, %parallel_loop3A_649] {strides = array<i32>} : memref<256x128xf32, #tpu.memory_space<vmem>>, vector<1x16xf32>,
      %parallel_loop3A_651 = vector.shape_cast %parallel_loop3A_650 : vector<1x16xf32> to vector<16xf32>
      %parallel_loop3A_652 = arith.constant 0 : i32
      %parallel_loop3A_653 = arith.constant 0 : i32
      %parallel_loop3A_654 = tpu.memref_slice %arg7[%parallel_loop3A_235, %parallel_loop3A_652, %parallel_loop3A_653] : memref<5x128x128xf32, #tpu.memory_space<vmem>> -> memref<1x128x128xf32, #tpu.memory_space<vmem>>
      %parallel_loop3A_655 = tpu.memref_squeeze %parallel_loop3A_654 : memref<1x128x128xf32, #tpu.memory_space<vmem>> -> memref<128x128xf32, #tpu.memory_space<vmem>>
      %parallel_loop3A_656 = arith.index_cast %parallel_loop3A_540 : i32 to index
      %parallel_loop3A_657 = arith.constant 112 : index
      %parallel_loop3A_658 = tpu.vector_load %parallel_loop3A_655[%parallel_loop3A_656, %parallel_loop3A_657] {strides = array<i32>} : memref<128x128xf32, #tpu.memory_space<vmem>>, vector<1x16xf32>,
      %parallel_loop3A_659 = vector.shape_cast %parallel_loop3A_658 : vector<1x16xf32> to vector<16xf32>
      %parallel_loop3A_660 = vector.shape_cast %parallel_loop3A_651 : vector<16xf32> to vector<1x16xf32>
      tpu.vector_store %parallel_loop3A_655[%parallel_loop3A_656, %parallel_loop3A_657], %parallel_loop3A_660 {strides = array<i32>} : memref<128x128xf32, #tpu.memory_space<vmem>>, vector<1x16xf32>,
    } {sc.loop_unroll_factor = 2 : i64, sc.parallel_access}
    %dma_start3A_236 = arith.constant 2 : i32
    %dma_start3A_237 = arith.constant 1 : i32
    %dma_start3A_238 = arith.constant 0 : i32
    %dma_start3A_239 = arith.constant 0 : i32
    %dma_start3A_240 = tpu.memref_slice %arg7[%dma_start3A_237, %dma_start3A_238, %dma_start3A_239] : memref<5x128x128xf32, #tpu.memory_space<vmem>> -> memref<1x128x128xf32, #tpu.memory_space<vmem>>
    %dma_start3A_241 = tpu.memref_squeeze %dma_start3A_240 : memref<1x128x128xf32, #tpu.memory_space<vmem>> -> memref<128x128xf32, #tpu.memory_space<vmem>>
    %dma_start3A_242 = arith.constant 128 : i32
    %dma_start3A_243 = tpu.memref_slice %arg6[%dma_start3A_236, %dma_start3A_242] : memref<4x256xi32, #tpu.memory_space<vmem>> -> memref<1x128xi32, #tpu.memory_space<vmem>>
    %dma_start3A_244 = tpu.memref_squeeze %dma_start3A_243 : memref<1x128xi32, #tpu.memory_space<vmem>> -> memref<128xi32, #tpu.memory_space<vmem>>
    %dma_start3A_245 = arith.constant 0 : i32
    %dma_start3A_246 = arith.constant 0 : i32
    %dma_start3A_247 = tpu.memref_slice %arg3[%dma_start3A_245, %dma_start3A_246] : memref<100000x128xf32, #tpu.memory_space<hbm>> -> memref<100000x128xf32, #tpu.memory_space<hbm>>
    tpu.enqueue_indirect_dma source(%dma_start3A_247 : memref<100000x128xf32, #tpu.memory_space<hbm>>) target(%dma_start3A_241 : memref<128x128xf32, #tpu.memory_space<vmem>>) offsets(%dma_start3A_244 : memref<128xi32, #tpu.memory_space<vmem>>) semaphore(%arg9 : memref<!tpu.dma_semaphore, #tpu.memory_space<semaphore_mem>>) {add = true}
    %dma_wait3A_248 = arith.constant 2 : i32
    %dma_wait3A_249 = arith.constant 2 : i32
    %dma_wait3A_250 = arith.constant 0 : i32
    %dma_wait3A_251 = arith.constant 0 : i32
    %dma_wait3A_252 = tpu.memref_slice %arg7[%dma_wait3A_249, %dma_wait3A_250, %dma_wait3A_251] : memref<5x128x128xf32, #tpu.memory_space<vmem>> -> memref<1x128x128xf32, #tpu.memory_space<vmem>>
    %dma_wait3A_253 = tpu.memref_squeeze %dma_wait3A_252 : memref<1x128x128xf32, #tpu.memory_space<vmem>> -> memref<128x128xf32, #tpu.memory_space<vmem>>
    %dma_wait3A_254 = arith.constant 0 : i32
    %dma_wait3A_255 = tpu.memref_slice %arg6[%dma_wait3A_248, %dma_wait3A_254] : memref<4x256xi32, #tpu.memory_space<vmem>> -> memref<1x128xi32, #tpu.memory_space<vmem>>
    %dma_wait3A_256 = tpu.memref_squeeze %dma_wait3A_255 : memref<1x128xi32, #tpu.memory_space<vmem>> -> memref<128xi32, #tpu.memory_space<vmem>>
    %dma_wait3A_257 = arith.constant 0 : i32
    %dma_wait3A_258 = arith.constant 0 : i32
    %dma_wait3A_259 = tpu.memref_slice %arg3[%dma_wait3A_257, %dma_wait3A_258] : memref<100000x128xf32, #tpu.memory_space<hbm>> -> memref<100000x128xf32, #tpu.memory_space<hbm>>
    tpu.wait_indirect_dma semaphore(%arg9 : memref<!tpu.dma_semaphore, #tpu.memory_space<semaphore_mem>>) src(%dma_wait3A_259 : memref<100000x128xf32, #tpu.memory_space<hbm>>) dst(%dma_wait3A_253 : memref<128x128xf32, #tpu.memory_space<vmem>>)
    %add3A_260 = arith.constant 0 : i32
    %add3A_261 = arith.addi %mul3A_2, %add3A_260 : i32
    %dma_start3A_262 = arith.constant 2 : i32
    %dma_start3A_263 = arith.constant 2 : i32
    %dma_start3A_264 = arith.constant 0 : i32
    %dma_start3A_265 = arith.constant 0 : i32
    %dma_start3A_266 = tpu.memref_slice %arg7[%dma_start3A_262, %dma_start3A_264, %dma_start3A_265] : memref<5x128x128xf32, #tpu.memory_space<vmem>> -> memref<1x128x128xf32, #tpu.memory_space<vmem>>
    %dma_start3A_267 = tpu.memref_squeeze %dma_start3A_266 : memref<1x128x128xf32, #tpu.memory_space<vmem>> -> memref<128x128xf32, #tpu.memory_space<vmem>>
    %dma_start3A_268 = arith.constant 0 : i32
    %dma_start3A_269 = tpu.memref_slice %arg5[%dma_start3A_263, %add3A_261, %dma_start3A_268] : memref<4x8192x128xf32, #tpu.memory_space<hbm>> -> memref<1x128x128xf32, #tpu.memory_space<hbm>>
    %dma_start3A_270 = tpu.memref_squeeze %dma_start3A_269 : memref<1x128x128xf32, #tpu.memory_space<hbm>> -> memref<128x128xf32, #tpu.memory_space<hbm>>
    %dma_start3A_271 = arith.constant 0 : i32
    %dma_start3A_272 = tpu.memref_slice %arg5[%dma_start3A_263, %add3A_261, %dma_start3A_271] : memref<4x8192x128xf32, #tpu.memory_space<hbm>> -> memref<1x128x128xf32, #tpu.memory_space<hbm>>
    %dma_start3A_273 = tpu.memref_squeeze %dma_start3A_272 : memref<1x128x128xf32, #tpu.memory_space<hbm>> -> memref<128x128xf32, #tpu.memory_space<hbm>>
    %dma_start3A_274 = arith.constant 0 : i32
    %dma_start3A_275 = arith.constant 0 : i32
    %dma_start3A_276 = tpu.memref_slice %arg7[%dma_start3A_262, %dma_start3A_274, %dma_start3A_275] : memref<5x128x128xf32, #tpu.memory_space<vmem>> -> memref<1x128x128xf32, #tpu.memory_space<vmem>>
    %dma_start3A_277 = tpu.memref_squeeze %dma_start3A_276 : memref<1x128x128xf32, #tpu.memory_space<vmem>> -> memref<128x128xf32, #tpu.memory_space<vmem>>
    tpu.enqueue_dma source(%dma_start3A_277 : memref<128x128xf32, #tpu.memory_space<vmem>>) target(%dma_start3A_273 : memref<128x128xf32, #tpu.memory_space<hbm>>) target_semaphore(%arg11 : memref<!tpu.dma_semaphore, #tpu.memory_space<semaphore_mem>>)
    %dma_wait3A_278 = arith.constant 2 : i32
    %dma_wait3A_279 = arith.constant 2 : i32
    %dma_wait3A_280 = arith.constant 0 : i32
    %dma_wait3A_281 = arith.constant 0 : i32
    %dma_wait3A_282 = tpu.memref_slice %arg7[%dma_wait3A_278, %dma_wait3A_280, %dma_wait3A_281] : memref<5x128x128xf32, #tpu.memory_space<vmem>> -> memref<1x128x128xf32, #tpu.memory_space<vmem>>
    %dma_wait3A_283 = tpu.memref_squeeze %dma_wait3A_282 : memref<1x128x128xf32, #tpu.memory_space<vmem>> -> memref<128x128xf32, #tpu.memory_space<vmem>>
    %dma_wait3A_284 = arith.constant 0 : i32
    %dma_wait3A_285 = tpu.memref_slice %arg5[%dma_wait3A_279, %add3A_261, %dma_wait3A_284] : memref<4x8192x128xf32, #tpu.memory_space<hbm>> -> memref<1x128x128xf32, #tpu.memory_space<hbm>>
    %dma_wait3A_286 = tpu.memref_squeeze %dma_wait3A_285 : memref<1x128x128xf32, #tpu.memory_space<hbm>> -> memref<128x128xf32, #tpu.memory_space<hbm>>
    %dma_wait3A_287 = arith.constant 0 : i32
    %dma_wait3A_288 = tpu.memref_slice %arg5[%dma_wait3A_279, %add3A_261, %dma_wait3A_287] : memref<4x8192x128xf32, #tpu.memory_space<hbm>> -> memref<1x128x128xf32, #tpu.memory_space<hbm>>
    %dma_wait3A_289 = tpu.memref_squeeze %dma_wait3A_288 : memref<1x128x128xf32, #tpu.memory_space<hbm>> -> memref<128x128xf32, #tpu.memory_space<hbm>>
    %dma_wait3A_290 = arith.constant 0 : i32
    %dma_wait3A_291 = arith.constant 0 : i32
    %dma_wait3A_292 = tpu.memref_slice %arg7[%dma_wait3A_278, %dma_wait3A_290, %dma_wait3A_291] : memref<5x128x128xf32, #tpu.memory_space<vmem>> -> memref<1x128x128xf32, #tpu.memory_space<vmem>>
    %dma_wait3A_293 = tpu.memref_squeeze %dma_wait3A_292 : memref<1x128x128xf32, #tpu.memory_space<vmem>> -> memref<128x128xf32, #tpu.memory_space<vmem>>
    tpu.wait_dma2 semaphore(%arg11 : memref<!tpu.dma_semaphore, #tpu.memory_space<semaphore_mem>>) src(%dma_wait3A_293 : memref<128x128xf32, #tpu.memory_space<vmem>>) dst(%dma_wait3A_289 : memref<128x128xf32, #tpu.memory_space<hbm>>)
    %parallel_loop3A_294 = arith.constant 0 : i32
    %parallel_loop3A_295 = arith.constant 128 : i32
    %parallel_loop3A_296 = arith.constant 1 : i32
    %parallel_loop3A_297 = arith.constant 2 : i32
    scf.for %parallel_loop3A_540 = %parallel_loop3A_294 to %parallel_loop3A_295 step %parallel_loop3A_296  : i32 {
      %parallel_loop3A_541 = arith.constant 128 : i32
      %parallel_loop3A_542 = arith.addi %parallel_loop3A_541, %parallel_loop3A_540 : i32
      %parallel_loop3A_543 = arith.index_cast %parallel_loop3A_542 : i32 to index
      %parallel_loop3A_544 = arith.constant 0 : index
      %parallel_loop3A_545 = tpu.vector_load %arg8[%parallel_loop3A_543, %parallel_loop3A_544] {strides = array<i32>} : memref<256x128xf32, #tpu.memory_space<vmem>>, vector<1x16xf32>,
      %parallel_loop3A_546 = vector.shape_cast %parallel_loop3A_545 : vector<1x16xf32> to vector<16xf32>
      %parallel_loop3A_547 = arith.constant 0 : i32
      %parallel_loop3A_548 = arith.constant 0 : i32
      %parallel_loop3A_549 = tpu.memref_slice %arg7[%parallel_loop3A_297, %parallel_loop3A_547, %parallel_loop3A_548] : memref<5x128x128xf32, #tpu.memory_space<vmem>> -> memref<1x128x128xf32, #tpu.memory_space<vmem>>
      %parallel_loop3A_550 = tpu.memref_squeeze %parallel_loop3A_549 : memref<1x128x128xf32, #tpu.memory_space<vmem>> -> memref<128x128xf32, #tpu.memory_space<vmem>>
      %parallel_loop3A_551 = arith.index_cast %parallel_loop3A_540 : i32 to index
      %parallel_loop3A_552 = arith.constant 0 : index
      %parallel_loop3A_553 = tpu.vector_load %parallel_loop3A_550[%parallel_loop3A_551, %parallel_loop3A_552] {strides = array<i32>} : memref<128x128xf32, #tpu.memory_space<vmem>>, vector<1x16xf32>,
      %parallel_loop3A_554 = vector.shape_cast %parallel_loop3A_553 : vector<1x16xf32> to vector<16xf32>
      %parallel_loop3A_555 = vector.shape_cast %parallel_loop3A_546 : vector<16xf32> to vector<1x16xf32>
      tpu.vector_store %parallel_loop3A_550[%parallel_loop3A_551, %parallel_loop3A_552], %parallel_loop3A_555 {strides = array<i32>} : memref<128x128xf32, #tpu.memory_space<vmem>>, vector<1x16xf32>,
      %parallel_loop3A_556 = arith.constant 128 : i32
      %parallel_loop3A_557 = arith.addi %parallel_loop3A_556, %parallel_loop3A_540 : i32
      %parallel_loop3A_558 = arith.index_cast %parallel_loop3A_557 : i32 to index
      %parallel_loop3A_559 = arith.constant 16 : index
      %parallel_loop3A_560 = tpu.vector_load %arg8[%parallel_loop3A_558, %parallel_loop3A_559] {strides = array<i32>} : memref<256x128xf32, #tpu.memory_space<vmem>>, vector<1x16xf32>,
      %parallel_loop3A_561 = vector.shape_cast %parallel_loop3A_560 : vector<1x16xf32> to vector<16xf32>
      %parallel_loop3A_562 = arith.constant 0 : i32
      %parallel_loop3A_563 = arith.constant 0 : i32
      %parallel_loop3A_564 = tpu.memref_slice %arg7[%parallel_loop3A_297, %parallel_loop3A_562, %parallel_loop3A_563] : memref<5x128x128xf32, #tpu.memory_space<vmem>> -> memref<1x128x128xf32, #tpu.memory_space<vmem>>
      %parallel_loop3A_565 = tpu.memref_squeeze %parallel_loop3A_564 : memref<1x128x128xf32, #tpu.memory_space<vmem>> -> memref<128x128xf32, #tpu.memory_space<vmem>>
      %parallel_loop3A_566 = arith.index_cast %parallel_loop3A_540 : i32 to index
      %parallel_loop3A_567 = arith.constant 16 : index
      %parallel_loop3A_568 = tpu.vector_load %parallel_loop3A_565[%parallel_loop3A_566, %parallel_loop3A_567] {strides = array<i32>} : memref<128x128xf32, #tpu.memory_space<vmem>>, vector<1x16xf32>,
      %parallel_loop3A_569 = vector.shape_cast %parallel_loop3A_568 : vector<1x16xf32> to vector<16xf32>
      %parallel_loop3A_570 = vector.shape_cast %parallel_loop3A_561 : vector<16xf32> to vector<1x16xf32>
      tpu.vector_store %parallel_loop3A_565[%parallel_loop3A_566, %parallel_loop3A_567], %parallel_loop3A_570 {strides = array<i32>} : memref<128x128xf32, #tpu.memory_space<vmem>>, vector<1x16xf32>,
      %parallel_loop3A_571 = arith.constant 128 : i32
      %parallel_loop3A_572 = arith.addi %parallel_loop3A_571, %parallel_loop3A_540 : i32
      %parallel_loop3A_573 = arith.index_cast %parallel_loop3A_572 : i32 to index
      %parallel_loop3A_574 = arith.constant 32 : index
      %parallel_loop3A_575 = tpu.vector_load %arg8[%parallel_loop3A_573, %parallel_loop3A_574] {strides = array<i32>} : memref<256x128xf32, #tpu.memory_space<vmem>>, vector<1x16xf32>,
      %parallel_loop3A_576 = vector.shape_cast %parallel_loop3A_575 : vector<1x16xf32> to vector<16xf32>
      %parallel_loop3A_577 = arith.constant 0 : i32
      %parallel_loop3A_578 = arith.constant 0 : i32
      %parallel_loop3A_579 = tpu.memref_slice %arg7[%parallel_loop3A_297, %parallel_loop3A_577, %parallel_loop3A_578] : memref<5x128x128xf32, #tpu.memory_space<vmem>> -> memref<1x128x128xf32, #tpu.memory_space<vmem>>
      %parallel_loop3A_580 = tpu.memref_squeeze %parallel_loop3A_579 : memref<1x128x128xf32, #tpu.memory_space<vmem>> -> memref<128x128xf32, #tpu.memory_space<vmem>>
      %parallel_loop3A_581 = arith.index_cast %parallel_loop3A_540 : i32 to index
      %parallel_loop3A_582 = arith.constant 32 : index
      %parallel_loop3A_583 = tpu.vector_load %parallel_loop3A_580[%parallel_loop3A_581, %parallel_loop3A_582] {strides = array<i32>} : memref<128x128xf32, #tpu.memory_space<vmem>>, vector<1x16xf32>,
      %parallel_loop3A_584 = vector.shape_cast %parallel_loop3A_583 : vector<1x16xf32> to vector<16xf32>
      %parallel_loop3A_585 = vector.shape_cast %parallel_loop3A_576 : vector<16xf32> to vector<1x16xf32>
      tpu.vector_store %parallel_loop3A_580[%parallel_loop3A_581, %parallel_loop3A_582], %parallel_loop3A_585 {strides = array<i32>} : memref<128x128xf32, #tpu.memory_space<vmem>>, vector<1x16xf32>,
      %parallel_loop3A_586 = arith.constant 128 : i32
      %parallel_loop3A_587 = arith.addi %parallel_loop3A_586, %parallel_loop3A_540 : i32
      %parallel_loop3A_588 = arith.index_cast %parallel_loop3A_587 : i32 to index
      %parallel_loop3A_589 = arith.constant 48 : index
      %parallel_loop3A_590 = tpu.vector_load %arg8[%parallel_loop3A_588, %parallel_loop3A_589] {strides = array<i32>} : memref<256x128xf32, #tpu.memory_space<vmem>>, vector<1x16xf32>,
      %parallel_loop3A_591 = vector.shape_cast %parallel_loop3A_590 : vector<1x16xf32> to vector<16xf32>
      %parallel_loop3A_592 = arith.constant 0 : i32
      %parallel_loop3A_593 = arith.constant 0 : i32
      %parallel_loop3A_594 = tpu.memref_slice %arg7[%parallel_loop3A_297, %parallel_loop3A_592, %parallel_loop3A_593] : memref<5x128x128xf32, #tpu.memory_space<vmem>> -> memref<1x128x128xf32, #tpu.memory_space<vmem>>
      %parallel_loop3A_595 = tpu.memref_squeeze %parallel_loop3A_594 : memref<1x128x128xf32, #tpu.memory_space<vmem>> -> memref<128x128xf32, #tpu.memory_space<vmem>>
      %parallel_loop3A_596 = arith.index_cast %parallel_loop3A_540 : i32 to index
      %parallel_loop3A_597 = arith.constant 48 : index
      %parallel_loop3A_598 = tpu.vector_load %parallel_loop3A_595[%parallel_loop3A_596, %parallel_loop3A_597] {strides = array<i32>} : memref<128x128xf32, #tpu.memory_space<vmem>>, vector<1x16xf32>,
      %parallel_loop3A_599 = vector.shape_cast %parallel_loop3A_598 : vector<1x16xf32> to vector<16xf32>
      %parallel_loop3A_600 = vector.shape_cast %parallel_loop3A_591 : vector<16xf32> to vector<1x16xf32>
      tpu.vector_store %parallel_loop3A_595[%parallel_loop3A_596, %parallel_loop3A_597], %parallel_loop3A_600 {strides = array<i32>} : memref<128x128xf32, #tpu.memory_space<vmem>>, vector<1x16xf32>,
      %parallel_loop3A_601 = arith.constant 128 : i32
      %parallel_loop3A_602 = arith.addi %parallel_loop3A_601, %parallel_loop3A_540 : i32
      %parallel_loop3A_603 = arith.index_cast %parallel_loop3A_602 : i32 to index
      %parallel_loop3A_604 = arith.constant 64 : index
      %parallel_loop3A_605 = tpu.vector_load %arg8[%parallel_loop3A_603, %parallel_loop3A_604] {strides = array<i32>} : memref<256x128xf32, #tpu.memory_space<vmem>>, vector<1x16xf32>,
      %parallel_loop3A_606 = vector.shape_cast %parallel_loop3A_605 : vector<1x16xf32> to vector<16xf32>
      %parallel_loop3A_607 = arith.constant 0 : i32
      %parallel_loop3A_608 = arith.constant 0 : i32
      %parallel_loop3A_609 = tpu.memref_slice %arg7[%parallel_loop3A_297, %parallel_loop3A_607, %parallel_loop3A_608] : memref<5x128x128xf32, #tpu.memory_space<vmem>> -> memref<1x128x128xf32, #tpu.memory_space<vmem>>
      %parallel_loop3A_610 = tpu.memref_squeeze %parallel_loop3A_609 : memref<1x128x128xf32, #tpu.memory_space<vmem>> -> memref<128x128xf32, #tpu.memory_space<vmem>>
      %parallel_loop3A_611 = arith.index_cast %parallel_loop3A_540 : i32 to index
      %parallel_loop3A_612 = arith.constant 64 : index
      %parallel_loop3A_613 = tpu.vector_load %parallel_loop3A_610[%parallel_loop3A_611, %parallel_loop3A_612] {strides = array<i32>} : memref<128x128xf32, #tpu.memory_space<vmem>>, vector<1x16xf32>,
      %parallel_loop3A_614 = vector.shape_cast %parallel_loop3A_613 : vector<1x16xf32> to vector<16xf32>
      %parallel_loop3A_615 = vector.shape_cast %parallel_loop3A_606 : vector<16xf32> to vector<1x16xf32>
      tpu.vector_store %parallel_loop3A_610[%parallel_loop3A_611, %parallel_loop3A_612], %parallel_loop3A_615 {strides = array<i32>} : memref<128x128xf32, #tpu.memory_space<vmem>>, vector<1x16xf32>,
      %parallel_loop3A_616 = arith.constant 128 : i32
      %parallel_loop3A_617 = arith.addi %parallel_loop3A_616, %parallel_loop3A_540 : i32
      %parallel_loop3A_618 = arith.index_cast %parallel_loop3A_617 : i32 to index
      %parallel_loop3A_619 = arith.constant 80 : index
      %parallel_loop3A_620 = tpu.vector_load %arg8[%parallel_loop3A_618, %parallel_loop3A_619] {strides = array<i32>} : memref<256x128xf32, #tpu.memory_space<vmem>>, vector<1x16xf32>,
      %parallel_loop3A_621 = vector.shape_cast %parallel_loop3A_620 : vector<1x16xf32> to vector<16xf32>
      %parallel_loop3A_622 = arith.constant 0 : i32
      %parallel_loop3A_623 = arith.constant 0 : i32
      %parallel_loop3A_624 = tpu.memref_slice %arg7[%parallel_loop3A_297, %parallel_loop3A_622, %parallel_loop3A_623] : memref<5x128x128xf32, #tpu.memory_space<vmem>> -> memref<1x128x128xf32, #tpu.memory_space<vmem>>
      %parallel_loop3A_625 = tpu.memref_squeeze %parallel_loop3A_624 : memref<1x128x128xf32, #tpu.memory_space<vmem>> -> memref<128x128xf32, #tpu.memory_space<vmem>>
      %parallel_loop3A_626 = arith.index_cast %parallel_loop3A_540 : i32 to index
      %parallel_loop3A_627 = arith.constant 80 : index
      %parallel_loop3A_628 = tpu.vector_load %parallel_loop3A_625[%parallel_loop3A_626, %parallel_loop3A_627] {strides = array<i32>} : memref<128x128xf32, #tpu.memory_space<vmem>>, vector<1x16xf32>,
      %parallel_loop3A_629 = vector.shape_cast %parallel_loop3A_628 : vector<1x16xf32> to vector<16xf32>
      %parallel_loop3A_630 = vector.shape_cast %parallel_loop3A_621 : vector<16xf32> to vector<1x16xf32>
      tpu.vector_store %parallel_loop3A_625[%parallel_loop3A_626, %parallel_loop3A_627], %parallel_loop3A_630 {strides = array<i32>} : memref<128x128xf32, #tpu.memory_space<vmem>>, vector<1x16xf32>,
      %parallel_loop3A_631 = arith.constant 128 : i32
      %parallel_loop3A_632 = arith.addi %parallel_loop3A_631, %parallel_loop3A_540 : i32
      %parallel_loop3A_633 = arith.index_cast %parallel_loop3A_632 : i32 to index
      %parallel_loop3A_634 = arith.constant 96 : index
      %parallel_loop3A_635 = tpu.vector_load %arg8[%parallel_loop3A_633, %parallel_loop3A_634] {strides = array<i32>} : memref<256x128xf32, #tpu.memory_space<vmem>>, vector<1x16xf32>,
      %parallel_loop3A_636 = vector.shape_cast %parallel_loop3A_635 : vector<1x16xf32> to vector<16xf32>
      %parallel_loop3A_637 = arith.constant 0 : i32
      %parallel_loop3A_638 = arith.constant 0 : i32
      %parallel_loop3A_639 = tpu.memref_slice %arg7[%parallel_loop3A_297, %parallel_loop3A_637, %parallel_loop3A_638] : memref<5x128x128xf32, #tpu.memory_space<vmem>> -> memref<1x128x128xf32, #tpu.memory_space<vmem>>
      %parallel_loop3A_640 = tpu.memref_squeeze %parallel_loop3A_639 : memref<1x128x128xf32, #tpu.memory_space<vmem>> -> memref<128x128xf32, #tpu.memory_space<vmem>>
      %parallel_loop3A_641 = arith.index_cast %parallel_loop3A_540 : i32 to index
      %parallel_loop3A_642 = arith.constant 96 : index
      %parallel_loop3A_643 = tpu.vector_load %parallel_loop3A_640[%parallel_loop3A_641, %parallel_loop3A_642] {strides = array<i32>} : memref<128x128xf32, #tpu.memory_space<vmem>>, vector<1x16xf32>,
      %parallel_loop3A_644 = vector.shape_cast %parallel_loop3A_643 : vector<1x16xf32> to vector<16xf32>
      %parallel_loop3A_645 = vector.shape_cast %parallel_loop3A_636 : vector<16xf32> to vector<1x16xf32>
      tpu.vector_store %parallel_loop3A_640[%parallel_loop3A_641, %parallel_loop3A_642], %parallel_loop3A_645 {strides = array<i32>} : memref<128x128xf32, #tpu.memory_space<vmem>>, vector<1x16xf32>,
      %parallel_loop3A_646 = arith.constant 128 : i32
      %parallel_loop3A_647 = arith.addi %parallel_loop3A_646, %parallel_loop3A_540 : i32
      %parallel_loop3A_648 = arith.index_cast %parallel_loop3A_647 : i32 to index
      %parallel_loop3A_649 = arith.constant 112 : index
      %parallel_loop3A_650 = tpu.vector_load %arg8[%parallel_loop3A_648, %parallel_loop3A_649] {strides = array<i32>} : memref<256x128xf32, #tpu.memory_space<vmem>>, vector<1x16xf32>,
      %parallel_loop3A_651 = vector.shape_cast %parallel_loop3A_650 : vector<1x16xf32> to vector<16xf32>
      %parallel_loop3A_652 = arith.constant 0 : i32
      %parallel_loop3A_653 = arith.constant 0 : i32
      %parallel_loop3A_654 = tpu.memref_slice %arg7[%parallel_loop3A_297, %parallel_loop3A_652, %parallel_loop3A_653] : memref<5x128x128xf32, #tpu.memory_space<vmem>> -> memref<1x128x128xf32, #tpu.memory_space<vmem>>
      %parallel_loop3A_655 = tpu.memref_squeeze %parallel_loop3A_654 : memref<1x128x128xf32, #tpu.memory_space<vmem>> -> memref<128x128xf32, #tpu.memory_space<vmem>>
      %parallel_loop3A_656 = arith.index_cast %parallel_loop3A_540 : i32 to index
      %parallel_loop3A_657 = arith.constant 112 : index
      %parallel_loop3A_658 = tpu.vector_load %parallel_loop3A_655[%parallel_loop3A_656, %parallel_loop3A_657] {strides = array<i32>} : memref<128x128xf32, #tpu.memory_space<vmem>>, vector<1x16xf32>,
      %parallel_loop3A_659 = vector.shape_cast %parallel_loop3A_658 : vector<1x16xf32> to vector<16xf32>
      %parallel_loop3A_660 = vector.shape_cast %parallel_loop3A_651 : vector<16xf32> to vector<1x16xf32>
      tpu.vector_store %parallel_loop3A_655[%parallel_loop3A_656, %parallel_loop3A_657], %parallel_loop3A_660 {strides = array<i32>} : memref<128x128xf32, #tpu.memory_space<vmem>>, vector<1x16xf32>,
    } {sc.loop_unroll_factor = 2 : i64, sc.parallel_access}
    %dma_start3A_298 = arith.constant 3 : i32
    %dma_start3A_299 = arith.constant 2 : i32
    %dma_start3A_300 = arith.constant 0 : i32
    %dma_start3A_301 = arith.constant 0 : i32
    %dma_start3A_302 = tpu.memref_slice %arg7[%dma_start3A_299, %dma_start3A_300, %dma_start3A_301] : memref<5x128x128xf32, #tpu.memory_space<vmem>> -> memref<1x128x128xf32, #tpu.memory_space<vmem>>
    %dma_start3A_303 = tpu.memref_squeeze %dma_start3A_302 : memref<1x128x128xf32, #tpu.memory_space<vmem>> -> memref<128x128xf32, #tpu.memory_space<vmem>>
    %dma_start3A_304 = arith.constant 128 : i32
    %dma_start3A_305 = tpu.memref_slice %arg6[%dma_start3A_298, %dma_start3A_304] : memref<4x256xi32, #tpu.memory_space<vmem>> -> memref<1x128xi32, #tpu.memory_space<vmem>>
    %dma_start3A_306 = tpu.memref_squeeze %dma_start3A_305 : memref<1x128xi32, #tpu.memory_space<vmem>> -> memref<128xi32, #tpu.memory_space<vmem>>
    %dma_start3A_307 = arith.constant 0 : i32
    %dma_start3A_308 = arith.constant 0 : i32
    %dma_start3A_309 = tpu.memref_slice %arg3[%dma_start3A_307, %dma_start3A_308] : memref<100000x128xf32, #tpu.memory_space<hbm>> -> memref<100000x128xf32, #tpu.memory_space<hbm>>
    tpu.enqueue_indirect_dma source(%dma_start3A_309 : memref<100000x128xf32, #tpu.memory_space<hbm>>) target(%dma_start3A_303 : memref<128x128xf32, #tpu.memory_space<vmem>>) offsets(%dma_start3A_306 : memref<128xi32, #tpu.memory_space<vmem>>) semaphore(%arg9 : memref<!tpu.dma_semaphore, #tpu.memory_space<semaphore_mem>>) {add = true}
    %dma_wait3A_310 = arith.constant 3 : i32
    %dma_wait3A_311 = arith.constant 3 : i32
    %dma_wait3A_312 = arith.constant 0 : i32
    %dma_wait3A_313 = arith.constant 0 : i32
    %dma_wait3A_314 = tpu.memref_slice %arg7[%dma_wait3A_311, %dma_wait3A_312, %dma_wait3A_313] : memref<5x128x128xf32, #tpu.memory_space<vmem>> -> memref<1x128x128xf32, #tpu.memory_space<vmem>>
    %dma_wait3A_315 = tpu.memref_squeeze %dma_wait3A_314 : memref<1x128x128xf32, #tpu.memory_space<vmem>> -> memref<128x128xf32, #tpu.memory_space<vmem>>
    %dma_wait3A_316 = arith.constant 0 : i32
    %dma_wait3A_317 = tpu.memref_slice %arg6[%dma_wait3A_310, %dma_wait3A_316] : memref<4x256xi32, #tpu.memory_space<vmem>> -> memref<1x128xi32, #tpu.memory_space<vmem>>
    %dma_wait3A_318 = tpu.memref_squeeze %dma_wait3A_317 : memref<1x128xi32, #tpu.memory_space<vmem>> -> memref<128xi32, #tpu.memory_space<vmem>>
    %dma_wait3A_319 = arith.constant 0 : i32
    %dma_wait3A_320 = arith.constant 0 : i32
    %dma_wait3A_321 = tpu.memref_slice %arg3[%dma_wait3A_319, %dma_wait3A_320] : memref<100000x128xf32, #tpu.memory_space<hbm>> -> memref<100000x128xf32, #tpu.memory_space<hbm>>
    tpu.wait_indirect_dma semaphore(%arg9 : memref<!tpu.dma_semaphore, #tpu.memory_space<semaphore_mem>>) src(%dma_wait3A_321 : memref<100000x128xf32, #tpu.memory_space<hbm>>) dst(%dma_wait3A_315 : memref<128x128xf32, #tpu.memory_space<vmem>>)
    %add3A_322 = arith.constant 0 : i32
    %add3A_323 = arith.addi %mul3A_2, %add3A_322 : i32
    %dma_start3A_324 = arith.constant 3 : i32
    %dma_start3A_325 = arith.constant 3 : i32
    %dma_start3A_326 = arith.constant 0 : i32
    %dma_start3A_327 = arith.constant 0 : i32
    %dma_start3A_328 = tpu.memref_slice %arg7[%dma_start3A_324, %dma_start3A_326, %dma_start3A_327] : memref<5x128x128xf32, #tpu.memory_space<vmem>> -> memref<1x128x128xf32, #tpu.memory_space<vmem>>
    %dma_start3A_329 = tpu.memref_squeeze %dma_start3A_328 : memref<1x128x128xf32, #tpu.memory_space<vmem>> -> memref<128x128xf32, #tpu.memory_space<vmem>>
    %dma_start3A_330 = arith.constant 0 : i32
    %dma_start3A_331 = tpu.memref_slice %arg5[%dma_start3A_325, %add3A_323, %dma_start3A_330] : memref<4x8192x128xf32, #tpu.memory_space<hbm>> -> memref<1x128x128xf32, #tpu.memory_space<hbm>>
    %dma_start3A_332 = tpu.memref_squeeze %dma_start3A_331 : memref<1x128x128xf32, #tpu.memory_space<hbm>> -> memref<128x128xf32, #tpu.memory_space<hbm>>
    %dma_start3A_333 = arith.constant 0 : i32
    %dma_start3A_334 = tpu.memref_slice %arg5[%dma_start3A_325, %add3A_323, %dma_start3A_333] : memref<4x8192x128xf32, #tpu.memory_space<hbm>> -> memref<1x128x128xf32, #tpu.memory_space<hbm>>
    %dma_start3A_335 = tpu.memref_squeeze %dma_start3A_334 : memref<1x128x128xf32, #tpu.memory_space<hbm>> -> memref<128x128xf32, #tpu.memory_space<hbm>>
    %dma_start3A_336 = arith.constant 0 : i32
    %dma_start3A_337 = arith.constant 0 : i32
    %dma_start3A_338 = tpu.memref_slice %arg7[%dma_start3A_324, %dma_start3A_336, %dma_start3A_337] : memref<5x128x128xf32, #tpu.memory_space<vmem>> -> memref<1x128x128xf32, #tpu.memory_space<vmem>>
    %dma_start3A_339 = tpu.memref_squeeze %dma_start3A_338 : memref<1x128x128xf32, #tpu.memory_space<vmem>> -> memref<128x128xf32, #tpu.memory_space<vmem>>
    tpu.enqueue_dma source(%dma_start3A_339 : memref<128x128xf32, #tpu.memory_space<vmem>>) target(%dma_start3A_335 : memref<128x128xf32, #tpu.memory_space<hbm>>) target_semaphore(%arg11 : memref<!tpu.dma_semaphore, #tpu.memory_space<semaphore_mem>>)
    %dma_wait3A_340 = arith.constant 0 : i32
    %dma_wait3A_341 = arith.constant 4 : i32
    %dma_wait3A_342 = arith.constant 0 : i32
    %dma_wait3A_343 = arith.constant 0 : i32
    %dma_wait3A_344 = tpu.memref_slice %arg7[%dma_wait3A_341, %dma_wait3A_342, %dma_wait3A_343] : memref<5x128x128xf32, #tpu.memory_space<vmem>> -> memref<1x128x128xf32, #tpu.memory_space<vmem>>
    %dma_wait3A_345 = tpu.memref_squeeze %dma_wait3A_344 : memref<1x128x128xf32, #tpu.memory_space<vmem>> -> memref<128x128xf32, #tpu.memory_space<vmem>>
    %dma_wait3A_346 = arith.constant 128 : i32
    %dma_wait3A_347 = tpu.memref_slice %arg6[%dma_wait3A_340, %dma_wait3A_346] : memref<4x256xi32, #tpu.memory_space<vmem>> -> memref<1x128xi32, #tpu.memory_space<vmem>>
    %dma_wait3A_348 = tpu.memref_squeeze %dma_wait3A_347 : memref<1x128xi32, #tpu.memory_space<vmem>> -> memref<128xi32, #tpu.memory_space<vmem>>
    %dma_wait3A_349 = arith.constant 0 : i32
    %dma_wait3A_350 = arith.constant 0 : i32
    %dma_wait3A_351 = tpu.memref_slice %arg3[%dma_wait3A_349, %dma_wait3A_350] : memref<100000x128xf32, #tpu.memory_space<hbm>> -> memref<100000x128xf32, #tpu.memory_space<hbm>>
    tpu.wait_indirect_dma semaphore(%arg9 : memref<!tpu.dma_semaphore, #tpu.memory_space<semaphore_mem>>) src(%dma_wait3A_351 : memref<100000x128xf32, #tpu.memory_space<hbm>>) dst(%dma_wait3A_345 : memref<128x128xf32, #tpu.memory_space<vmem>>)
    %add3A_352 = arith.constant 128 : i32
    %add3A_353 = arith.addi %mul3A_2, %add3A_352 : i32
    %dma_start3A_354 = arith.constant 4 : i32
    %dma_start3A_355 = arith.constant 0 : i32
    %dma_start3A_356 = arith.constant 0 : i32
    %dma_start3A_357 = arith.constant 0 : i32
    %dma_start3A_358 = tpu.memref_slice %arg7[%dma_start3A_354, %dma_start3A_356, %dma_start3A_357] : memref<5x128x128xf32, #tpu.memory_space<vmem>> -> memref<1x128x128xf32, #tpu.memory_space<vmem>>
    %dma_start3A_359 = tpu.memref_squeeze %dma_start3A_358 : memref<1x128x128xf32, #tpu.memory_space<vmem>> -> memref<128x128xf32, #tpu.memory_space<vmem>>
    %dma_start3A_360 = arith.constant 0 : i32
    %dma_start3A_361 = tpu.memref_slice %arg5[%dma_start3A_355, %add3A_353, %dma_start3A_360] : memref<4x8192x128xf32, #tpu.memory_space<hbm>> -> memref<1x128x128xf32, #tpu.memory_space<hbm>>
    %dma_start3A_362 = tpu.memref_squeeze %dma_start3A_361 : memref<1x128x128xf32, #tpu.memory_space<hbm>> -> memref<128x128xf32, #tpu.memory_space<hbm>>
    %dma_start3A_363 = arith.constant 0 : i32
    %dma_start3A_364 = tpu.memref_slice %arg5[%dma_start3A_355, %add3A_353, %dma_start3A_363] : memref<4x8192x128xf32, #tpu.memory_space<hbm>> -> memref<1x128x128xf32, #tpu.memory_space<hbm>>
    %dma_start3A_365 = tpu.memref_squeeze %dma_start3A_364 : memref<1x128x128xf32, #tpu.memory_space<hbm>> -> memref<128x128xf32, #tpu.memory_space<hbm>>
    %dma_start3A_366 = arith.constant 0 : i32
    %dma_start3A_367 = arith.constant 0 : i32
    %dma_start3A_368 = tpu.memref_slice %arg7[%dma_start3A_354, %dma_start3A_366, %dma_start3A_367] : memref<5x128x128xf32, #tpu.memory_space<vmem>> -> memref<1x128x128xf32, #tpu.memory_space<vmem>>
    %dma_start3A_369 = tpu.memref_squeeze %dma_start3A_368 : memref<1x128x128xf32, #tpu.memory_space<vmem>> -> memref<128x128xf32, #tpu.memory_space<vmem>>
    tpu.enqueue_dma source(%dma_start3A_369 : memref<128x128xf32, #tpu.memory_space<vmem>>) target(%dma_start3A_365 : memref<128x128xf32, #tpu.memory_space<hbm>>) target_semaphore(%arg11 : memref<!tpu.dma_semaphore, #tpu.memory_space<semaphore_mem>>)
    %dma_wait3A_370 = arith.constant 1 : i32
    %dma_wait3A_371 = arith.constant 0 : i32
    %dma_wait3A_372 = arith.constant 0 : i32
    %dma_wait3A_373 = arith.constant 0 : i32
    %dma_wait3A_374 = tpu.memref_slice %arg7[%dma_wait3A_371, %dma_wait3A_372, %dma_wait3A_373] : memref<5x128x128xf32, #tpu.memory_space<vmem>> -> memref<1x128x128xf32, #tpu.memory_space<vmem>>
    %dma_wait3A_375 = tpu.memref_squeeze %dma_wait3A_374 : memref<1x128x128xf32, #tpu.memory_space<vmem>> -> memref<128x128xf32, #tpu.memory_space<vmem>>
    %dma_wait3A_376 = arith.constant 128 : i32
    %dma_wait3A_377 = tpu.memref_slice %arg6[%dma_wait3A_370, %dma_wait3A_376] : memref<4x256xi32, #tpu.memory_space<vmem>> -> memref<1x128xi32, #tpu.memory_space<vmem>>
    %dma_wait3A_378 = tpu.memref_squeeze %dma_wait3A_377 : memref<1x128xi32, #tpu.memory_space<vmem>> -> memref<128xi32, #tpu.memory_space<vmem>>
    %dma_wait3A_379 = arith.constant 0 : i32
    %dma_wait3A_380 = arith.constant 0 : i32
    %dma_wait3A_381 = tpu.memref_slice %arg3[%dma_wait3A_379, %dma_wait3A_380] : memref<100000x128xf32, #tpu.memory_space<hbm>> -> memref<100000x128xf32, #tpu.memory_space<hbm>>
    tpu.wait_indirect_dma semaphore(%arg9 : memref<!tpu.dma_semaphore, #tpu.memory_space<semaphore_mem>>) src(%dma_wait3A_381 : memref<100000x128xf32, #tpu.memory_space<hbm>>) dst(%dma_wait3A_375 : memref<128x128xf32, #tpu.memory_space<vmem>>)
    %add3A_382 = arith.constant 128 : i32
    %add3A_383 = arith.addi %mul3A_2, %add3A_382 : i32
    %dma_start3A_384 = arith.constant 0 : i32
    %dma_start3A_385 = arith.constant 1 : i32
    %dma_start3A_386 = arith.constant 0 : i32
    %dma_start3A_387 = arith.constant 0 : i32
    %dma_start3A_388 = tpu.memref_slice %arg7[%dma_start3A_384, %dma_start3A_386, %dma_start3A_387] : memref<5x128x128xf32, #tpu.memory_space<vmem>> -> memref<1x128x128xf32, #tpu.memory_space<vmem>>
    %dma_start3A_389 = tpu.memref_squeeze %dma_start3A_388 : memref<1x128x128xf32, #tpu.memory_space<vmem>> -> memref<128x128xf32, #tpu.memory_space<vmem>>
    %dma_start3A_390 = arith.constant 0 : i32
    %dma_start3A_391 = tpu.memref_slice %arg5[%dma_start3A_385, %add3A_383, %dma_start3A_390] : memref<4x8192x128xf32, #tpu.memory_space<hbm>> -> memref<1x128x128xf32, #tpu.memory_space<hbm>>
    %dma_start3A_392 = tpu.memref_squeeze %dma_start3A_391 : memref<1x128x128xf32, #tpu.memory_space<hbm>> -> memref<128x128xf32, #tpu.memory_space<hbm>>
    %dma_start3A_393 = arith.constant 0 : i32
    %dma_start3A_394 = tpu.memref_slice %arg5[%dma_start3A_385, %add3A_383, %dma_start3A_393] : memref<4x8192x128xf32, #tpu.memory_space<hbm>> -> memref<1x128x128xf32, #tpu.memory_space<hbm>>
    %dma_start3A_395 = tpu.memref_squeeze %dma_start3A_394 : memref<1x128x128xf32, #tpu.memory_space<hbm>> -> memref<128x128xf32, #tpu.memory_space<hbm>>
    %dma_start3A_396 = arith.constant 0 : i32
    %dma_start3A_397 = arith.constant 0 : i32
    %dma_start3A_398 = tpu.memref_slice %arg7[%dma_start3A_384, %dma_start3A_396, %dma_start3A_397] : memref<5x128x128xf32, #tpu.memory_space<vmem>> -> memref<1x128x128xf32, #tpu.memory_space<vmem>>
    %dma_start3A_399 = tpu.memref_squeeze %dma_start3A_398 : memref<1x128x128xf32, #tpu.memory_space<vmem>> -> memref<128x128xf32, #tpu.memory_space<vmem>>
    tpu.enqueue_dma source(%dma_start3A_399 : memref<128x128xf32, #tpu.memory_space<vmem>>) target(%dma_start3A_395 : memref<128x128xf32, #tpu.memory_space<hbm>>) target_semaphore(%arg11 : memref<!tpu.dma_semaphore, #tpu.memory_space<semaphore_mem>>)
    %dma_wait3A_400 = arith.constant 2 : i32
    %dma_wait3A_401 = arith.constant 1 : i32
    %dma_wait3A_402 = arith.constant 0 : i32
    %dma_wait3A_403 = arith.constant 0 : i32
    %dma_wait3A_404 = tpu.memref_slice %arg7[%dma_wait3A_401, %dma_wait3A_402, %dma_wait3A_403] : memref<5x128x128xf32, #tpu.memory_space<vmem>> -> memref<1x128x128xf32, #tpu.memory_space<vmem>>
    %dma_wait3A_405 = tpu.memref_squeeze %dma_wait3A_404 : memref<1x128x128xf32, #tpu.memory_space<vmem>> -> memref<128x128xf32, #tpu.memory_space<vmem>>
    %dma_wait3A_406 = arith.constant 128 : i32
    %dma_wait3A_407 = tpu.memref_slice %arg6[%dma_wait3A_400, %dma_wait3A_406] : memref<4x256xi32, #tpu.memory_space<vmem>> -> memref<1x128xi32, #tpu.memory_space<vmem>>
    %dma_wait3A_408 = tpu.memref_squeeze %dma_wait3A_407 : memref<1x128xi32, #tpu.memory_space<vmem>> -> memref<128xi32, #tpu.memory_space<vmem>>
    %dma_wait3A_409 = arith.constant 0 : i32
    %dma_wait3A_410 = arith.constant 0 : i32
    %dma_wait3A_411 = tpu.memref_slice %arg3[%dma_wait3A_409, %dma_wait3A_410] : memref<100000x128xf32, #tpu.memory_space<hbm>> -> memref<100000x128xf32, #tpu.memory_space<hbm>>
    tpu.wait_indirect_dma semaphore(%arg9 : memref<!tpu.dma_semaphore, #tpu.memory_space<semaphore_mem>>) src(%dma_wait3A_411 : memref<100000x128xf32, #tpu.memory_space<hbm>>) dst(%dma_wait3A_405 : memref<128x128xf32, #tpu.memory_space<vmem>>)
    %add3A_412 = arith.constant 128 : i32
    %add3A_413 = arith.addi %mul3A_2, %add3A_412 : i32
    %dma_start3A_414 = arith.constant 1 : i32
    %dma_start3A_415 = arith.constant 2 : i32
    %dma_start3A_416 = arith.constant 0 : i32
    %dma_start3A_417 = arith.constant 0 : i32
    %dma_start3A_418 = tpu.memref_slice %arg7[%dma_start3A_414, %dma_start3A_416, %dma_start3A_417] : memref<5x128x128xf32, #tpu.memory_space<vmem>> -> memref<1x128x128xf32, #tpu.memory_space<vmem>>
    %dma_start3A_419 = tpu.memref_squeeze %dma_start3A_418 : memref<1x128x128xf32, #tpu.memory_space<vmem>> -> memref<128x128xf32, #tpu.memory_space<vmem>>
    %dma_start3A_420 = arith.constant 0 : i32
    %dma_start3A_421 = tpu.memref_slice %arg5[%dma_start3A_415, %add3A_413, %dma_start3A_420] : memref<4x8192x128xf32, #tpu.memory_space<hbm>> -> memref<1x128x128xf32, #tpu.memory_space<hbm>>
    %dma_start3A_422 = tpu.memref_squeeze %dma_start3A_421 : memref<1x128x128xf32, #tpu.memory_space<hbm>> -> memref<128x128xf32, #tpu.memory_space<hbm>>
    %dma_start3A_423 = arith.constant 0 : i32
    %dma_start3A_424 = tpu.memref_slice %arg5[%dma_start3A_415, %add3A_413, %dma_start3A_423] : memref<4x8192x128xf32, #tpu.memory_space<hbm>> -> memref<1x128x128xf32, #tpu.memory_space<hbm>>
    %dma_start3A_425 = tpu.memref_squeeze %dma_start3A_424 : memref<1x128x128xf32, #tpu.memory_space<hbm>> -> memref<128x128xf32, #tpu.memory_space<hbm>>
    %dma_start3A_426 = arith.constant 0 : i32
    %dma_start3A_427 = arith.constant 0 : i32
    %dma_start3A_428 = tpu.memref_slice %arg7[%dma_start3A_414, %dma_start3A_426, %dma_start3A_427] : memref<5x128x128xf32, #tpu.memory_space<vmem>> -> memref<1x128x128xf32, #tpu.memory_space<vmem>>
    %dma_start3A_429 = tpu.memref_squeeze %dma_start3A_428 : memref<1x128x128xf32, #tpu.memory_space<vmem>> -> memref<128x128xf32, #tpu.memory_space<vmem>>
    tpu.enqueue_dma source(%dma_start3A_429 : memref<128x128xf32, #tpu.memory_space<vmem>>) target(%dma_start3A_425 : memref<128x128xf32, #tpu.memory_space<hbm>>) target_semaphore(%arg11 : memref<!tpu.dma_semaphore, #tpu.memory_space<semaphore_mem>>)
    %dma_wait3A_430 = arith.constant 3 : i32
    %dma_wait3A_431 = arith.constant 2 : i32
    %dma_wait3A_432 = arith.constant 0 : i32
    %dma_wait3A_433 = arith.constant 0 : i32
    %dma_wait3A_434 = tpu.memref_slice %arg7[%dma_wait3A_431, %dma_wait3A_432, %dma_wait3A_433] : memref<5x128x128xf32, #tpu.memory_space<vmem>> -> memref<1x128x128xf32, #tpu.memory_space<vmem>>
    %dma_wait3A_435 = tpu.memref_squeeze %dma_wait3A_434 : memref<1x128x128xf32, #tpu.memory_space<vmem>> -> memref<128x128xf32, #tpu.memory_space<vmem>>
    %dma_wait3A_436 = arith.constant 128 : i32
    %dma_wait3A_437 = tpu.memref_slice %arg6[%dma_wait3A_430, %dma_wait3A_436] : memref<4x256xi32, #tpu.memory_space<vmem>> -> memref<1x128xi32, #tpu.memory_space<vmem>>
    %dma_wait3A_438 = tpu.memref_squeeze %dma_wait3A_437 : memref<1x128xi32, #tpu.memory_space<vmem>> -> memref<128xi32, #tpu.memory_space<vmem>>
    %dma_wait3A_439 = arith.constant 0 : i32
    %dma_wait3A_440 = arith.constant 0 : i32
    %dma_wait3A_441 = tpu.memref_slice %arg3[%dma_wait3A_439, %dma_wait3A_440] : memref<100000x128xf32, #tpu.memory_space<hbm>> -> memref<100000x128xf32, #tpu.memory_space<hbm>>
    tpu.wait_indirect_dma semaphore(%arg9 : memref<!tpu.dma_semaphore, #tpu.memory_space<semaphore_mem>>) src(%dma_wait3A_441 : memref<100000x128xf32, #tpu.memory_space<hbm>>) dst(%dma_wait3A_435 : memref<128x128xf32, #tpu.memory_space<vmem>>)
    %add3A_442 = arith.constant 128 : i32
    %add3A_443 = arith.addi %mul3A_2, %add3A_442 : i32
    %dma_start3A_444 = arith.constant 2 : i32
    %dma_start3A_445 = arith.constant 3 : i32
    %dma_start3A_446 = arith.constant 0 : i32
    %dma_start3A_447 = arith.constant 0 : i32
    %dma_start3A_448 = tpu.memref_slice %arg7[%dma_start3A_444, %dma_start3A_446, %dma_start3A_447] : memref<5x128x128xf32, #tpu.memory_space<vmem>> -> memref<1x128x128xf32, #tpu.memory_space<vmem>>
    %dma_start3A_449 = tpu.memref_squeeze %dma_start3A_448 : memref<1x128x128xf32, #tpu.memory_space<vmem>> -> memref<128x128xf32, #tpu.memory_space<vmem>>
    %dma_start3A_450 = arith.constant 0 : i32
    %dma_start3A_451 = tpu.memref_slice %arg5[%dma_start3A_445, %add3A_443, %dma_start3A_450] : memref<4x8192x128xf32, #tpu.memory_space<hbm>> -> memref<1x128x128xf32, #tpu.memory_space<hbm>>
    %dma_start3A_452 = tpu.memref_squeeze %dma_start3A_451 : memref<1x128x128xf32, #tpu.memory_space<hbm>> -> memref<128x128xf32, #tpu.memory_space<hbm>>
    %dma_start3A_453 = arith.constant 0 : i32
    %dma_start3A_454 = tpu.memref_slice %arg5[%dma_start3A_445, %add3A_443, %dma_start3A_453] : memref<4x8192x128xf32, #tpu.memory_space<hbm>> -> memref<1x128x128xf32, #tpu.memory_space<hbm>>
    %dma_start3A_455 = tpu.memref_squeeze %dma_start3A_454 : memref<1x128x128xf32, #tpu.memory_space<hbm>> -> memref<128x128xf32, #tpu.memory_space<hbm>>
    %dma_start3A_456 = arith.constant 0 : i32
    %dma_start3A_457 = arith.constant 0 : i32
    %dma_start3A_458 = tpu.memref_slice %arg7[%dma_start3A_444, %dma_start3A_456, %dma_start3A_457] : memref<5x128x128xf32, #tpu.memory_space<vmem>> -> memref<1x128x128xf32, #tpu.memory_space<vmem>>
    %dma_start3A_459 = tpu.memref_squeeze %dma_start3A_458 : memref<1x128x128xf32, #tpu.memory_space<vmem>> -> memref<128x128xf32, #tpu.memory_space<vmem>>
    tpu.enqueue_dma source(%dma_start3A_459 : memref<128x128xf32, #tpu.memory_space<vmem>>) target(%dma_start3A_455 : memref<128x128xf32, #tpu.memory_space<hbm>>) target_semaphore(%arg11 : memref<!tpu.dma_semaphore, #tpu.memory_space<semaphore_mem>>)
    %dma_wait3A_460 = arith.constant 3 : i32
    %dma_wait3A_461 = arith.constant 3 : i32
    %dma_wait3A_462 = arith.constant 0 : i32
    %dma_wait3A_463 = arith.constant 0 : i32
    %dma_wait3A_464 = tpu.memref_slice %arg7[%dma_wait3A_460, %dma_wait3A_462, %dma_wait3A_463] : memref<5x128x128xf32, #tpu.memory_space<vmem>> -> memref<1x128x128xf32, #tpu.memory_space<vmem>>
    %dma_wait3A_465 = tpu.memref_squeeze %dma_wait3A_464 : memref<1x128x128xf32, #tpu.memory_space<vmem>> -> memref<128x128xf32, #tpu.memory_space<vmem>>
    %dma_wait3A_466 = arith.constant 0 : i32
    %dma_wait3A_467 = tpu.memref_slice %arg5[%dma_wait3A_461, %add3A_323, %dma_wait3A_466] : memref<4x8192x128xf32, #tpu.memory_space<hbm>> -> memref<1x128x128xf32, #tpu.memory_space<hbm>>
    %dma_wait3A_468 = tpu.memref_squeeze %dma_wait3A_467 : memref<1x128x128xf32, #tpu.memory_space<hbm>> -> memref<128x128xf32, #tpu.memory_space<hbm>>
    %dma_wait3A_469 = arith.constant 0 : i32
    %dma_wait3A_470 = tpu.memref_slice %arg5[%dma_wait3A_461, %add3A_323, %dma_wait3A_469] : memref<4x8192x128xf32, #tpu.memory_space<hbm>> -> memref<1x128x128xf32, #tpu.memory_space<hbm>>
    %dma_wait3A_471 = tpu.memref_squeeze %dma_wait3A_470 : memref<1x128x128xf32, #tpu.memory_space<hbm>> -> memref<128x128xf32, #tpu.memory_space<hbm>>
    %dma_wait3A_472 = arith.constant 0 : i32
    %dma_wait3A_473 = arith.constant 0 : i32
    %dma_wait3A_474 = tpu.memref_slice %arg7[%dma_wait3A_460, %dma_wait3A_472, %dma_wait3A_473] : memref<5x128x128xf32, #tpu.memory_space<vmem>> -> memref<1x128x128xf32, #tpu.memory_space<vmem>>
    %dma_wait3A_475 = tpu.memref_squeeze %dma_wait3A_474 : memref<1x128x128xf32, #tpu.memory_space<vmem>> -> memref<128x128xf32, #tpu.memory_space<vmem>>
    tpu.wait_dma2 semaphore(%arg11 : memref<!tpu.dma_semaphore, #tpu.memory_space<semaphore_mem>>) src(%dma_wait3A_475 : memref<128x128xf32, #tpu.memory_space<vmem>>) dst(%dma_wait3A_471 : memref<128x128xf32, #tpu.memory_space<hbm>>)
    %dma_wait3A_476 = arith.constant 4 : i32
    %dma_wait3A_477 = arith.constant 0 : i32
    %dma_wait3A_478 = arith.constant 0 : i32
    %dma_wait3A_479 = arith.constant 0 : i32
    %dma_wait3A_480 = tpu.memref_slice %arg7[%dma_wait3A_476, %dma_wait3A_478, %dma_wait3A_479] : memref<5x128x128xf32, #tpu.memory_space<vmem>> -> memref<1x128x128xf32, #tpu.memory_space<vmem>>
    %dma_wait3A_481 = tpu.memref_squeeze %dma_wait3A_480 : memref<1x128x128xf32, #tpu.memory_space<vmem>> -> memref<128x128xf32, #tpu.memory_space<vmem>>
    %dma_wait3A_482 = arith.constant 0 : i32
    %dma_wait3A_483 = tpu.memref_slice %arg5[%dma_wait3A_477, %add3A_353, %dma_wait3A_482] : memref<4x8192x128xf32, #tpu.memory_space<hbm>> -> memref<1x128x128xf32, #tpu.memory_space<hbm>>
    %dma_wait3A_484 = tpu.memref_squeeze %dma_wait3A_483 : memref<1x128x128xf32, #tpu.memory_space<hbm>> -> memref<128x128xf32, #tpu.memory_space<hbm>>
    %dma_wait3A_485 = arith.constant 0 : i32
    %dma_wait3A_486 = tpu.memref_slice %arg5[%dma_wait3A_477, %add3A_353, %dma_wait3A_485] : memref<4x8192x128xf32, #tpu.memory_space<hbm>> -> memref<1x128x128xf32, #tpu.memory_space<hbm>>
    %dma_wait3A_487 = tpu.memref_squeeze %dma_wait3A_486 : memref<1x128x128xf32, #tpu.memory_space<hbm>> -> memref<128x128xf32, #tpu.memory_space<hbm>>
    %dma_wait3A_488 = arith.constant 0 : i32
    %dma_wait3A_489 = arith.constant 0 : i32
    %dma_wait3A_490 = tpu.memref_slice %arg7[%dma_wait3A_476, %dma_wait3A_488, %dma_wait3A_489] : memref<5x128x128xf32, #tpu.memory_space<vmem>> -> memref<1x128x128xf32, #tpu.memory_space<vmem>>
    %dma_wait3A_491 = tpu.memref_squeeze %dma_wait3A_490 : memref<1x128x128xf32, #tpu.memory_space<vmem>> -> memref<128x128xf32, #tpu.memory_space<vmem>>
    tpu.wait_dma2 semaphore(%arg11 : memref<!tpu.dma_semaphore, #tpu.memory_space<semaphore_mem>>) src(%dma_wait3A_491 : memref<128x128xf32, #tpu.memory_space<vmem>>) dst(%dma_wait3A_487 : memref<128x128xf32, #tpu.memory_space<hbm>>)
    %dma_wait3A_492 = arith.constant 0 : i32
    %dma_wait3A_493 = arith.constant 1 : i32
    %dma_wait3A_494 = arith.constant 0 : i32
    %dma_wait3A_495 = arith.constant 0 : i32
    %dma_wait3A_496 = tpu.memref_slice %arg7[%dma_wait3A_492, %dma_wait3A_494, %dma_wait3A_495] : memref<5x128x128xf32, #tpu.memory_space<vmem>> -> memref<1x128x128xf32, #tpu.memory_space<vmem>>
    %dma_wait3A_497 = tpu.memref_squeeze %dma_wait3A_496 : memref<1x128x128xf32, #tpu.memory_space<vmem>> -> memref<128x128xf32, #tpu.memory_space<vmem>>
    %dma_wait3A_498 = arith.constant 0 : i32
    %dma_wait3A_499 = tpu.memref_slice %arg5[%dma_wait3A_493, %add3A_383, %dma_wait3A_498] : memref<4x8192x128xf32, #tpu.memory_space<hbm>> -> memref<1x128x128xf32, #tpu.memory_space<hbm>>
    %dma_wait3A_500 = tpu.memref_squeeze %dma_wait3A_499 : memref<1x128x128xf32, #tpu.memory_space<hbm>> -> memref<128x128xf32, #tpu.memory_space<hbm>>
    %dma_wait3A_501 = arith.constant 0 : i32
    %dma_wait3A_502 = tpu.memref_slice %arg5[%dma_wait3A_493, %add3A_383, %dma_wait3A_501] : memref<4x8192x128xf32, #tpu.memory_space<hbm>> -> memref<1x128x128xf32, #tpu.memory_space<hbm>>
    %dma_wait3A_503 = tpu.memref_squeeze %dma_wait3A_502 : memref<1x128x128xf32, #tpu.memory_space<hbm>> -> memref<128x128xf32, #tpu.memory_space<hbm>>
    %dma_wait3A_504 = arith.constant 0 : i32
    %dma_wait3A_505 = arith.constant 0 : i32
    %dma_wait3A_506 = tpu.memref_slice %arg7[%dma_wait3A_492, %dma_wait3A_504, %dma_wait3A_505] : memref<5x128x128xf32, #tpu.memory_space<vmem>> -> memref<1x128x128xf32, #tpu.memory_space<vmem>>
    %dma_wait3A_507 = tpu.memref_squeeze %dma_wait3A_506 : memref<1x128x128xf32, #tpu.memory_space<vmem>> -> memref<128x128xf32, #tpu.memory_space<vmem>>
    tpu.wait_dma2 semaphore(%arg11 : memref<!tpu.dma_semaphore, #tpu.memory_space<semaphore_mem>>) src(%dma_wait3A_507 : memref<128x128xf32, #tpu.memory_space<vmem>>) dst(%dma_wait3A_503 : memref<128x128xf32, #tpu.memory_space<hbm>>)
    %dma_wait3A_508 = arith.constant 1 : i32
    %dma_wait3A_509 = arith.constant 2 : i32
    %dma_wait3A_510 = arith.constant 0 : i32
    %dma_wait3A_511 = arith.constant 0 : i32
    %dma_wait3A_512 = tpu.memref_slice %arg7[%dma_wait3A_508, %dma_wait3A_510, %dma_wait3A_511] : memref<5x128x128xf32, #tpu.memory_space<vmem>> -> memref<1x128x128xf32, #tpu.memory_space<vmem>>
    %dma_wait3A_513 = tpu.memref_squeeze %dma_wait3A_512 : memref<1x128x128xf32, #tpu.memory_space<vmem>> -> memref<128x128xf32, #tpu.memory_space<vmem>>
    %dma_wait3A_514 = arith.constant 0 : i32
    %dma_wait3A_515 = tpu.memref_slice %arg5[%dma_wait3A_509, %add3A_413, %dma_wait3A_514] : memref<4x8192x128xf32, #tpu.memory_space<hbm>> -> memref<1x128x128xf32, #tpu.memory_space<hbm>>
    %dma_wait3A_516 = tpu.memref_squeeze %dma_wait3A_515 : memref<1x128x128xf32, #tpu.memory_space<hbm>> -> memref<128x128xf32, #tpu.memory_space<hbm>>
    %dma_wait3A_517 = arith.constant 0 : i32
    %dma_wait3A_518 = tpu.memref_slice %arg5[%dma_wait3A_509, %add3A_413, %dma_wait3A_517] : memref<4x8192x128xf32, #tpu.memory_space<hbm>> -> memref<1x128x128xf32, #tpu.memory_space<hbm>>
    %dma_wait3A_519 = tpu.memref_squeeze %dma_wait3A_518 : memref<1x128x128xf32, #tpu.memory_space<hbm>> -> memref<128x128xf32, #tpu.memory_space<hbm>>
    %dma_wait3A_520 = arith.constant 0 : i32
    %dma_wait3A_521 = arith.constant 0 : i32
    %dma_wait3A_522 = tpu.memref_slice %arg7[%dma_wait3A_508, %dma_wait3A_520, %dma_wait3A_521] : memref<5x128x128xf32, #tpu.memory_space<vmem>> -> memref<1x128x128xf32, #tpu.memory_space<vmem>>
    %dma_wait3A_523 = tpu.memref_squeeze %dma_wait3A_522 : memref<1x128x128xf32, #tpu.memory_space<vmem>> -> memref<128x128xf32, #tpu.memory_space<vmem>>
    tpu.wait_dma2 semaphore(%arg11 : memref<!tpu.dma_semaphore, #tpu.memory_space<semaphore_mem>>) src(%dma_wait3A_523 : memref<128x128xf32, #tpu.memory_space<vmem>>) dst(%dma_wait3A_519 : memref<128x128xf32, #tpu.memory_space<hbm>>)
    %dma_wait3A_524 = arith.constant 2 : i32
    %dma_wait3A_525 = arith.constant 3 : i32
    %dma_wait3A_526 = arith.constant 0 : i32
    %dma_wait3A_527 = arith.constant 0 : i32
    %dma_wait3A_528 = tpu.memref_slice %arg7[%dma_wait3A_524, %dma_wait3A_526, %dma_wait3A_527] : memref<5x128x128xf32, #tpu.memory_space<vmem>> -> memref<1x128x128xf32, #tpu.memory_space<vmem>>
    %dma_wait3A_529 = tpu.memref_squeeze %dma_wait3A_528 : memref<1x128x128xf32, #tpu.memory_space<vmem>> -> memref<128x128xf32, #tpu.memory_space<vmem>>
    %dma_wait3A_530 = arith.constant 0 : i32
    %dma_wait3A_531 = tpu.memref_slice %arg5[%dma_wait3A_525, %add3A_443, %dma_wait3A_530] : memref<4x8192x128xf32, #tpu.memory_space<hbm>> -> memref<1x128x128xf32, #tpu.memory_space<hbm>>
    %dma_wait3A_532 = tpu.memref_squeeze %dma_wait3A_531 : memref<1x128x128xf32, #tpu.memory_space<hbm>> -> memref<128x128xf32, #tpu.memory_space<hbm>>
    %dma_wait3A_533 = arith.constant 0 : i32
    %dma_wait3A_534 = tpu.memref_slice %arg5[%dma_wait3A_525, %add3A_443, %dma_wait3A_533] : memref<4x8192x128xf32, #tpu.memory_space<hbm>> -> memref<1x128x128xf32, #tpu.memory_space<hbm>>
    %dma_wait3A_535 = tpu.memref_squeeze %dma_wait3A_534 : memref<1x128x128xf32, #tpu.memory_space<hbm>> -> memref<128x128xf32, #tpu.memory_space<hbm>>
    %dma_wait3A_536 = arith.constant 0 : i32
    %dma_wait3A_537 = arith.constant 0 : i32
    %dma_wait3A_538 = tpu.memref_slice %arg7[%dma_wait3A_524, %dma_wait3A_536, %dma_wait3A_537] : memref<5x128x128xf32, #tpu.memory_space<vmem>> -> memref<1x128x128xf32, #tpu.memory_space<vmem>>
    %dma_wait3A_539 = tpu.memref_squeeze %dma_wait3A_538 : memref<1x128x128xf32, #tpu.memory_space<vmem>> -> memref<128x128xf32, #tpu.memory_space<vmem>>
    tpu.wait_dma2 semaphore(%arg11 : memref<!tpu.dma_semaphore, #tpu.memory_space<semaphore_mem>>) src(%dma_wait3A_539 : memref<128x128xf32, #tpu.memory_space<vmem>>) dst(%dma_wait3A_535 : memref<128x128xf32, #tpu.memory_space<hbm>>)
    return
  }
}

</mosaic_0001>

<sc_bundles>
// kernel: kernel.3.cloned.1.call-start
scs
__scs_entry_jumppad:
0x0: {  	(pc) =	sbr.rel $0x88, $3  }
0x1: {  	(tag) =	ssettag $0x0;
	lr =	simm.s32 $0x1  }
0x2: {  	[smem:$0x3F9E] =	sst lr;
	_ =	strace $0xD0000000  }
0x3: {  	_ = 	snop  }
0x4: {  	_ = 	snop  }
0x5: {  	_ = 	snop  }
0x6: {  	_ = 	snop  }
0x7: {  	_ = 	snop  }
__scs_overlays_trampoline_lowered:
0x8: {  	[smem:$0x3FAD] =	sst s0  }
0x9: {  	[smem:$0x3FAE] =	sst s1  }
0xa: {  	[smem:$0x3FAF] =	sst s2  }
0xb: {  	[smem:$0x3FB0] =	sst s3  }
0xc: {  	[smem:$0x3FB1] =	sst s4  }
0xd: {  	[smem:$0x3FB2] =	sst s5  }
0xe: {  	[smem:$0x3FB3] =	sst s6  }
0xf: {  	[smem:$0x3FB4] =	sst s7  }
0x10: {  	[smem:$0x3FB5] =	sst s8  }
0x11: {  	[smem:$0x3FB6] =	sst s9;
	s0 =	simm.s32 @!p0 $0x0  }
0x12: {  	s1 =	sld [smem:$0x3F9C];
	s0 =	simm.s32 @p0 $0x1  }
0x13: {  	[smem:$0x3FB7] =	sst s0;
	s0 =	simm.s32 @!p1 $0x0  }
0x14: {  	s2 =	sld [smem:$0x3F9B];
	s0 =	simm.s32 @p1 $0x1  }
0x15: {  	[smem:$0x3FB8] =	sst s0;
	s0 =	simm.s32 @!p2 $0x0  }
0x16: {  	s3 =	sld [smem:$0x3FDB];
	s0 =	simm.s32 @p2 $0x1  }
0x17: {  	s4 =	simm.s32 $0x1BF5;
	[smem:$0x3FBA] =	sst s0  }
0x18: {  	s0 =	sld [smem:$0x3F9D];
	_ =	swait.ge [sflag:s4], $0x0  }
0x19: {  	s7 =	sld [smem:$0x3F9E]  }
0x1a: {  	s8 =	sadd.s32 $0xFFFFE003, lr  }
0x1b: {  	s9 =	sadd.s32 $0xFFFFFEF7, lr;
	s5 =	simm.s32 $0xFFFFFFFF;
	p2 =	slt.u32 s8, $0xFFFFF086  }
0x1c: {  	p1 =	slt.u32 s9, $0xF7A;
	s5 =	simm.s32 @!p2 $0x0  }
0x1d: {  	s5 =	simm.s32 @p1 $0x1;
	p0 =	seq.s32 s7, s2  }
0x1e: {  	s7 =	smul.u32 @!p0 $0xF7A, s2;
	p2 =	seq.s32 @!p0 s5, $0x0  }
0x1f: {  	s9 =	smul.u32 $0xF7A, s1;
	s8 =	simm.s32 @!p0 $0x1BF5;
	p2 =	por !p2, p0  }
0x20: {  	[sflag:s8] =	ssyncset.s32 @!p0 $0xFFFFF086;
	s6 =	sadd.s32 @!p0 s3, s7;
	s7 =	simm.s32 @!p0 $0x108  }
0x21: {  	s3 =	sadd.s32 s3, s9;
	s6 =	sadd.s32 @!p0 $0x88, s6;
	s7 =	simm.s32 @p2 $0x1082  }
0x22: {  	[simem:s7], [sflag:s8] =	dma.local @!p0 [hbm:s6], $0xF7A  }
0x23: {  	s9 =	sor.u32 $0xD0000000, s2;
	s6 =	simm.s32 $0x108;
	_ =	swait.ge @!p0 [sflag:s8], $0x0  }
0x24: {  	s3 =	sadd.s32 $0x88, s3;
	s6 =	simm.s32 @!p1 $0x1082;
	[sflag:s4] =	ssyncset.s32 $0xFFFFF086  }
0x25: {  	[simem:s6], [sflag:s4] =	dma.local [hbm:s3], $0xF7A  }
0x26: {  	[smem:$0x3F9E] =	sst s1;
	(tag) =	ssettag s2;
	_ =	strace s9  }
0x27: {  	s1 =	sld [smem:$0x3FAE]  }
0x28: {  	s2 =	sld [smem:$0x3FAF]  }
0x29: {  	s4 =	sld [smem:$0x3FB1]  }
0x2a: {  	p0 =	seq.s32 s5, $0x0;
	s5 =	sld [smem:$0x3FB2]  }
0x2b: {  	s6 =	sld [smem:$0x3FB3]  }
0x2c: {  	s7 =	sld [smem:$0x3FB4]  }
0x2d: {  	s3 =	simm.s32 $0x108;
	s8 =	sld [smem:$0x3FB5]  }
0x2e: {  	s3 =	simm.s32 @!p0 $0x1082;
	s9 =	sld [smem:$0x3FB6]  }
0x2f: {  	lr =	sadd.s32 s0, s3;
	s0 =	sld [smem:$0x3FAD]  }
0x30: {  	s3 =	sld [smem:$0x3FB0]  }
0x31: {  	[smem:$0x3FB9] =	sst s10  }
0x32: {  	s10 =	sld [smem:$0x3FB7];
	_ =	sdelay $0x3  }
0x33: {  	p0 =	seq.s32 s10, $0x1;
	s10 =	sld [smem:$0x3FB9];
	_ =	sdelay $0x3  }
0x34: {  	[smem:$0x3FB9] =	sst s10  }
0x35: {  	s10 =	sld [smem:$0x3FB8];
	_ =	sdelay $0x3  }
0x36: {  	p1 =	seq.s32 s10, $0x1;
	s10 =	sld [smem:$0x3FB9];
	_ =	sdelay $0x3  }
0x37: {  	[smem:$0x3FB9] =	sst s10  }
0x38: {  	s10 =	sld [smem:$0x3FBA]  }
0x39: {  	_ = 	snop;
	(pc) =	sbr.ind lr, $3  }
0x3a: {  	_ = 	snop  }
0x3b: {  	_ = 	snop  }
0x3c: {  	p2 =	seq.s32 s10, $0x1;
	s10 =	sld [smem:$0x3FB9]  }
0x3d: {  	_ =	shalt  }
0x3e: {  	_ =	shalt  }
0x3f: {  	_ =	shalt  }
0x40: {  	_ =	shalt  }
0x41: {  	_ =	shalt  }
0x42: {  	_ =	shalt  }
0x43: {  	_ =	shalt  }
0x44: {  	_ =	shalt  }
0x45: {  	_ =	shalt  }
0x46: {  	_ =	shalt  }
0x47: {  	_ =	shalt  }
0x48: {  	_ =	shalt  }
0x49: {  	_ =	shalt  }
0x4a: {  	_ =	shalt  }
0x4b: {  	_ =	shalt  }
0x4c: {  	_ =	shalt  }
0x4d: {  	_ =	shalt  }
0x4e: {  	_ =	shalt  }
0x4f: {  	_ =	shalt  }
0x50: {  	_ =	shalt  }
0x51: {  	_ =	shalt  }
0x52: {  	_ =	shalt  }
0x53: {  	_ =	shalt  }
0x54: {  	_ =	shalt  }
0x55: {  	_ =	shalt  }
0x56: {  	_ =	shalt  }
0x57: {  	_ =	shalt  }
0x58: {  	_ =	shalt  }
0x59: {  	_ =	shalt  }
0x5a: {  	_ =	shalt  }
0x5b: {  	_ =	shalt  }
0x5c: {  	_ =	shalt  }
0x5d: {  	_ =	shalt  }
0x5e: {  	_ =	shalt  }
0x5f: {  	_ =	shalt  }
0x60: {  	_ =	shalt  }
0x61: {  	_ =	shalt  }
0x62: {  	_ =	shalt  }
0x63: {  	_ =	shalt  }
0x64: {  	_ =	shalt  }
0x65: {  	_ =	shalt  }
0x66: {  	_ =	shalt  }
0x67: {  	_ =	shalt  }
0x68: {  	_ =	shalt  }
0x69: {  	_ =	shalt  }
0x6a: {  	_ =	shalt  }
0x6b: {  	_ =	shalt  }
0x6c: {  	_ =	shalt  }
0x6d: {  	_ =	shalt  }
0x6e: {  	_ =	shalt  }
0x6f: {  	_ =	shalt  }
0x70: {  	_ =	shalt  }
0x71: {  	_ =	shalt  }
0x72: {  	_ =	shalt  }
0x73: {  	_ =	shalt  }
0x74: {  	_ =	shalt  }
0x75: {  	_ =	shalt  }
0x76: {  	_ =	shalt  }
0x77: {  	_ =	shalt  }
0x78: {  	_ =	shalt  }
0x79: {  	_ =	shalt  }
0x7a: {  	_ =	shalt  }
0x7b: {  	_ =	shalt  }
0x7c: {  	_ =	shalt  }
0x7d: {  	_ =	shalt  }
0x7e: {  	_ =	shalt  }
0x7f: {  	_ =	shalt  }
0x80: {  	_ =	shalt  }
0x81: {  	_ =	shalt  }
0x82: {  	_ =	shalt  }
0x83: {  	_ =	shalt  }
0x84: {  	_ =	shalt  }
0x85: {  	_ =	shalt  }
0x86: {  	_ =	shalt  }
0x87: {  	_ =	shalt  }
.Lfunc_end0:
.L_simem_size_0:
called_computation_lowered:
.L_overlay_start_0:
0x88: {  	s2 =	sld [smem:$0x3FD9]  }
0x89: {  	s3 =	sld [smem:$0x3FFE];
	_ =	sdelay $0x1  }
0x8a: {  	s1 =	srdreg.scid  }
0x8b: {  	s0 =	sand.u32 $0x1, s1  }
0x8c: {  	s18 =	sshll.u32 s0, $0xA;
	s2 =	sadd.s32 s3, s2  }
0x8d: {  	s2 =	sadd.s32 s2, s18  }
0x8e: {  	[smem:$0x3FC5] =	sst s2  }
0x8f: {  	_ = 	snop  }
0x90: {  	s2 =	sld [smem:$0x3FC9]  }
0x91: {  	s19 =	sld [smem:$0x3FC8]  }
0x92: {  	s4 =	sld [smem:$0x3FC7]  }
0x93: {  	s5 =	sld [smem:$0x3FD0];
	(tm) =	ssettm $0x1  }
0x94: {  	s6 =	sld [smem:$0x3FFB];
	_ =	sdelay $0x3  }
0x95: {  	_ =	strace s6  }
0x96: {  	s6 =	sld [smem:$0x3FFC];
	_ =	sdelay $0x3  }
0x97: {  	_ =	strace s6  }
0x98: {  	s6 =	sld [smem:$0x3FFD];
	_ =	sdelay $0x3  }
0x99: {  	_ =	strace s6  }
0x9a: {  	_ =	strace $0x8FFFFFFF  }
0x9b: {  	s20 =	sld [smem:$0x3FDB];
	_ =	sdelay $0x1  }
0x9c: {  	s7 =	simm.s32 $_scs_section_size  }
0x9d: {  	s8 =	simm.s32 $_size__tile_overlayer_lowered;
	s9 =	simm.s32 $_tile_overlayer_lowered  }
0x9e: {  	s23 =	simm.s32 $0x1BFF;
	s22 =	sshll.u32 s9, $0x1;
	s6 =	sadd.s32 s7, s20  }
0x9f: {  	s10 =	simm.s32 $0x0;
	s21 =	sshll.u32 s8, $0x1;
	s8 =	sadd.s32 s22, s6  }
0xa0: {  	[timem:s10], [sflag:s23] =	dma.local [hbm:s8], s21  }
0xa1: {  	_ =	swait.ge [sflag:s23], s21  }
0xa2: {  	s7 =	ssub.s32 $0x0, s21;
	[sflag:s23] =	ssyncset.done $0x0  }
0xa3: {  	[sflag:s23] =	ssyncadd.s32 s7;
	_ =	sdelay $0x1  }
0xa4: {  	s24 =	simm.s32 $0x1B8B  }
0xa5: {  	_ =	swait.ge [sflag:s24], $0x1  }
0xa6: {  	[sflag:s24] =	ssyncset.done $0x0  }
0xa7: {  	s25 =	simm.s32 $0x1B8E;
	[sflag:s24] =	ssyncadd.s32 $0xFFFFFFFF  }
0xa8: {  	s26 =	simm.s32 $execute0_lowered;
	[smem:$0x3FD2] =	sst s25  }
0xa9: {  	s7 =	sshll.u32 s26, $0x1;
	_ =	strace $0x80000046;
	[dreg:$0x1] =	wrdreg $0xFFFFFFFF  }
0xaa: {  	s28 =	simm.s32 $_size_execute0_lowered;
	s6 =	sadd.s32 s6, s7;
	[dreg:$0x0] =	wrdreg $0x0  }
0xab: {  	s7 =	sshll.u32 s28, $0x1;
	[dreg:$0x2] =	wrdreg s6  }
0xac: {  	[dreg:$0x3] =	wrdreg s7  }
0xad: {  	[dreg:$0x4] =	wrdreg $0xC0  }
0xae: {  	_ =	task [dreg:s10], $0x5FFFF  }
0xaf: {  	[dreg:$0x1] =	wrdreg $0xFFFFFFFF  }
0xb0: {  	[dreg:$0x0] =	wrdreg $0x60  }
0xb1: {  	[dreg:$0x2] =	wrdreg s2  }
0xb2: {  	[dreg:$0x3] =	wrdreg s19  }
0xb3: {  	[dreg:$0x4] =	wrdreg s4  }
0xb4: {  	[dreg:$0x5] =	wrdreg s5  }
0xb5: {  	[dreg:$0x6] =	wrdreg $0x9  }
0xb6: {  	_ =	task.clear_ibuf [dreg:s10], $0x7FFFF;
	_ =	strace $0x90000046  }
0xb7: {  	s29 =	simm.s32 $0x9;
	_ =	strace $0x80000048  }
0xb8: {  	_ =	swait.ge [sflag:s29], $0x1  }
0xb9: {  	[sflag:s29] =	ssyncadd.s32 $0xFFFFFFFF  }
0xba: {  	_ =	strace $0x90000048  }
0xbb: {  	_ =	sfence  }
0xbc: {  	s30 =	sld [smem:$0x0];
	_ =	sdelay $0x2  }
0xbd: {  	s31 =	sshll.u32 s1, $0xD;
	s1 =	sshrl.u32 s1, $0x2  }
0xbe: {  	s3 =	sand.u32 $0x4000, s31;
	s1 =	sadd.s32 s1, s30  }
0xbf: {  	s0 =	sor.u32 s3, s0;
	s1 =	sshll.u32 s1, $0x11  }
0xc0: {  	s0 =	sor.u32 s1, s0  }
0xc1: {  	s0 =	sadd.s32 $0x8F2B, s0  }
0xc2: {  	[sflag:s0] =	ssyncadd.remote.s32 $0x1  }
0xc3: {  	_ =	sfence.sel $0xFFFF  }
0xc4: {  	[dreg:$0x0] =	wrdreg $0xFFFFFFFF;
	(pc) =	sbr.abs _section_cstart, $3  }
0xc5: {  	[dreg:$0x1] =	wrdreg $0xFFFFFFFF  }
0xc6: {  	_ =	task.clear_ibuf [dreg:s10], $0x2FFFF;
	_ =	strace $0x9FFFFFFF  }
0xc7: {  	(tm) =	ssettm $0x7FFFFFFF  }
tec
execute0_lowered:
.L_overlay_start_1:
0x0: {  	(tag) =	ssettag $0x1  }
0x1: {  	s0 =	rddreg [dreg:$0x0]  }
0x2: {  	s1 =	rddreg [dreg:$0x1]  }
0x3: {  	s2 =	rddreg [dreg:$0x2]  }
0x4: {  	s4 =	rddreg [dreg:$0x3]  }
0x5: {  	s5 =	srdreg.scid;
	s3 =	simm.s32 $0x0;
	s7 =	stileid.u32  }
0x6: {  	s18 =	simm.s32 $0x4;
	s19 =	simm.s32 $0x2;
	s20 =	simm.s32 $0x80  }
0x7: {  	s21 =	simm.s32 $0x400;
	s22 =	simm.s32 $0x4400;
	s24 =	simm.s32 $0x8400  }
0x8: {  	s29 =	simm.s32 $0x10400;
	s30 =	simm.s32 $0x1;
	s31 =	simm.s32 $0x3  }
0x9: {  	s17 =	simm.s32 $0x0;
	s5 =	sand.u32 $0x1, s5;
	s7 =	sshll.u32 s7, $0x9  }
0xa: {  	[smem:$0x7FF] =	sst s3;
	s6 =	ssub.s32 $0x2, s5;
	s5 =	sshll.u32 s5, $0x8  }
0xb: {  	_ =	strace $0x80000047;
	s8 =	sshrl.u32 s6, $0x1;
	s5 =	sor.u32 s5, s7  }
0xc: {  	s15 =	ssub.s32 s6, s8;
	s7 =	sshll.u32 s5, $0x4;
	s28 =	sshrl.u32 s5, $0x1  }
0xd: {  	s26 =	sadd.s32 s2, s7;
	s11 =	sor.u32 $0x800, s7;
	s6 =	sadd.s32 s0, s28  }
0xe: {  	s7 =	sadd.s32 s4, s7;
	s15 =	smax.u32 s15, $0x1;
	[dreg:$0x5] =	wrdreg s26  }
0xf: {  	s5 =	sadd.s32 s2, s11;
	s8 =	sadd.s32 $0x20000, s7;
	s9 =	sadd.s32 $0x40000, s7  }
0x10: {  	s10 =	sadd.s32 $0x60000, s7;
	s11 =	sadd.s32 s4, s11;
	s12 =	sadd.s32 $0x20800, s7  }
0x11: {  	s13 =	sadd.s32 $0x40800, s7;
	s14 =	sadd.s32 $0x60800, s7;
	s26 =	simm.s32 $0xC400  }
.LBB2_1:
0x12: {  	s0 =	rddreg [dreg:$0x5];
	s2 =	simm.s32 $0x14400  }
0x13: {  	[tilespmem:s2], [sflag:$0x2] =	stream.linear.gather [hbm4b:s0+s3], $0x4000, $0x38;
	[tilespmem:$0x1C400] =	vst v63  }
0x14: {  	s25 =	simm.s32 $0x18400  }
0x15: {  	[tilespmem:s25], [sflag:$0x2] =	stream.linear.gather [hbm4b:s5+s3], $0x4000, $0x38;
	[tilespmem:$0x1C400] =	vst v63  }
0x16: {  	_ = 	snop  }
0x17: {  	[tilespmem:s3], [sflag:$0x4] =	stream.linear.gather [hbm4b:s6+s3], $0x400, $0x38;
	[tilespmem:$0x1C400] =	vst v63  }
0x18: {  	_ =	swait.ge [sflag:s18], $0x400  }
0x19: {  	[sflag:s18] =	ssyncset.done $0x0  }
0x1a: {  	[sflag:s18] =	ssyncadd.s32 $0xFFFFFC00  }
0x1b: {  	_ =	swait.ge [sflag:s19], $0x4000  }
0x1c: {  	[sflag:s19] =	ssyncset.done $0x0  }
0x1d: {  	s4 =	simm.s32 $0x14480;
	[sflag:s19] =	ssyncadd.s32 $0xFFFFC000  }
0x1e: {  	v0 =	vld [tilespmem:s4+$0x0]  }
0x1f: {  	v1 =	vld [tilespmem:s4+$0xFFFFFF80];
	_ =	sdelay $0x2  }
0x20: {  	s23 =	simm.s32 $0x480  }
0x21: {  	[tilespmem:s23+$0x0] =	vst v0  }
0x22: {  	[tilespmem:s23+$0xFFFFFF80] =	vst v1;
	v0 =	vld [tilespmem:s4+$0x10]  }
0x23: {  	v1 =	vld [tilespmem:s4+$0xFFFFFF90];
	_ =	sdelay $0x3  }
0x24: {  	[tilespmem:s23+$0x10] =	vst v0  }
0x25: {  	[tilespmem:s23+$0xFFFFFF90] =	vst v1;
	v0 =	vld [tilespmem:s4+$0x20]  }
0x26: {  	v1 =	vld [tilespmem:s4+$0xFFFFFFA0];
	_ =	sdelay $0x1  }
0x27: {  	s28 =	simm.s32 $0x14580  }
0x28: {  	v2 =	vld [tilespmem:s28+$0x0]  }
0x29: {  	v3 =	vld [tilespmem:s28+$0xFFFFFF80];
	[tilespmem:s23+$0x20] =	vst v0  }
0x2a: {  	[tilespmem:s23+$0xFFFFFFA0] =	vst v1;
	v0 =	vld [tilespmem:s4+$0x30]  }
0x2b: {  	v1 =	vld [tilespmem:s4+$0xFFFFFFB0]  }
0x2c: {  	s25 =	simm.s32 $0x580  }
0x2d: {  	[tilespmem:s25+$0x0] =	vst v2  }
0x2e: {  	[tilespmem:s25+$0xFFFFFF80] =	vst v3;
	v2 =	vld [tilespmem:s28+$0x10]  }
0x2f: {  	v3 =	vld [tilespmem:s28+$0xFFFFFF90];
	[tilespmem:s23+$0x30] =	vst v0  }
0x30: {  	[tilespmem:s23+$0xFFFFFFB0] =	vst v1;
	v0 =	vld [tilespmem:s4+$0x40]  }
0x31: {  	v1 =	vld [tilespmem:s4+$0xFFFFFFC0];
	_ =	sdelay $0x1  }
0x32: {  	[tilespmem:s25+$0x10] =	vst v2  }
0x33: {  	[tilespmem:s25+$0xFFFFFF90] =	vst v3;
	v2 =	vld [tilespmem:s28+$0x20]  }
0x34: {  	v3 =	vld [tilespmem:s28+$0xFFFFFFA0];
	[tilespmem:s23+$0x40] =	vst v0  }
0x35: {  	[tilespmem:s23+$0xFFFFFFC0] =	vst v1;
	v0 =	vld [tilespmem:s4+$0x50]  }
0x36: {  	s0 =	simm.s32 $0x14680;
	v1 =	vld [tilespmem:s4+$0xFFFFFFD0]  }
0x37: {  	v4 =	vld [tilespmem:s0+$0x0]  }
0x38: {  	v5 =	vld [tilespmem:s0+$0xFFFFFF80];
	[tilespmem:s25+$0x20] =	vst v2  }
0x39: {  	[tilespmem:s25+$0xFFFFFFA0] =	vst v3;
	v2 =	vld [tilespmem:s28+$0x30]  }
0x3a: {  	v3 =	vld [tilespmem:s28+$0xFFFFFFB0];
	[tilespmem:s23+$0x50] =	vst v0  }
0x3b: {  	s2 =	simm.s32 $0x680;
	[tilespmem:s23+$0xFFFFFFD0] =	vst v1;
	v0 =	vld [tilespmem:s4+$0x60]  }
0x3c: {  	[tilespmem:s2+$0x0] =	vst v4;
	v1 =	vld [tilespmem:s4+$0xFFFFFFE0]  }
0x3d: {  	[tilespmem:s2+$0xFFFFFF80] =	vst v5;
	v4 =	vld [tilespmem:s0+$0x10]  }
0x3e: {  	v5 =	vld [tilespmem:s0+$0xFFFFFF90];
	[tilespmem:s25+$0x30] =	vst v2  }
0x3f: {  	[tilespmem:s25+$0xFFFFFFB0] =	vst v3;
	v2 =	vld [tilespmem:s28+$0x40]  }
0x40: {  	v6 =	vld [tilespmem:s28+$0xFFFFFFC0];
	[tilespmem:s23+$0x60] =	vst v0  }
0x41: {  	[tilespmem:s23+$0xFFFFFFE0] =	vst v1;
	v7 =	vld [tilespmem:s4+$0x70]  }
0x42: {  	[tilespmem:s2+$0x10] =	vst v4;
	v0 =	vld [tilespmem:s4+$0xFFFFFFF0]  }
0x43: {  	[tilespmem:s2+$0xFFFFFF90] =	vst v5;
	v3 =	vld [tilespmem:s0+$0x20]  }
0x44: {  	v4 =	vld [tilespmem:s0+$0xFFFFFFA0];
	[tilespmem:s25+$0x40] =	vst v2  }
0x45: {  	[tilespmem:s25+$0xFFFFFFC0] =	vst v6;
	v1 =	vld [tilespmem:s28+$0x50]  }
0x46: {  	s16 =	simm.s32 $0x4;
	v2 =	vld [tilespmem:s28+$0xFFFFFFD0];
	s4 =	simm.s32 $0x14780;
	[tilespmem:s23+$0x70] =	vst v7  }
.LBB2_2:
0x47: {  	v5 =	vld [tilespmem:s4+$0x0];
	s16 =	sadd.s32 $0x2, s16;
	[tilespmem:s23+$0xFFFFFFF0] =	vst v0;
	s23 =	smov.u32 s25;
	s25 =	smov.u32 s2  }
0x48: {  	v0 =	vld [tilespmem:s4+$0xFFFFFF80];
	p0 =	slt.u32 s16, $0x7E;
	[tilespmem:s2+$0x20] =	vst v3  }
0x49: {  	[tilespmem:s2+$0xFFFFFFA0] =	vst v4;
	v3 =	vld [tilespmem:s0+$0x30]  }
0x4a: {  	v4 =	vld [tilespmem:s0+$0xFFFFFFB0];
	[tilespmem:s23+$0x50] =	vst v1  }
0x4b: {  	s2 =	sadd.s32 $0x100, s2;
	[tilespmem:s23+$0xFFFFFFD0] =	vst v2;
	v1 =	vld [tilespmem:s28+$0x60]  }
0x4c: {  	[tilespmem:s2+$0x0] =	vst v5;
	v2 =	vld [tilespmem:s28+$0xFFFFFFE0]  }
0x4d: {  	[tilespmem:s2+$0xFFFFFF80] =	vst v0;
	v0 =	vld [tilespmem:s4+$0x10]  }
0x4e: {  	v5 =	vld [tilespmem:s4+$0xFFFFFF90];
	[tilespmem:s25+$0x30] =	vst v3  }
0x4f: {  	[tilespmem:s25+$0xFFFFFFB0] =	vst v4;
	v6 =	vld [tilespmem:s0+$0x40]  }
0x50: {  	v7 =	vld [tilespmem:s0+$0xFFFFFFC0];
	[tilespmem:s23+$0x60] =	vst v1  }
0x51: {  	[tilespmem:s23+$0xFFFFFFE0] =	vst v2;
	v8 =	vld [tilespmem:s28+$0x70]  }
.Ltmp0:
0x52: {  	[tilespmem:s2+$0x10] =	vst v0;
	v0 =	vld [tilespmem:s28+$0xFFFFFFF0];
	s28 =	smov.u32 s0;
	s0 =	smov.u32 s4;
	(pc) =	sbr.rel @p0 .LBB2_2-.Ltmp0, $4  }
0x53: {  	[tilespmem:s2+$0xFFFFFF90] =	vst v5;
	v3 =	vld [tilespmem:s4+$0x20]  }
0x54: {  	v4 =	vld [tilespmem:s4+$0xFFFFFFA0];
	[tilespmem:s25+$0x40] =	vst v6  }
0x55: {  	[tilespmem:s25+$0xFFFFFFC0] =	vst v7;
	v1 =	vld [tilespmem:s28+$0x50]  }
0x56: {  	s4 =	sadd.s32 $0x100, s4;
	v2 =	vld [tilespmem:s28+$0xFFFFFFD0];
	[tilespmem:s23+$0x70] =	vst v8  }
0x57: {  	_ = 	snop  }
0x58: {  	[tilespmem:s2+$0x20] =	vst v3  }
0x59: {  	[tilespmem:s2+$0xFFFFFFA0] =	vst v4;
	v3 =	vld [tilespmem:s0+$0x30]  }
0x5a: {  	v4 =	vld [tilespmem:s0+$0xFFFFFFB0];
	_ =	sdelay $0x3  }
0x5b: {  	[tilespmem:s2+$0x30] =	vst v3  }
0x5c: {  	[tilespmem:s2+$0xFFFFFFB0] =	vst v4;
	v3 =	vld [tilespmem:s0+$0x40]  }
0x5d: {  	v4 =	vld [tilespmem:s0+$0xFFFFFFC0];
	_ =	sdelay $0x3  }
0x5e: {  	[tilespmem:s2+$0x40] =	vst v3  }
0x5f: {  	[tilespmem:s2+$0xFFFFFFC0] =	vst v4;
	v3 =	vld [tilespmem:s0+$0x50]  }
0x60: {  	v4 =	vld [tilespmem:s0+$0xFFFFFFD0];
	_ =	sdelay $0x1  }
0x61: {  	[tilespmem:s25+$0x50] =	vst v1  }
0x62: {  	[tilespmem:s25+$0xFFFFFFD0] =	vst v2;
	v1 =	vld [tilespmem:s28+$0x60]  }
0x63: {  	v2 =	vld [tilespmem:s28+$0xFFFFFFE0];
	[tilespmem:s2+$0x50] =	vst v3  }
0x64: {  	[tilespmem:s2+$0xFFFFFFD0] =	vst v4;
	v3 =	vld [tilespmem:s0+$0x60]  }
0x65: {  	v4 =	vld [tilespmem:s0+$0xFFFFFFE0];
	_ =	sdelay $0x1  }
0x66: {  	[tilespmem:s25+$0x60] =	vst v1  }
0x67: {  	[tilespmem:s25+$0xFFFFFFE0] =	vst v2;
	v1 =	vld [tilespmem:s28+$0x70]  }
0x68: {  	v2 =	vld [tilespmem:s28+$0xFFFFFFF0];
	[tilespmem:s2+$0x60] =	vst v3  }
0x69: {  	[tilespmem:s2+$0xFFFFFFE0] =	vst v4;
	v3 =	vld [tilespmem:s0+$0x70]  }
0x6a: {  	v4 =	vld [tilespmem:s0+$0xFFFFFFF0]  }
0x6b: {  	[tilespmem:s23+$0xFFFFFFF0] =	vst v0  }
0x6c: {  	[tilespmem:s25+$0x70] =	vst v1  }
0x6d: {  	[tilespmem:s25+$0xFFFFFFF0] =	vst v2  }
0x6e: {  	[tilespmem:s2+$0x70] =	vst v3  }
0x6f: {  	s28 =	simm.s32 $0x0;
	s0 =	simm.s32 $0x0;
	[tilespmem:s2+$0xFFFFFFF0] =	vst v4  }
0x70: {  	[tilespmem:s21], [sflag:$0x1] =	stream.indirect.gather.add.f32 [hbm:s1], $0x80, s28, s20, $0xb8;
	[tilespmem:$0x1C400] =	vst v63  }
0x71: {  	v0 =	vld [tilespmem:s0+$0x14400]  }
0x72: {  	v1 =	vld [tilespmem:s0+$0x14410]  }
0x73: {  	v2 =	vld [tilespmem:s0+$0x14420]  }
0x74: {  	v5 =	vld [tilespmem:s0+$0x144F0]  }
0x75: {  	v3 =	vld [tilespmem:s0+$0x14430]  }
0x76: {  	v4 =	vld [tilespmem:s0+$0x14440];
	[tilespmem:s0+$0x4400] =	vst v0  }
0x77: {  	v6 =	vld [tilespmem:s0+$0x14450];
	[tilespmem:s0+$0x4410] =	vst v1  }
0x78: {  	v7 =	vld [tilespmem:s0+$0x14460];
	[tilespmem:s0+$0x4420] =	vst v2  }
0x79: {  	v8 =	vld [tilespmem:s0+$0x14480];
	[tilespmem:s0+$0x44F0] =	vst v5  }
0x7a: {  	v5 =	vld [tilespmem:s0+$0x14470];
	[tilespmem:s0+$0x4430] =	vst v3  }
0x7b: {  	v2 =	vld [tilespmem:s0+$0x14490];
	[tilespmem:s0+$0x4440] =	vst v4  }
0x7c: {  	v0 =	vld [tilespmem:s0+$0x144A0];
	[tilespmem:s0+$0x4450] =	vst v6  }
0x7d: {  	v1 =	vld [tilespmem:s0+$0x144B0];
	[tilespmem:s0+$0x4460] =	vst v7  }
0x7e: {  	v3 =	vld [tilespmem:s0+$0x144C0];
	[tilespmem:s0+$0x4480] =	vst v8  }
0x7f: {  	s4 =	simm.s32 $0x400;
	s2 =	simm.s32 $0x0;
	v4 =	vld [tilespmem:s0+$0x144D0];
	[tilespmem:s0+$0x4470] =	vst v5  }
.LBB2_4:
0x80: {  	s16 =	sshra.s32 s4, $0x2;
	s2 =	sadd.s32 $0x2, s2;
	[tilespmem:s0+$0x4490] =	vst v2;
	v2 =	vld [tilespmem:s0+$0x144E0]  }
0x81: {  	v5 =	vld [tilespmem:s16+$0x144F0];
	p0 =	slt.u32 s2, $0x7E;
	[tilespmem:s0+$0x44A0] =	vst v0  }
0x82: {  	v0 =	vld [tilespmem:s16+$0x14400];
	[tilespmem:s0+$0x44B0] =	vst v1  }
0x83: {  	v1 =	vld [tilespmem:s16+$0x14410];
	[tilespmem:s0+$0x44C0] =	vst v3  }
0x84: {  	v3 =	vld [tilespmem:s16+$0x14420];
	[tilespmem:s0+$0x44D0] =	vst v4  }
0x85: {  	v4 =	vld [tilespmem:s16+$0x14430];
	[tilespmem:s0+$0x44E0] =	vst v2;
	s0 =	smov.u32 s16  }
0x86: {  	v2 =	vld [tilespmem:s0+$0x14440];
	[tilespmem:s0+$0x44F0] =	vst v5  }
0x87: {  	[tilespmem:s0+$0x4400] =	vst v0;
	v0 =	vld [tilespmem:s0+$0x14450]  }
0x88: {  	[tilespmem:s0+$0x4410] =	vst v1;
	v1 =	vld [tilespmem:s0+$0x14460]  }
0x89: {  	[tilespmem:s0+$0x4420] =	vst v3;
	v3 =	vld [tilespmem:s0+$0x14470]  }
0x8a: {  	[tilespmem:s0+$0x4430] =	vst v4;
	v4 =	vld [tilespmem:s0+$0x14480]  }
.Ltmp1:
0x8b: {  	[tilespmem:s0+$0x4440] =	vst v2;
	v2 =	vld [tilespmem:s0+$0x14490];
	(pc) =	sbr.rel @p0 .LBB2_4-.Ltmp1, $4  }
0x8c: {  	[tilespmem:s0+$0x4450] =	vst v0;
	v0 =	vld [tilespmem:s0+$0x144A0]  }
0x8d: {  	[tilespmem:s0+$0x4460] =	vst v1;
	v1 =	vld [tilespmem:s0+$0x144B0]  }
0x8e: {  	[tilespmem:s0+$0x4470] =	vst v3;
	v3 =	vld [tilespmem:s0+$0x144C0]  }
0x8f: {  	s4 =	sadd.s32 $0x400, s4;
	[tilespmem:s0+$0x4480] =	vst v4;
	v4 =	vld [tilespmem:s0+$0x144D0]  }
0x90: {  	[tilespmem:s0+$0x4490] =	vst v2;
	v2 =	vld [tilespmem:s0+$0x144E0]  }
0x91: {  	[tilespmem:s0+$0x44A0] =	vst v0  }
0x92: {  	[tilespmem:s0+$0x44B0] =	vst v1  }
0x93: {  	[tilespmem:s0+$0x44C0] =	vst v3  }
0x94: {  	[tilespmem:s0+$0x44D0] =	vst v4  }
0x95: {  	[tilespmem:s0+$0x44E0] =	vst v2;
	s0 =	simm.s32 $0x0  }
0x96: {  	[tilespmem:s22], [sflag:$0x1] =	stream.indirect.gather.add.f32 [hbm:s1], $0x80, s20, s20, $0xb8;
	[tilespmem:$0x1C400] =	vst v63  }
0x97: {  	v0 =	vld [tilespmem:s0+$0x14400]  }
0x98: {  	v1 =	vld [tilespmem:s0+$0x14410]  }
0x99: {  	v2 =	vld [tilespmem:s0+$0x14420]  }
0x9a: {  	v5 =	vld [tilespmem:s0+$0x144F0]  }
0x9b: {  	v3 =	vld [tilespmem:s0+$0x14430]  }
0x9c: {  	v4 =	vld [tilespmem:s0+$0x14440];
	[tilespmem:s0+$0x8400] =	vst v0  }
0x9d: {  	v6 =	vld [tilespmem:s0+$0x14450];
	[tilespmem:s0+$0x8410] =	vst v1  }
0x9e: {  	v7 =	vld [tilespmem:s0+$0x14460];
	[tilespmem:s0+$0x8420] =	vst v2  }
0x9f: {  	v8 =	vld [tilespmem:s0+$0x14480];
	[tilespmem:s0+$0x84F0] =	vst v5  }
0xa0: {  	v5 =	vld [tilespmem:s0+$0x14470];
	[tilespmem:s0+$0x8430] =	vst v3  }
0xa1: {  	v2 =	vld [tilespmem:s0+$0x14490];
	[tilespmem:s0+$0x8440] =	vst v4  }
0xa2: {  	v0 =	vld [tilespmem:s0+$0x144A0];
	[tilespmem:s0+$0x8450] =	vst v6  }
0xa3: {  	v1 =	vld [tilespmem:s0+$0x144B0];
	[tilespmem:s0+$0x8460] =	vst v7  }
0xa4: {  	v3 =	vld [tilespmem:s0+$0x144C0];
	[tilespmem:s0+$0x8480] =	vst v8  }
0xa5: {  	s2 =	simm.s32 $0x0;
	s4 =	simm.s32 $0x400;
	v4 =	vld [tilespmem:s0+$0x144D0];
	[tilespmem:s0+$0x8470] =	vst v5  }
.LBB2_6:
0xa6: {  	s16 =	sshra.s32 s4, $0x2;
	s2 =	sadd.s32 $0x2, s2;
	[tilespmem:s0+$0x8490] =	vst v2;
	v2 =	vld [tilespmem:s0+$0x144E0]  }
0xa7: {  	v5 =	vld [tilespmem:s16+$0x144F0];
	p0 =	slt.u32 s2, $0x7E;
	[tilespmem:s0+$0x84A0] =	vst v0  }
0xa8: {  	v0 =	vld [tilespmem:s16+$0x14400];
	[tilespmem:s0+$0x84B0] =	vst v1  }
0xa9: {  	v1 =	vld [tilespmem:s16+$0x14410];
	[tilespmem:s0+$0x84C0] =	vst v3  }
0xaa: {  	v3 =	vld [tilespmem:s16+$0x14420];
	[tilespmem:s0+$0x84D0] =	vst v4  }
0xab: {  	v4 =	vld [tilespmem:s16+$0x14430];
	[tilespmem:s0+$0x84E0] =	vst v2;
	s0 =	smov.u32 s16  }
0xac: {  	v2 =	vld [tilespmem:s0+$0x14440];
	[tilespmem:s0+$0x84F0] =	vst v5  }
0xad: {  	[tilespmem:s0+$0x8400] =	vst v0;
	v0 =	vld [tilespmem:s0+$0x14450]  }
0xae: {  	[tilespmem:s0+$0x8410] =	vst v1;
	v1 =	vld [tilespmem:s0+$0x14460]  }
0xaf: {  	[tilespmem:s0+$0x8420] =	vst v3;
	v3 =	vld [tilespmem:s0+$0x14470]  }
0xb0: {  	[tilespmem:s0+$0x8430] =	vst v4;
	v4 =	vld [tilespmem:s0+$0x14480]  }
.Ltmp2:
0xb1: {  	[tilespmem:s0+$0x8440] =	vst v2;
	v2 =	vld [tilespmem:s0+$0x14490];
	(pc) =	sbr.rel @p0 .LBB2_6-.Ltmp2, $4  }
0xb2: {  	[tilespmem:s0+$0x8450] =	vst v0;
	v0 =	vld [tilespmem:s0+$0x144A0]  }
0xb3: {  	[tilespmem:s0+$0x8460] =	vst v1;
	v1 =	vld [tilespmem:s0+$0x144B0]  }
0xb4: {  	[tilespmem:s0+$0x8470] =	vst v3;
	v3 =	vld [tilespmem:s0+$0x144C0]  }
0xb5: {  	s4 =	sadd.s32 $0x400, s4;
	[tilespmem:s0+$0x8480] =	vst v4;
	v4 =	vld [tilespmem:s0+$0x144D0]  }
0xb6: {  	[tilespmem:s0+$0x8490] =	vst v2;
	v2 =	vld [tilespmem:s0+$0x144E0]  }
0xb7: {  	[tilespmem:s0+$0x84A0] =	vst v0  }
0xb8: {  	[tilespmem:s0+$0x84B0] =	vst v1  }
0xb9: {  	[tilespmem:s0+$0x84C0] =	vst v3  }
0xba: {  	[tilespmem:s0+$0x84D0] =	vst v4  }
0xbb: {  	s28 =	simm.s32 $0x100;
	[tilespmem:s0+$0x84E0] =	vst v2;
	s0 =	simm.s32 $0x0  }
0xbc: {  	[tilespmem:s24], [sflag:$0x1] =	stream.indirect.gather.add.f32 [hbm:s1], $0x80, s28, s20, $0xb8;
	[tilespmem:$0x1C400] =	vst v63  }
0xbd: {  	v0 =	vld [tilespmem:s0+$0x14400]  }
0xbe: {  	v1 =	vld [tilespmem:s0+$0x14410]  }
0xbf: {  	v2 =	vld [tilespmem:s0+$0x14420]  }
0xc0: {  	v5 =	vld [tilespmem:s0+$0x144F0]  }
0xc1: {  	v3 =	vld [tilespmem:s0+$0x14430]  }
0xc2: {  	v4 =	vld [tilespmem:s0+$0x14440];
	[tilespmem:s0+$0xC400] =	vst v0  }
0xc3: {  	v6 =	vld [tilespmem:s0+$0x14450];
	[tilespmem:s0+$0xC410] =	vst v1  }
0xc4: {  	v7 =	vld [tilespmem:s0+$0x14460];
	[tilespmem:s0+$0xC420] =	vst v2  }
0xc5: {  	v8 =	vld [tilespmem:s0+$0x14480];
	[tilespmem:s0+$0xC4F0] =	vst v5  }
0xc6: {  	v5 =	vld [tilespmem:s0+$0x14470];
	[tilespmem:s0+$0xC430] =	vst v3  }
0xc7: {  	v2 =	vld [tilespmem:s0+$0x14490];
	[tilespmem:s0+$0xC440] =	vst v4  }
0xc8: {  	v0 =	vld [tilespmem:s0+$0x144A0];
	[tilespmem:s0+$0xC450] =	vst v6  }
0xc9: {  	v1 =	vld [tilespmem:s0+$0x144B0];
	[tilespmem:s0+$0xC460] =	vst v7  }
0xca: {  	v3 =	vld [tilespmem:s0+$0x144C0];
	[tilespmem:s0+$0xC480] =	vst v8  }
0xcb: {  	s2 =	simm.s32 $0x0;
	s4 =	simm.s32 $0x400;
	v4 =	vld [tilespmem:s0+$0x144D0];
	[tilespmem:s0+$0xC470] =	vst v5  }
.LBB2_8:
0xcc: {  	s16 =	sshra.s32 s4, $0x2;
	s2 =	sadd.s32 $0x2, s2;
	[tilespmem:s0+$0xC490] =	vst v2;
	v2 =	vld [tilespmem:s0+$0x144E0]  }
0xcd: {  	v5 =	vld [tilespmem:s16+$0x144F0];
	p0 =	slt.u32 s2, $0x7E;
	[tilespmem:s0+$0xC4A0] =	vst v0  }
0xce: {  	v0 =	vld [tilespmem:s16+$0x14400];
	[tilespmem:s0+$0xC4B0] =	vst v1  }
0xcf: {  	v1 =	vld [tilespmem:s16+$0x14410];
	[tilespmem:s0+$0xC4C0] =	vst v3  }
0xd0: {  	v3 =	vld [tilespmem:s16+$0x14420];
	[tilespmem:s0+$0xC4D0] =	vst v4  }
0xd1: {  	v4 =	vld [tilespmem:s16+$0x14430];
	[tilespmem:s0+$0xC4E0] =	vst v2;
	s0 =	smov.u32 s16  }
0xd2: {  	v2 =	vld [tilespmem:s0+$0x14440];
	[tilespmem:s0+$0xC4F0] =	vst v5  }
0xd3: {  	[tilespmem:s0+$0xC400] =	vst v0;
	v0 =	vld [tilespmem:s0+$0x14450]  }
0xd4: {  	[tilespmem:s0+$0xC410] =	vst v1;
	v1 =	vld [tilespmem:s0+$0x14460]  }
0xd5: {  	[tilespmem:s0+$0xC420] =	vst v3;
	v3 =	vld [tilespmem:s0+$0x14470]  }
0xd6: {  	[tilespmem:s0+$0xC430] =	vst v4;
	v4 =	vld [tilespmem:s0+$0x14480]  }
.Ltmp3:
0xd7: {  	[tilespmem:s0+$0xC440] =	vst v2;
	v2 =	vld [tilespmem:s0+$0x14490];
	(pc) =	sbr.rel @p0 .LBB2_8-.Ltmp3, $4  }
0xd8: {  	[tilespmem:s0+$0xC450] =	vst v0;
	v0 =	vld [tilespmem:s0+$0x144A0]  }
0xd9: {  	[tilespmem:s0+$0xC460] =	vst v1;
	v1 =	vld [tilespmem:s0+$0x144B0]  }
0xda: {  	[tilespmem:s0+$0xC470] =	vst v3;
	v3 =	vld [tilespmem:s0+$0x144C0]  }
0xdb: {  	s4 =	sadd.s32 $0x400, s4;
	[tilespmem:s0+$0xC480] =	vst v4;
	v4 =	vld [tilespmem:s0+$0x144D0]  }
0xdc: {  	[tilespmem:s0+$0xC490] =	vst v2;
	v2 =	vld [tilespmem:s0+$0x144E0]  }
0xdd: {  	[tilespmem:s0+$0xC4A0] =	vst v0  }
0xde: {  	[tilespmem:s0+$0xC4B0] =	vst v1  }
0xdf: {  	[tilespmem:s0+$0xC4C0] =	vst v3  }
0xe0: {  	[tilespmem:s0+$0xC4D0] =	vst v4  }
0xe1: {  	s28 =	simm.s32 $0x180;
	[tilespmem:s0+$0xC4E0] =	vst v2  }
0xe2: {  	[tilespmem:s26], [sflag:$0x1] =	stream.indirect.gather.add.f32 [hbm:s1], $0x80, s28, s20, $0xb8;
	[tilespmem:$0x1C400] =	vst v63  }
0xe3: {  	_ =	swait.ge [sflag:s19], $0x4000  }
0xe4: {  	[sflag:s19] =	ssyncset.done $0x0  }
0xe5: {  	s0 =	simm.s32 $0x0;
	[sflag:s19] =	ssyncadd.s32 $0xFFFFC000  }
0xe6: {  	v0 =	vld [tilespmem:s0+$0x18400]  }
0xe7: {  	v1 =	vld [tilespmem:s0+$0x18410]  }
0xe8: {  	v2 =	vld [tilespmem:s0+$0x18420]  }
0xe9: {  	v5 =	vld [tilespmem:s0+$0x184F0]  }
0xea: {  	v3 =	vld [tilespmem:s0+$0x18430]  }
0xeb: {  	v4 =	vld [tilespmem:s0+$0x18440];
	[tilespmem:s0+$0x10400] =	vst v0  }
0xec: {  	v6 =	vld [tilespmem:s0+$0x18450];
	[tilespmem:s0+$0x10410] =	vst v1  }
0xed: {  	v7 =	vld [tilespmem:s0+$0x18460];
	[tilespmem:s0+$0x10420] =	vst v2  }
0xee: {  	v8 =	vld [tilespmem:s0+$0x18480];
	[tilespmem:s0+$0x104F0] =	vst v5  }
0xef: {  	v5 =	vld [tilespmem:s0+$0x18470];
	[tilespmem:s0+$0x10430] =	vst v3  }
0xf0: {  	v2 =	vld [tilespmem:s0+$0x18490];
	[tilespmem:s0+$0x10440] =	vst v4  }
0xf1: {  	v0 =	vld [tilespmem:s0+$0x184A0];
	[tilespmem:s0+$0x10450] =	vst v6  }
0xf2: {  	v1 =	vld [tilespmem:s0+$0x184B0];
	[tilespmem:s0+$0x10460] =	vst v7  }
0xf3: {  	v3 =	vld [tilespmem:s0+$0x184C0];
	[tilespmem:s0+$0x10480] =	vst v8  }
0xf4: {  	s2 =	simm.s32 $0x0;
	s4 =	simm.s32 $0x400;
	v4 =	vld [tilespmem:s0+$0x184D0];
	[tilespmem:s0+$0x10470] =	vst v5  }
.LBB2_10:
0xf5: {  	s16 =	sshra.s32 s4, $0x2;
	s2 =	sadd.s32 $0x2, s2;
	[tilespmem:s0+$0x10490] =	vst v2;
	v2 =	vld [tilespmem:s0+$0x184E0]  }
0xf6: {  	v5 =	vld [tilespmem:s16+$0x184F0];
	p0 =	slt.u32 s2, $0x7E;
	[tilespmem:s0+$0x104A0] =	vst v0  }
0xf7: {  	v0 =	vld [tilespmem:s16+$0x18400];
	[tilespmem:s0+$0x104B0] =	vst v1  }
0xf8: {  	v1 =	vld [tilespmem:s16+$0x18410];
	[tilespmem:s0+$0x104C0] =	vst v3  }
0xf9: {  	v3 =	vld [tilespmem:s16+$0x18420];
	[tilespmem:s0+$0x104D0] =	vst v4  }
0xfa: {  	v4 =	vld [tilespmem:s16+$0x18430];
	[tilespmem:s0+$0x104E0] =	vst v2;
	s0 =	smov.u32 s16  }
0xfb: {  	v2 =	vld [tilespmem:s0+$0x18440];
	[tilespmem:s0+$0x104F0] =	vst v5  }
0xfc: {  	[tilespmem:s0+$0x10400] =	vst v0;
	v0 =	vld [tilespmem:s0+$0x18450]  }
0xfd: {  	[tilespmem:s0+$0x10410] =	vst v1;
	v1 =	vld [tilespmem:s0+$0x18460]  }
0xfe: {  	[tilespmem:s0+$0x10420] =	vst v3;
	v3 =	vld [tilespmem:s0+$0x18470]  }
0xff: {  	[tilespmem:s0+$0x10430] =	vst v4;
	v4 =	vld [tilespmem:s0+$0x18480]  }
.Ltmp4:
0x100: {  	[tilespmem:s0+$0x10440] =	vst v2;
	v2 =	vld [tilespmem:s0+$0x18490];
	(pc) =	sbr.rel @p0 .LBB2_10-.Ltmp4, $4  }
0x101: {  	[tilespmem:s0+$0x10450] =	vst v0;
	v0 =	vld [tilespmem:s0+$0x184A0]  }
0x102: {  	[tilespmem:s0+$0x10460] =	vst v1;
	v1 =	vld [tilespmem:s0+$0x184B0]  }
0x103: {  	[tilespmem:s0+$0x10470] =	vst v3;
	v3 =	vld [tilespmem:s0+$0x184C0]  }
0x104: {  	s4 =	sadd.s32 $0x400, s4;
	[tilespmem:s0+$0x10480] =	vst v4;
	v4 =	vld [tilespmem:s0+$0x184D0]  }
0x105: {  	[tilespmem:s0+$0x10490] =	vst v2;
	v2 =	vld [tilespmem:s0+$0x184E0]  }
0x106: {  	[tilespmem:s0+$0x104A0] =	vst v0  }
0x107: {  	[tilespmem:s0+$0x104B0] =	vst v1  }
0x108: {  	[tilespmem:s0+$0x104C0] =	vst v3  }
0x109: {  	[tilespmem:s0+$0x104D0] =	vst v4  }
0x10a: {  	s25 =	simm.s32 $0x200;
	[tilespmem:s0+$0x104E0] =	vst v2  }
0x10b: {  	[tilespmem:s29], [sflag:$0x1] =	stream.indirect.gather.add.f32 [hbm:s1], $0x80, s25, s20, $0xb8;
	[tilespmem:$0x1C400] =	vst v63  }
0x10c: {  	_ =	swait.ge [sflag:s30], $0x4000  }
0x10d: {  	[sflag:s30] =	ssyncset.done $0x0  }
0x10e: {  	s28 =	simm.s32 $0x0;
	[sflag:s30] =	ssyncadd.s32 $0xFFFFC000  }
0x10f: {  	[hbm4b:s7+s28] =	stream.linear.scatter [tilespmem:s21], [sflag:$0x3], $0x4000, $0x38;
	[tilespmem:$0x1C400] =	vst v63  }
0x110: {  	_ =	swait.ge [sflag:s31], $0x4000  }
0x111: {  	[sflag:s31] =	ssyncset.done $0x0  }
0x112: {  	s0 =	simm.s32 $0x0;
	[sflag:s31] =	ssyncadd.s32 $0xFFFFC000  }
0x113: {  	v0 =	vld [tilespmem:s0+$0x18400]  }
0x114: {  	v1 =	vld [tilespmem:s0+$0x18410]  }
0x115: {  	v2 =	vld [tilespmem:s0+$0x18420]  }
0x116: {  	v5 =	vld [tilespmem:s0+$0x184F0]  }
0x117: {  	v3 =	vld [tilespmem:s0+$0x18430]  }
0x118: {  	v4 =	vld [tilespmem:s0+$0x18440];
	[tilespmem:s0+$0x400] =	vst v0  }
0x119: {  	v6 =	vld [tilespmem:s0+$0x18450];
	[tilespmem:s0+$0x410] =	vst v1  }
0x11a: {  	v7 =	vld [tilespmem:s0+$0x18460];
	[tilespmem:s0+$0x420] =	vst v2  }
0x11b: {  	v8 =	vld [tilespmem:s0+$0x18480];
	[tilespmem:s0+$0x4F0] =	vst v5  }
0x11c: {  	v5 =	vld [tilespmem:s0+$0x18470];
	[tilespmem:s0+$0x430] =	vst v3  }
0x11d: {  	v2 =	vld [tilespmem:s0+$0x18490];
	[tilespmem:s0+$0x440] =	vst v4  }
0x11e: {  	v0 =	vld [tilespmem:s0+$0x184A0];
	[tilespmem:s0+$0x450] =	vst v6  }
0x11f: {  	v1 =	vld [tilespmem:s0+$0x184B0];
	[tilespmem:s0+$0x460] =	vst v7  }
0x120: {  	v3 =	vld [tilespmem:s0+$0x184C0];
	[tilespmem:s0+$0x480] =	vst v8  }
0x121: {  	s2 =	simm.s32 $0x0;
	s4 =	simm.s32 $0x400;
	v4 =	vld [tilespmem:s0+$0x184D0];
	[tilespmem:s0+$0x470] =	vst v5  }
.LBB2_12:
0x122: {  	s16 =	sshra.s32 s4, $0x2;
	s2 =	sadd.s32 $0x2, s2;
	[tilespmem:s0+$0x490] =	vst v2;
	v2 =	vld [tilespmem:s0+$0x184E0]  }
0x123: {  	v5 =	vld [tilespmem:s16+$0x184F0];
	p0 =	slt.u32 s2, $0x7E;
	[tilespmem:s0+$0x4A0] =	vst v0  }
0x124: {  	v0 =	vld [tilespmem:s16+$0x18400];
	[tilespmem:s0+$0x4B0] =	vst v1  }
0x125: {  	v1 =	vld [tilespmem:s16+$0x18410];
	[tilespmem:s0+$0x4C0] =	vst v3  }
0x126: {  	v3 =	vld [tilespmem:s16+$0x18420];
	[tilespmem:s0+$0x4D0] =	vst v4  }
0x127: {  	v4 =	vld [tilespmem:s16+$0x18430];
	[tilespmem:s0+$0x4E0] =	vst v2;
	s0 =	smov.u32 s16  }
0x128: {  	v2 =	vld [tilespmem:s0+$0x18440];
	[tilespmem:s0+$0x4F0] =	vst v5  }
0x129: {  	[tilespmem:s0+$0x400] =	vst v0;
	v0 =	vld [tilespmem:s0+$0x18450]  }
0x12a: {  	[tilespmem:s0+$0x410] =	vst v1;
	v1 =	vld [tilespmem:s0+$0x18460]  }
0x12b: {  	[tilespmem:s0+$0x420] =	vst v3;
	v3 =	vld [tilespmem:s0+$0x18470]  }
0x12c: {  	[tilespmem:s0+$0x430] =	vst v4;
	v4 =	vld [tilespmem:s0+$0x18480]  }
.Ltmp5:
0x12d: {  	[tilespmem:s0+$0x440] =	vst v2;
	v2 =	vld [tilespmem:s0+$0x18490];
	(pc) =	sbr.rel @p0 .LBB2_12-.Ltmp5, $4  }
0x12e: {  	[tilespmem:s0+$0x450] =	vst v0;
	v0 =	vld [tilespmem:s0+$0x184A0]  }
0x12f: {  	[tilespmem:s0+$0x460] =	vst v1;
	v1 =	vld [tilespmem:s0+$0x184B0]  }
0x130: {  	[tilespmem:s0+$0x470] =	vst v3;
	v3 =	vld [tilespmem:s0+$0x184C0]  }
0x131: {  	s4 =	sadd.s32 $0x400, s4;
	[tilespmem:s0+$0x480] =	vst v4;
	v4 =	vld [tilespmem:s0+$0x184D0]  }
0x132: {  	[tilespmem:s0+$0x490] =	vst v2;
	v2 =	vld [tilespmem:s0+$0x184E0]  }
0x133: {  	[tilespmem:s0+$0x4A0] =	vst v0  }
0x134: {  	[tilespmem:s0+$0x4B0] =	vst v1  }
0x135: {  	[tilespmem:s0+$0x4C0] =	vst v3  }
0x136: {  	[tilespmem:s0+$0x4D0] =	vst v4  }
0x137: {  	s25 =	simm.s32 $0x280;
	[tilespmem:s0+$0x4E0] =	vst v2  }
0x138: {  	[tilespmem:s21], [sflag:$0x1] =	stream.indirect.gather.add.f32 [hbm:s1], $0x80, s25, s20, $0xb8;
	[tilespmem:$0x1C400] =	vst v63  }
0x139: {  	_ =	swait.ge [sflag:s30], $0x4000  }
0x13a: {  	[sflag:s30] =	ssyncset.done $0x0  }
0x13b: {  	s28 =	simm.s32 $0x0;
	[sflag:s30] =	ssyncadd.s32 $0xFFFFC000  }
0x13c: {  	[hbm4b:s8+s28] =	stream.linear.scatter [tilespmem:s22], [sflag:$0x3], $0x4000, $0x38;
	[tilespmem:$0x1C400] =	vst v63  }
0x13d: {  	_ =	swait.ge [sflag:s31], $0x4000  }
0x13e: {  	[sflag:s31] =	ssyncset.done $0x0  }
0x13f: {  	s0 =	simm.s32 $0x0;
	[sflag:s31] =	ssyncadd.s32 $0xFFFFC000  }
0x140: {  	v0 =	vld [tilespmem:s0+$0x18400]  }
0x141: {  	v1 =	vld [tilespmem:s0+$0x18410]  }
0x142: {  	v2 =	vld [tilespmem:s0+$0x18420]  }
0x143: {  	v5 =	vld [tilespmem:s0+$0x184F0]  }
0x144: {  	v3 =	vld [tilespmem:s0+$0x18430]  }
0x145: {  	v4 =	vld [tilespmem:s0+$0x18440];
	[tilespmem:s0+$0x4400] =	vst v0  }
0x146: {  	v6 =	vld [tilespmem:s0+$0x18450];
	[tilespmem:s0+$0x4410] =	vst v1  }
0x147: {  	v7 =	vld [tilespmem:s0+$0x18460];
	[tilespmem:s0+$0x4420] =	vst v2  }
0x148: {  	v8 =	vld [tilespmem:s0+$0x18480];
	[tilespmem:s0+$0x44F0] =	vst v5  }
0x149: {  	v5 =	vld [tilespmem:s0+$0x18470];
	[tilespmem:s0+$0x4430] =	vst v3  }
0x14a: {  	v2 =	vld [tilespmem:s0+$0x18490];
	[tilespmem:s0+$0x4440] =	vst v4  }
0x14b: {  	v0 =	vld [tilespmem:s0+$0x184A0];
	[tilespmem:s0+$0x4450] =	vst v6  }
0x14c: {  	v1 =	vld [tilespmem:s0+$0x184B0];
	[tilespmem:s0+$0x4460] =	vst v7  }
0x14d: {  	v3 =	vld [tilespmem:s0+$0x184C0];
	[tilespmem:s0+$0x4480] =	vst v8  }
0x14e: {  	s2 =	simm.s32 $0x0;
	s4 =	simm.s32 $0x400;
	v4 =	vld [tilespmem:s0+$0x184D0];
	[tilespmem:s0+$0x4470] =	vst v5  }
.LBB2_14:
0x14f: {  	s16 =	sshra.s32 s4, $0x2;
	s2 =	sadd.s32 $0x2, s2;
	[tilespmem:s0+$0x4490] =	vst v2;
	v2 =	vld [tilespmem:s0+$0x184E0]  }
0x150: {  	v5 =	vld [tilespmem:s16+$0x184F0];
	p0 =	slt.u32 s2, $0x7E;
	[tilespmem:s0+$0x44A0] =	vst v0  }
0x151: {  	v0 =	vld [tilespmem:s16+$0x18400];
	[tilespmem:s0+$0x44B0] =	vst v1  }
0x152: {  	v1 =	vld [tilespmem:s16+$0x18410];
	[tilespmem:s0+$0x44C0] =	vst v3  }
0x153: {  	v3 =	vld [tilespmem:s16+$0x18420];
	[tilespmem:s0+$0x44D0] =	vst v4  }
0x154: {  	v4 =	vld [tilespmem:s16+$0x18430];
	[tilespmem:s0+$0x44E0] =	vst v2;
	s0 =	smov.u32 s16  }
0x155: {  	v2 =	vld [tilespmem:s0+$0x18440];
	[tilespmem:s0+$0x44F0] =	vst v5  }
0x156: {  	[tilespmem:s0+$0x4400] =	vst v0;
	v0 =	vld [tilespmem:s0+$0x18450]  }
0x157: {  	[tilespmem:s0+$0x4410] =	vst v1;
	v1 =	vld [tilespmem:s0+$0x18460]  }
0x158: {  	[tilespmem:s0+$0x4420] =	vst v3;
	v3 =	vld [tilespmem:s0+$0x18470]  }
0x159: {  	[tilespmem:s0+$0x4430] =	vst v4;
	v4 =	vld [tilespmem:s0+$0x18480]  }
.Ltmp6:
0x15a: {  	[tilespmem:s0+$0x4440] =	vst v2;
	v2 =	vld [tilespmem:s0+$0x18490];
	(pc) =	sbr.rel @p0 .LBB2_14-.Ltmp6, $4  }
0x15b: {  	[tilespmem:s0+$0x4450] =	vst v0;
	v0 =	vld [tilespmem:s0+$0x184A0]  }
0x15c: {  	[tilespmem:s0+$0x4460] =	vst v1;
	v1 =	vld [tilespmem:s0+$0x184B0]  }
0x15d: {  	[tilespmem:s0+$0x4470] =	vst v3;
	v3 =	vld [tilespmem:s0+$0x184C0]  }
0x15e: {  	s4 =	sadd.s32 $0x400, s4;
	[tilespmem:s0+$0x4480] =	vst v4;
	v4 =	vld [tilespmem:s0+$0x184D0]  }
0x15f: {  	[tilespmem:s0+$0x4490] =	vst v2;
	v2 =	vld [tilespmem:s0+$0x184E0]  }
0x160: {  	[tilespmem:s0+$0x44A0] =	vst v0  }
0x161: {  	[tilespmem:s0+$0x44B0] =	vst v1  }
0x162: {  	[tilespmem:s0+$0x44C0] =	vst v3  }
0x163: {  	[tilespmem:s0+$0x44D0] =	vst v4  }
0x164: {  	s25 =	simm.s32 $0x300;
	[tilespmem:s0+$0x44E0] =	vst v2  }
0x165: {  	[tilespmem:s22], [sflag:$0x1] =	stream.indirect.gather.add.f32 [hbm:s1], $0x80, s25, s20, $0xb8;
	[tilespmem:$0x1C400] =	vst v63  }
0x166: {  	_ =	swait.ge [sflag:s30], $0x4000  }
0x167: {  	[sflag:s30] =	ssyncset.done $0x0  }
0x168: {  	s28 =	simm.s32 $0x0;
	[sflag:s30] =	ssyncadd.s32 $0xFFFFC000  }
0x169: {  	[hbm4b:s9+s28] =	stream.linear.scatter [tilespmem:s24], [sflag:$0x3], $0x4000, $0x38;
	[tilespmem:$0x1C400] =	vst v63  }
0x16a: {  	_ =	swait.ge [sflag:s31], $0x4000  }
0x16b: {  	[sflag:s31] =	ssyncset.done $0x0  }
0x16c: {  	s0 =	simm.s32 $0x0;
	[sflag:s31] =	ssyncadd.s32 $0xFFFFC000  }
0x16d: {  	v0 =	vld [tilespmem:s0+$0x18400]  }
0x16e: {  	v1 =	vld [tilespmem:s0+$0x18410]  }
0x16f: {  	v2 =	vld [tilespmem:s0+$0x18420]  }
0x170: {  	v5 =	vld [tilespmem:s0+$0x184F0]  }
0x171: {  	v3 =	vld [tilespmem:s0+$0x18430]  }
0x172: {  	v4 =	vld [tilespmem:s0+$0x18440];
	[tilespmem:s0+$0x8400] =	vst v0  }
0x173: {  	v6 =	vld [tilespmem:s0+$0x18450];
	[tilespmem:s0+$0x8410] =	vst v1  }
0x174: {  	v7 =	vld [tilespmem:s0+$0x18460];
	[tilespmem:s0+$0x8420] =	vst v2  }
0x175: {  	v8 =	vld [tilespmem:s0+$0x18480];
	[tilespmem:s0+$0x84F0] =	vst v5  }
0x176: {  	v5 =	vld [tilespmem:s0+$0x18470];
	[tilespmem:s0+$0x8430] =	vst v3  }
0x177: {  	v2 =	vld [tilespmem:s0+$0x18490];
	[tilespmem:s0+$0x8440] =	vst v4  }
0x178: {  	v0 =	vld [tilespmem:s0+$0x184A0];
	[tilespmem:s0+$0x8450] =	vst v6  }
0x179: {  	v1 =	vld [tilespmem:s0+$0x184B0];
	[tilespmem:s0+$0x8460] =	vst v7  }
0x17a: {  	v3 =	vld [tilespmem:s0+$0x184C0];
	[tilespmem:s0+$0x8480] =	vst v8  }
0x17b: {  	s2 =	simm.s32 $0x0;
	s4 =	simm.s32 $0x400;
	v4 =	vld [tilespmem:s0+$0x184D0];
	[tilespmem:s0+$0x8470] =	vst v5  }
.LBB2_16:
0x17c: {  	s16 =	sshra.s32 s4, $0x2;
	s2 =	sadd.s32 $0x2, s2;
	[tilespmem:s0+$0x8490] =	vst v2;
	v2 =	vld [tilespmem:s0+$0x184E0]  }
0x17d: {  	v5 =	vld [tilespmem:s16+$0x184F0];
	p0 =	slt.u32 s2, $0x7E;
	[tilespmem:s0+$0x84A0] =	vst v0  }
0x17e: {  	v0 =	vld [tilespmem:s16+$0x18400];
	[tilespmem:s0+$0x84B0] =	vst v1  }
0x17f: {  	v1 =	vld [tilespmem:s16+$0x18410];
	[tilespmem:s0+$0x84C0] =	vst v3  }
0x180: {  	v3 =	vld [tilespmem:s16+$0x18420];
	[tilespmem:s0+$0x84D0] =	vst v4  }
0x181: {  	v4 =	vld [tilespmem:s16+$0x18430];
	[tilespmem:s0+$0x84E0] =	vst v2;
	s0 =	smov.u32 s16  }
0x182: {  	v2 =	vld [tilespmem:s0+$0x18440];
	[tilespmem:s0+$0x84F0] =	vst v5  }
0x183: {  	[tilespmem:s0+$0x8400] =	vst v0;
	v0 =	vld [tilespmem:s0+$0x18450]  }
0x184: {  	[tilespmem:s0+$0x8410] =	vst v1;
	v1 =	vld [tilespmem:s0+$0x18460]  }
0x185: {  	[tilespmem:s0+$0x8420] =	vst v3;
	v3 =	vld [tilespmem:s0+$0x18470]  }
0x186: {  	[tilespmem:s0+$0x8430] =	vst v4;
	v4 =	vld [tilespmem:s0+$0x18480]  }
.Ltmp7:
0x187: {  	[tilespmem:s0+$0x8440] =	vst v2;
	v2 =	vld [tilespmem:s0+$0x18490];
	(pc) =	sbr.rel @p0 .LBB2_16-.Ltmp7, $4  }
0x188: {  	[tilespmem:s0+$0x8450] =	vst v0;
	v0 =	vld [tilespmem:s0+$0x184A0]  }
0x189: {  	[tilespmem:s0+$0x8460] =	vst v1;
	v1 =	vld [tilespmem:s0+$0x184B0]  }
0x18a: {  	[tilespmem:s0+$0x8470] =	vst v3;
	v3 =	vld [tilespmem:s0+$0x184C0]  }
0x18b: {  	s4 =	sadd.s32 $0x400, s4;
	[tilespmem:s0+$0x8480] =	vst v4;
	v4 =	vld [tilespmem:s0+$0x184D0]  }
0x18c: {  	[tilespmem:s0+$0x8490] =	vst v2;
	v63 =	vld [tilespmem:s0+$0x184E0]  }
0x18d: {  	[tilespmem:s0+$0x84A0] =	vst v0  }
0x18e: {  	[tilespmem:s0+$0x84B0] =	vst v1  }
0x18f: {  	[tilespmem:s0+$0x84C0] =	vst v3  }
0x190: {  	[tilespmem:s0+$0x84D0] =	vst v4  }
0x191: {  	s28 =	simm.s32 $0x380;
	[tilespmem:s0+$0x84E0] =	vst v63  }
0x192: {  	[tilespmem:s24], [sflag:$0x1] =	stream.indirect.gather.add.f32 [hbm:s1], $0x80, s28, s20, $0xb8;
	[tilespmem:$0x1C400] =	vst v63  }
0x193: {  	_ =	swait.ge [sflag:s30], $0x4000  }
0x194: {  	[sflag:s30] =	ssyncset.done $0x0  }
0x195: {  	[sflag:s30] =	ssyncadd.s32 $0xFFFFC000  }
0x196: {  	[hbm4b:s10+s3] =	stream.linear.scatter [tilespmem:s26], [sflag:$0x3], $0x4000, $0x38;
	[tilespmem:$0x1C400] =	vst v63  }
0x197: {  	_ =	swait.ge [sflag:s30], $0x4000  }
0x198: {  	[sflag:s30] =	ssyncset.done $0x0  }
0x199: {  	[sflag:s30] =	ssyncadd.s32 $0xFFFFC000  }
0x19a: {  	[hbm4b:s11+s3] =	stream.linear.scatter [tilespmem:s29], [sflag:$0x3], $0x4000, $0x38;
	[tilespmem:$0x1C400] =	vst v63  }
0x19b: {  	_ =	swait.ge [sflag:s30], $0x4000  }
0x19c: {  	[sflag:s30] =	ssyncset.done $0x0  }
0x19d: {  	[sflag:s30] =	ssyncadd.s32 $0xFFFFC000  }
0x19e: {  	[hbm4b:s12+s3] =	stream.linear.scatter [tilespmem:s21], [sflag:$0x3], $0x4000, $0x38;
	[tilespmem:$0x1C400] =	vst v63  }
0x19f: {  	_ =	swait.ge [sflag:s30], $0x4000  }
0x1a0: {  	[sflag:s30] =	ssyncset.done $0x0  }
0x1a1: {  	[sflag:s30] =	ssyncadd.s32 $0xFFFFC000  }
0x1a2: {  	[hbm4b:s13+s3] =	stream.linear.scatter [tilespmem:s22], [sflag:$0x3], $0x4000, $0x38;
	[tilespmem:$0x1C400] =	vst v63  }
0x1a3: {  	_ =	swait.ge [sflag:s30], $0x4000  }
0x1a4: {  	[sflag:s30] =	ssyncset.done $0x0  }
0x1a5: {  	[sflag:s30] =	ssyncadd.s32 $0xFFFFC000  }
0x1a6: {  	[hbm4b:s14+s3] =	stream.linear.scatter [tilespmem:s24], [sflag:$0x3], $0x4000, $0x38;
	[tilespmem:$0x1C400] =	vst v63  }
0x1a7: {  	_ =	swait.ge [sflag:s31], $0x4000  }
0x1a8: {  	[sflag:s31] =	ssyncset.done $0x0  }
0x1a9: {  	[sflag:s31] =	ssyncadd.s32 $0xFFFFC000  }
0x1aa: {  	_ =	swait.ge [sflag:s31], $0x4000  }
0x1ab: {  	[sflag:s31] =	ssyncset.done $0x0  }
0x1ac: {  	[sflag:s31] =	ssyncadd.s32 $0xFFFFC000  }
0x1ad: {  	_ =	swait.ge [sflag:s31], $0x4000  }
0x1ae: {  	[sflag:s31] =	ssyncset.done $0x0  }
0x1af: {  	s17 =	sadd.s32 $0x1, s17;
	[sflag:s31] =	ssyncadd.s32 $0xFFFFC000  }
0x1b0: {  	p0 =	sne.s32 s17, s15;
	_ =	swait.ge [sflag:s31], $0x4000  }
.Ltmp8:
0x1b1: {  	[sflag:s31] =	ssyncset.done $0x0;
	(pc) =	sbr.rel @p0 .LBB2_1-.Ltmp8, $4  }
0x1b2: {  	[sflag:s31] =	ssyncadd.s32 $0xFFFFC000  }
0x1b3: {  	_ =	swait.ge [sflag:s31], $0x4000  }
0x1b4: {  	[sflag:s31] =	ssyncset.done $0x0  }
0x1b5: {  	[sflag:s31] =	ssyncadd.s32 $0xFFFFC000  }
0x1b6: {  	_ =	sfence.sel $0x180000  }
0x1b7: {  	[bflag:$0x0] =	sbarrier.arrive $0xFFFF  }
0x1b8: {  	_ =	strace $0x90000047  }
0x1b9: {  	s0 =	stileid.u32;
	[bflag:$0x2] =	sbarrier.arrive $0xFFFF  }
0x1ba: {  	p0 =	sne.s32 s0, $0x0;
	s0 =	rddreg [dreg:$0x4]  }
0x1bb: {  	s0 =	sadd.s32 @!p0 $0x100000, s0  }
0x1bc: {  	[sflag:s0] =	ssyncadd.tile.s32 @!p0 $0x1;
	_ =	shalt  }
.Lfunc_end2:
_tile_overlayer_lowered:
.L_overlay_start_2:
0x1bd: {  	(tag) =	ssettag $0x2  }
0x1be: {  	s0 =	rddreg [dreg:$0x0];
	s2 =	stileid.u32  }
0x1bf: {  	s1 =	rddreg [dreg:$0x1];
	p0 =	sne.s32 s2, $0x0  }
0x1c0: {  	s3 =	rddreg [dreg:$0x2];
	[bflag:$0x3] =	sbarrier.arrive $0xFFFF;
	s2 =	simm.s32 @!p0 $0x1C04  }
0x1c1: {  	[timem:s3], [sflag:s2] =	dma.local @!p0 [hbm:s0], s1  }
0x1c2: {  	s0 =	simm.s32 @!p0 $0x4  }
0x1c3: {  	_ =	swait.ge @!p0 [sflag:s0], s1  }
0x1c4: {  	s1 =	ssub.s32 @!p0 $0x0, s1;
	[sflag:s0] =	ssyncset.done @!p0 $0x0  }
0x1c5: {  	[sflag:s0] =	ssyncadd.s32 @!p0 s1  }
0x1c6: {  	[bflag:$0x3] =	sbarrier.arrive $0xFFFF  }
0x1c7: {  	_ =	shalt  }

</sc_bundles>
